<compile_context>
chip_gen: v7x
topology: tpu7x:2x2x1
jax: 0.10.2.dev20260603
libtpu: 0.0.44.dev20260713+nightly
codegen_flags: <defaults>
</compile_context>

<pallas_src>
import functools

import jax
import jax.numpy as jnp
from jax.experimental import pallas as pl

EPS_BN = 1e-5
BIG = 1e30



def _fps_body(xyzt_ref, out_ref, *, npoint):
    B, _, N = xyzt_ref.shape
    xyz = xyzt_ref[...]
    iota_n = jax.lax.broadcasted_iota(jnp.int32, (B, N), 1)
    iota_p = jax.lax.broadcasted_iota(jnp.int32, (B, npoint), 1)

    def body(i, state):
        distance, farthest, acc = state
        oh = (iota_n == farthest).astype(jnp.float32)
        centroid = jnp.sum(oh[:, None, :] * xyz, axis=2)
        slot = (iota_p == i).astype(jnp.float32)
        acc = acc + centroid[:, :, None] * slot[:, None, :]
        d = jnp.sum((xyz - centroid[:, :, None]) ** 2, axis=1)
        distance = jnp.minimum(distance, d)
        farthest = jnp.argmax(distance, axis=1).astype(jnp.int32)[:, None]
        return distance, farthest, acc

    distance0 = jnp.full((B, N), 1e10, jnp.float32)
    farthest0 = jnp.zeros((B, 1), jnp.int32)
    acc0 = jnp.zeros((B, 3, npoint), jnp.float32)
    _, _, acc = jax.lax.fori_loop(0, npoint, body, (distance0, farthest0, acc0))
    out_ref[...] = acc


def _fps(xyzt, npoint, interpret=False):
    B = xyzt.shape[0]
    return pl.pallas_call(
        functools.partial(_fps_body, npoint=npoint),
        out_shape=jax.ShapeDtypeStruct((B, 3, npoint), jnp.float32),
        interpret=interpret,
    )(xyzt)



def _bq_body(new_ref, dist_ref, F_ref, out_ref, *, r2, K, Nc, c_feat):
    Sc = new_ref.shape[1]
    N = dist_ref.shape[2]
    C = F_ref.shape[2]
    new = new_ref[0]
    dist = dist_ref[0]
    mask = dist <= r2
    maskf = mask.astype(jnp.float32)

    ut = (jax.lax.broadcasted_iota(jnp.int32, (Nc, Nc), 0)
          < jax.lax.broadcasted_iota(jnp.int32, (Nc, Nc), 1)).astype(jnp.float32)
    ranks = []
    carry = jnp.zeros((Sc, 1), jnp.float32)
    for c in range(N // Nc):
        mc = maskf[:, c * Nc:(c + 1) * Nc]
        ranks.append(jnp.dot(mc, ut, preferred_element_type=jnp.float32) + carry)
        carry = carry + jnp.sum(mc, axis=1, keepdims=True)
    rank = jnp.concatenate(ranks, axis=1)
    count = carry

    kio = jax.lax.broadcasted_iota(jnp.int32, (1, K, 1), 1).astype(jnp.float32)
    H3 = (rank[:, None, :] == kio) & mask[:, None, :]
    H = H3.reshape(Sc * K, N).astype(jnp.float32)
    g3 = jnp.dot(H, F_ref[0], preferred_element_type=jnp.float32,
                 precision=jax.lax.Precision.HIGHEST).reshape(Sc, K, C)

    padf = (jax.lax.broadcasted_iota(jnp.int32, (Sc, K), 1).astype(jnp.float32)
            >= count).astype(jnp.float32)
    g3 = g3 + padf[:, :, None] * g3[:, 0:1, :]
    zflag = (count == 0.0).astype(jnp.float32)
    g3 = g3 + zflag[:, :, None] * F_ref[0, N - 1, :][None, None, :]

    if c_feat == 0:
        g3 = g3 - new[:, None, :]
    else:
        gx = g3[:, :, c_feat:] - new[:, None, :]
        g3 = jnp.concatenate([g3[:, :, :c_feat], gx], axis=-1)
    out_ref[...] = g3.reshape(out_ref.shape)


def _bq_gather(new_xyz, dists, F, r2, K, Sc=16, Nc=256, interpret=False):
    B, S, N = dists.shape
    C = F.shape[2]
    nsc = S // Sc
    grid = (B, nsc)
    return pl.pallas_call(
        functools.partial(_bq_body, r2=r2, K=K, Nc=Nc, c_feat=C - 3),
        grid=grid,
        in_specs=[
            pl.BlockSpec((1, Sc, 3), lambda b, s: (b, s, 0)),
            pl.BlockSpec((1, Sc, N), lambda b, s: (b, s, 0)),
            pl.BlockSpec((1, N, C), lambda b, s: (b, 0, 0)),
        ],
        out_specs=pl.BlockSpec((1, Sc, K, C), lambda b, s: (b, s, 0, 0)),
        out_shape=jax.ShapeDtypeStruct((B, S, K, C), jnp.float32),
        interpret=interpret,
    )(new_xyz, dists, F)



def _dot_xla(x, w):
    K = x.shape[1]
    if K <= 512:
        return jnp.dot(x, w, preferred_element_type=jnp.float32)
    cuts = [(c, min(c + 256, K)) for c in range(0, K, 256)]
    acc = None
    for a, b in reversed(cuts):
        p = jnp.dot(x[:, a:b], w[a:b, :], preferred_element_type=jnp.float32)
        acc = p if acc is None else acc + p
    return acc


def _flat(x):
    rows = 1
    for s in x.shape[:-1]:
        rows *= s
    return x.reshape(rows, x.shape[-1])


def _lin0_body(x_ref, w_ref, b_ref, z_ref):
    z = _dot_xla(_flat(x_ref[...]), w_ref[...]) + b_ref[...]
    z_ref[...] = z.reshape(z_ref.shape)


def _affine(z, m_ref, v_ref, g_ref, bt_ref):
    return jnp.maximum(
        g_ref[...] * (z - m_ref[...]) / jnp.sqrt(v_ref[...] + EPS_BN)
        + bt_ref[...], 0.0)


def _mid_body(z_ref, m_ref, v_ref, g_ref, bt_ref, w_ref, b_ref, z2_ref):
    y = _affine(_flat(z_ref[...]), m_ref, v_ref, g_ref, bt_ref)
    z2 = _dot_xla(y, w_ref[...]) + b_ref[...]
    z2_ref[...] = z2.reshape(z2_ref.shape)


def _fin_body(z_ref, m_ref, v_ref, g_ref, bt_ref, o_ref, *, maxpool):
    y = _affine(_flat(z_ref[...]), m_ref, v_ref, g_ref, bt_ref)
    if maxpool is None:
        o_ref[...] = y.reshape(o_ref.shape)
    else:
        T, C = y.shape
        o_ref[...] = jnp.max(y.reshape(T // maxpool, maxpool, C),
                             axis=1).reshape(o_ref.shape)


def _finhead_body(z_ref, m_ref, v_ref, g_ref, bt_ref, ws_ref, bs_ref,
                  wc_ref, bc_ref, seg_ref, coord_ref):
    y = _affine(_flat(z_ref[...]), m_ref, v_ref, g_ref, bt_ref)
    seg = jnp.dot(y, ws_ref[...], preferred_element_type=jnp.float32) + bs_ref[...]
    coord = jnp.dot(y, wc_ref[...], preferred_element_type=jnp.float32) + bc_ref[...]
    seg_ref[...] = seg.reshape(seg_ref.shape)
    coord_ref[...] = coord.reshape(coord_ref.shape)


def _row2(v):
    return v.reshape(1, -1)


def _tile(R):
    return min(R, 2048)


def _blk(shape):
    C = shape[-1]
    if len(shape) == 4:
        B, S, K, _ = shape
        Sc = max(1, min(S, 2048 // K))
        return (B, S // Sc), (1, Sc, K, C), (lambda b, s: (b, s, 0, 0))
    B, Nn, _ = shape
    T = min(Nn, 2048)
    return (B, Nn // T), (1, T, C), (lambda b, t: (b, t, 0))


def _pspec(shape, grid_rank):
    return pl.BlockSpec(shape, lambda *i: tuple(0 for _ in shape))


def _lin0(x, p, interpret=False):
    Cin = x.shape[-1]
    C = p['w'].shape[1]
    grid, blk, imap = _blk(x.shape)
    oshape = x.shape[:-1] + (C,)
    _, oblk, oimap = _blk(oshape)
    return pl.pallas_call(
        _lin0_body,
        grid=grid,
        in_specs=[
            pl.BlockSpec(blk, imap),
            _pspec((Cin, C), len(grid)),
            _pspec((1, C), len(grid)),
        ],
        out_specs=pl.BlockSpec(oblk, oimap),
        out_shape=jax.ShapeDtypeStruct(oshape, jnp.float32),
        interpret=interpret,
    )(x, p['w'], _row2(p['b']))


def _mid(z, m, v, p_bn, p_lin, interpret=False):
    Cin = z.shape[-1]
    C = p_lin['w'].shape[1]
    grid, blk, imap = _blk(z.shape)
    oshape = z.shape[:-1] + (C,)
    _, oblk, oimap = _blk(oshape)
    return pl.pallas_call(
        _mid_body,
        grid=grid,
        in_specs=[
            pl.BlockSpec(blk, imap),
            _pspec((1, Cin), len(grid)),
            _pspec((1, Cin), len(grid)),
            _pspec((1, Cin), len(grid)),
            _pspec((1, Cin), len(grid)),
            _pspec((Cin, C), len(grid)),
            _pspec((1, C), len(grid)),
        ],
        out_specs=pl.BlockSpec(oblk, oimap),
        out_shape=jax.ShapeDtypeStruct(oshape, jnp.float32),
        interpret=interpret,
    )(z, m, v, _row2(p_bn['gamma']), _row2(p_bn['beta']), p_lin['w'],
      _row2(p_lin['b']))


def _fin(z, m, v, p_bn, maxpool=None, interpret=False):
    C = z.shape[-1]
    grid, blk, imap = _blk(z.shape)
    if maxpool is None:
        oshape = z.shape
        oblk, oimap = blk, imap
    else:
        oshape = (z.shape[0], z.shape[1], C)
        oblk = (1, blk[1], C)
        oimap = lambda b, s: (b, s, 0)
    return pl.pallas_call(
        functools.partial(_fin_body, maxpool=maxpool),
        grid=grid,
        in_specs=[
            pl.BlockSpec(blk, imap),
            _pspec((1, C), len(grid)),
            _pspec((1, C), len(grid)),
            _pspec((1, C), len(grid)),
            _pspec((1, C), len(grid)),
        ],
        out_specs=pl.BlockSpec(oblk, oimap),
        out_shape=jax.ShapeDtypeStruct(oshape, jnp.float32),
        interpret=interpret,
    )(z, m, v, _row2(p_bn['gamma']), _row2(p_bn['beta']))


def _finhead(z, m, v, p_bn, p_seg, p_coord, interpret=False):
    C = z.shape[-1]
    grid, blk, imap = _blk(z.shape)
    oshape = z.shape[:-1] + (3,)
    oblk = blk[:-1] + (3,)
    return pl.pallas_call(
        _finhead_body,
        grid=grid,
        in_specs=[
            pl.BlockSpec(blk, imap),
            _pspec((1, C), len(grid)),
            _pspec((1, C), len(grid)),
            _pspec((1, C), len(grid)),
            _pspec((1, C), len(grid)),
            _pspec((C, 3), len(grid)),
            _pspec((1, 3), len(grid)),
            _pspec((C, 3), len(grid)),
            _pspec((1, 3), len(grid)),
        ],
        out_specs=[
            pl.BlockSpec(oblk, imap),
            pl.BlockSpec(oblk, imap),
        ],
        out_shape=[
            jax.ShapeDtypeStruct(oshape, jnp.float32),
            jax.ShapeDtypeStruct(oshape, jnp.float32),
        ],
        interpret=interpret,
    )(z, m, v, _row2(p_bn['gamma']), _row2(p_bn['beta']), p_seg['w'],
      _row2(p_seg['b']), p_coord['w'], _row2(p_coord['b']))


def _stats(z):
    C = z.shape[-1]
    ax = tuple(range(z.ndim - 1))
    return (jnp.mean(z, axis=ax).reshape(1, C),
            jnp.var(z, axis=ax).reshape(1, C))


def _chain(x, layers, maxpool=None, interpret=False):
    z = _lin0(x, layers[0], interpret=interpret)
    m, v = _stats(z)
    for i in range(1, len(layers)):
        z = _mid(z, m, v, layers[i - 1], layers[i], interpret=interpret)
        m, v = _stats(z)
    return _fin(z, m, v, layers[-1], maxpool=maxpool, interpret=interpret)



def _interp_body(idx_ref, w_ref, p2_ref, out_ref):
    idx = idx_ref[0]
    w = w_ref[0]
    p2 = p2_ref[0]
    N1 = idx.shape[0]
    N2 = p2.shape[0]
    iota2 = jax.lax.broadcasted_iota(jnp.int32, (N1, N2), 1)
    out = jnp.zeros((N1, p2.shape[1]), out_ref.dtype)
    for k in range(3):
        oh = (iota2 == idx[:, k:k + 1]).astype(jnp.float32)
        out = out + w[:, k:k + 1] * jnp.dot(
            oh, p2, preferred_element_type=jnp.float32,
            precision=jax.lax.Precision.HIGHEST)
    out_ref[...] = out.reshape(out_ref.shape)


def _interp3(idx, w, points2, interpret=False):
    B, N1, _ = idx.shape
    N2, C2 = points2.shape[1], points2.shape[2]
    return pl.pallas_call(
        _interp_body,
        grid=(B,),
        in_specs=[
            pl.BlockSpec((1, N1, 3), lambda b: (b, 0, 0)),
            pl.BlockSpec((1, N1, 3), lambda b: (b, 0, 0)),
            pl.BlockSpec((1, N2, C2), lambda b: (b, 0, 0)),
        ],
        out_specs=pl.BlockSpec((1, N1, C2), lambda b: (b, 0, 0)),
        out_shape=jax.ShapeDtypeStruct((B, N1, C2), jnp.float32),
        interpret=interpret,
    )(idx, w, points2)


def _sqdist(src, dst):
    dist = -2.0 * jnp.matmul(src, dst.transpose(0, 2, 1))
    dist = dist + jnp.sum(src ** 2, -1)[:, :, None]
    dist = dist + jnp.sum(dst ** 2, -1)[:, None, :]
    return dist


def _knn3(xyz1, xyz2):
    dists = _sqdist(xyz1, xyz2)
    negd, idx = jax.lax.top_k(-dists, 3)
    dist_recip = 1.0 / (-negd + 1e-8)
    weight = dist_recip / jnp.sum(dist_recip, -1, keepdims=True)
    return idx.astype(jnp.int32), weight



def kernel(xyz, params, interpret=False):
    B, N, _ = xyz.shape
    xyzT = jnp.transpose(xyz, (0, 2, 1))

    S1 = 512
    l1_xyzT = _fps(xyzT, S1, interpret=interpret)
    l1_xyz = jnp.transpose(l1_xyzT, (0, 2, 1))
    d1 = _sqdist(l1_xyz, xyz)
    outs = []
    for (r, K), layers in zip([(0.1, 32), (0.2, 64)], params['sa1']):
        g = _bq_gather(l1_xyz, d1, xyz, r * r, K, interpret=interpret)
        outs.append(_chain(g, layers, maxpool=K, interpret=interpret))
    l1_points3 = jnp.concatenate(outs, axis=-1)

    S2 = 128
    l2_xyzT = _fps(l1_xyzT, S2, interpret=interpret)
    l2_xyz = jnp.transpose(l2_xyzT, (0, 2, 1))
    F2 = jnp.concatenate([l1_points3, l1_xyz], axis=-1)
    d2 = _sqdist(l2_xyz, l1_xyz)
    outs = []
    for (r, K), layers in zip([(0.4, 32), (0.8, 64)], params['sa2']):
        g = _bq_gather(l2_xyz, d2, F2, r * r, K, interpret=interpret)
        outs.append(_chain(g, layers, maxpool=K, interpret=interpret))
    l2_points3 = jnp.concatenate(outs, axis=-1)

    g3 = jnp.concatenate([l2_points3[:, None], l2_xyz[:, None]], axis=-1)
    l3_points = _chain(g3, params['sa3'], maxpool=S2,
                       interpret=interpret)

    l3b = jnp.broadcast_to(l3_points, (B, S2, 512))
    f3 = jnp.concatenate([l2_points3, l3b], axis=-1)
    l2_up = _chain(f3, params['fp3'], interpret=interpret)

    i2, w2 = _knn3(l1_xyz, l2_xyz)
    it2 = _interp3(i2, w2, l2_up, interpret=interpret)
    f2 = jnp.concatenate([l1_points3, it2], axis=-1)
    l1_up = _chain(f2, params['fp2'], interpret=interpret)

    i1, w1 = _knn3(xyz, l1_xyz)
    it1 = _interp3(i1, w1, l1_up, interpret=interpret)
    l0_up = _chain(it1, params['fp1'], interpret=interpret)

    z = _lin0(l0_up, params['head1'], interpret=interpret)
    m, v = _stats(z)
    seg, coord = _finhead(z, m, v, params['head1'], params['seg'],
                          params['coord'], interpret=interpret)
    return seg, coord

# --- scband reference (transcript-rebuilt; emitter-appended) ---
"""Pipeline reference for scband-point-net2-seg-15496242004856 (READ-ONLY COPY).

The authoritative reference and input builder live on the scoring server;
editing this copy changes nothing except your own understanding.
"""

import jax, jax.numpy as jnp
import numpy as np

EPS_BN = 1e-5

def square_distance(src, dst):
    dist = -2.0 * jnp.matmul(src, dst.transpose(0, 2, 1))
    dist = dist + jnp.sum(src ** 2, -1)[:, :, None]
    dist = dist + jnp.sum(dst ** 2, -1)[:, None, :]
    return dist

def index_points(points, idx):
    return jax.vmap(lambda p, i: p[i])(points, idx)

def farthest_point_sample(xyz, npoint):
    xyz = jax.lax.stop_gradient(xyz)
    B, N, _ = xyz.shape
    def body(i, state):
        centroids, distance, farthest = state
        centroids = centroids.at[:, i].set(farthest)
        centroid = jax.vmap(lambda p, j: p[j])(xyz, farthest)[:, None, :]
        d = jnp.sum((xyz - centroid) ** 2, -1)
        distance = jnp.minimum(distance, d)
        farthest = jnp.argmax(distance, axis=-1).astype(jnp.int32)
        return centroids, distance, farthest
    centroids = jnp.zeros((B, npoint), dtype=jnp.int32)
    distance = jnp.full((B, N), 1e10, dtype=xyz.dtype)
    farthest = jnp.zeros((B,), dtype=jnp.int32)
    centroids, _, _ = jax.lax.fori_loop(0, npoint, body, (centroids, distance, farthest))
    return centroids

def query_ball_point(radius, nsample, xyz, new_xyz):
    B, N, _ = xyz.shape
    S = new_xyz.shape[1]
    sqrdists = square_distance(new_xyz, xyz)
    group_idx = jnp.broadcast_to(jnp.arange(N, dtype=jnp.int32), (B, S, N))
    group_idx = jnp.where(sqrdists > radius ** 2, N, group_idx)
    group_idx = jnp.sort(group_idx, axis=-1)[:, :, :nsample]
    group_first = jnp.broadcast_to(group_idx[:, :, :1], group_idx.shape)
    group_idx = jnp.where(group_idx == N, group_first, group_idx)
    return group_idx

def batchnorm(x, gamma, beta, axes):
    m = jnp.mean(x, axis=axes, keepdims=True)
    v = jnp.var(x, axis=axes, keepdims=True)
    return gamma * (x - m) / jnp.sqrt(v + EPS_BN) + beta

def mlp_stack(x, layers, axes):
    for p in layers:
        x = jax.nn.relu(batchnorm(x @ p['w'] + p['b'], p['gamma'], p['beta'], axes))
    return x

def set_abstraction_msg(xyz, points, npoint, radius_list, nsample_list, branch_params):
    fps_idx = farthest_point_sample(xyz, npoint)
    new_xyz = index_points(xyz, fps_idx)
    outs = []
    for radius, K, layers in zip(radius_list, nsample_list, branch_params):
        group_idx = query_ball_point(radius, K, xyz, new_xyz)
        grouped_xyz = index_points(xyz, group_idx) - new_xyz[:, :, None, :]
        if points is not None:
            grouped = jnp.concatenate([index_points(points, group_idx), grouped_xyz], -1)
        else:
            grouped = grouped_xyz
        x = mlp_stack(grouped, layers, (0, 1, 2))
        outs.append(jnp.max(x, axis=2))
    return new_xyz, jnp.concatenate(outs, -1)

def set_abstraction_all(xyz, points, layers):
    B = xyz.shape[0]
    new_xyz = jnp.zeros((B, 1, 3), dtype=xyz.dtype)
    grouped = jnp.concatenate([points[:, None, :, :], xyz[:, None, :, :]], -1)
    x = mlp_stack(grouped, layers, (0, 1, 2))
    return new_xyz, jnp.max(x, axis=2)

def feature_propagation(xyz1, xyz2, points1, points2, layers):
    B, N, _ = xyz1.shape
    S = xyz2.shape[1]
    if S == 1:
        interpolated = jnp.broadcast_to(points2, (B, N, points2.shape[-1]))
    else:
        dists = square_distance(xyz1, xyz2)
        idx = jnp.argsort(dists, axis=-1)[:, :, :3]
        d = jnp.take_along_axis(dists, idx, axis=-1)
        dist_recip = 1.0 / (d + 1e-8)
        weight = dist_recip / jnp.sum(dist_recip, -1, keepdims=True)
        interpolated = jnp.sum(index_points(points2, idx) * weight[..., None], axis=2)
    new = interpolated if points1 is None else jnp.concatenate([points1, interpolated], -1)
    return mlp_stack(new, layers, (0, 1))

def forward(xyz, params):
    l1_xyz, l1_points = set_abstraction_msg(xyz, None, 512, [0.1, 0.2], [32, 64], params['sa1'])
    l2_xyz, l2_points = set_abstraction_msg(l1_xyz, l1_points, 128, [0.4, 0.8], [32, 64], params['sa2'])
    l3_xyz, l3_points = set_abstraction_all(l2_xyz, l2_points, params['sa3'])
    l2_up = feature_propagation(l2_xyz, l3_xyz, l2_points, l3_points, params['fp3'])
    l1_up = feature_propagation(l1_xyz, l2_xyz, l1_points, l2_up, params['fp2'])
    l0_up = feature_propagation(xyz, l1_xyz, None, l1_up, params['fp1'])
    h = params['head1']
    x = jax.nn.relu(batchnorm(l0_up @ h['w'] + h['b'], h['gamma'], h['beta'], (0, 1)))
    seg_logits = x @ params['seg']['w'] + params['seg']['b']
    coords = x @ params['coord']['w'] + params['coord']['b']
    return seg_logits, coords

def _lin(key, cin, cout, with_bn=True):
    k1, _ = jax.random.split(key)
    p = {'w': jax.random.normal(k1, (cin, cout), dtype=jnp.float32) / np.sqrt(cin),
         'b': jnp.zeros((cout,), dtype=jnp.float32)}
    if with_bn:
        p['gamma'] = jnp.ones((cout,), dtype=jnp.float32)
        p['beta'] = jnp.zeros((cout,), dtype=jnp.float32)
    return p

def _mlp(key, cin, widths):
    layers = []
    for w in widths:
        key, sub = jax.random.split(key)
        layers.append(_lin(sub, cin, w))
        cin = w
    return layers

def init_params(key):
    ks = jax.random.split(key, 11)
    return {
        'sa1': [_mlp(ks[0], 3, [32, 32, 64]), _mlp(ks[1], 3, [32, 32, 64])],
        'sa2': [_mlp(ks[2], 131, [64, 64, 128]), _mlp(ks[3], 131, [64, 64, 128])],
        'sa3': _mlp(ks[4], 259, [128, 256, 512]),
        'fp3': _mlp(ks[5], 768, [256, 256]),
        'fp2': _mlp(ks[6], 384, [128, 128]),
        'fp1': _mlp(ks[7], 128, [128, 128, 128]),
        'head1': _lin(ks[8], 128, 128),
        'seg': _lin(ks[9], 128, 3, with_bn=False),
        'coord': _lin(ks[10], 128, 3, with_bn=False),
    }

def setup_inputs(seed: int = 0):
    key = jax.random.key(seed)
    k1, k2 = jax.random.split(key)
    xyz = jax.random.uniform(k1, (8, 4096, 3), dtype=jnp.float32)
    return {'xyz': xyz, 'params': init_params(k2)}

def reference(xyz, params):
    return forward(xyz, params)

if __name__ == "__main__":
    import jax
    _d = setup_inputs()
    print(jax.jit(kernel)(*tuple(_d.values())))

</pallas_src>

<mosaic_0001>
module attributes {stable_mosaic.version = 14 : i64} {
  func.func @_fps_body(%arg0: memref<8x3x4096xf32, #tpu.memory_space<vmem>>, %arg1: memref<8x3x512xf32, #tpu.memory_space<vmem>>) attributes {dimension_semantics = [], scalar_prefetch = 0 : i64, scratch_operands = 0 : i64, tpu.core_type = #tpu.core_type<tc>} {
    %get3A = arith.constant 0 : index
    %get3A_0 = arith.constant 0 : index
    %get3A_1 = arith.constant 0 : index
    %get3A_2 = vector.load %arg0[%get3A, %get3A_0, %get3A_1] : memref<8x3x4096xf32, #tpu.memory_space<vmem>>, vector<8x3x4096xf32>
    %iota3A = tpu.iota {dimensions = array<i32: 1>} : vector<8x4096xi32>
    %iota3A_3 = tpu.iota {dimensions = array<i32: 1>} : vector<8x512xi32>
    %broadcast_in_dim3A = arith.constant 1.000000e+10 : f32
    %broadcast_in_dim3A_4 = vector.broadcast %broadcast_in_dim3A : f32 to vector<8x4096xf32>
    %broadcast_in_dim3A_5 = arith.constant 0 : i32
    %broadcast_in_dim3A_6 = vector.broadcast %broadcast_in_dim3A_5 : i32 to vector<8x1xi32>
    %broadcast_in_dim3A_7 = arith.constant 0.000000e+00 : f32
    %broadcast_in_dim3A_8 = vector.broadcast %broadcast_in_dim3A_7 : f32 to vector<8x3x512xf32>
    %scan3A = arith.constant 0 : i32
    %scan3A_9 = arith.constant 512 : i32
    %scan3A_10 = arith.addi %scan3A, %scan3A_9 : i32
    %scan3A_11 = arith.constant 1 : i32
    %scan3A_12:3 = scf.for %scan3A_17 = %scan3A to %scan3A_10 step %scan3A_11 iter_args(%scan3A_18 = %broadcast_in_dim3A_4, %scan3A_19 = %broadcast_in_dim3A_6, %scan3A_20 = %broadcast_in_dim3A_8) -> (vector<8x4096xf32>, vector<8x1xi32>, vector<8x3x512xf32>)  : i32 {
      %eq3A = vector.broadcast %scan3A_19 : vector<8x1xi32> to vector<8x4096xi32>
      %eq3A_21 = arith.cmpi eq, %iota3A, %eq3A : vector<8x4096xi32>
      %convert_element_type3A = arith.extui %eq3A_21 : vector<8x4096xi1> to vector<8x4096xi32>
      %convert_element_type3A_22 = arith.sitofp %convert_element_type3A : vector<8x4096xi32> to vector<8x4096xf32>
      %broadcast_in_dim3A_23 = vector.shape_cast %convert_element_type3A_22 : vector<8x4096xf32> to vector<8x1x4096xf32>
      %mul3A = vector.broadcast %broadcast_in_dim3A_23 : vector<8x1x4096xf32> to vector<8x3x4096xf32>
      %mul3A_24 = arith.mulf %mul3A, %get3A_2 : vector<8x3x4096xf32>
      %reduce_sum3A = arith.constant dense<0.000000e+00> : vector<8x3xf32>
      %reduce_sum3A_25 = vector.multi_reduction <add>, %mul3A_24, %reduce_sum3A [2] : vector<8x3x4096xf32> to vector<8x3xf32>
      %eq3A_26 = vector.broadcast %scan3A_17 : i32 to vector<8x512xi32>
      %eq3A_27 = arith.cmpi eq, %iota3A_3, %eq3A_26 : vector<8x512xi32>
      %convert_element_type3A_28 = arith.extui %eq3A_27 : vector<8x512xi1> to vector<8x512xi32>
      %convert_element_type3A_29 = arith.sitofp %convert_element_type3A_28 : vector<8x512xi32> to vector<8x512xf32>
      %broadcast_in_dim3A_30 = vector.shape_cast %reduce_sum3A_25 : vector<8x3xf32> to vector<8x3x1xf32>
      %broadcast_in_dim3A_31 = vector.shape_cast %convert_element_type3A_29 : vector<8x512xf32> to vector<8x1x512xf32>
      %mul3A_32 = vector.broadcast %broadcast_in_dim3A_30 : vector<8x3x1xf32> to vector<8x3x512xf32>
      %mul3A_33 = vector.broadcast %broadcast_in_dim3A_31 : vector<8x1x512xf32> to vector<8x3x512xf32>
      %mul3A_34 = arith.mulf %mul3A_32, %mul3A_33 : vector<8x3x512xf32>
      %add3A = arith.addf %scan3A_20, %mul3A_34 : vector<8x3x512xf32>
      %broadcast_in_dim3A_35 = vector.shape_cast %reduce_sum3A_25 : vector<8x3xf32> to vector<8x3x1xf32>
      %sub3A = vector.broadcast %broadcast_in_dim3A_35 : vector<8x3x1xf32> to vector<8x3x4096xf32>
      %sub3A_36 = arith.subf %get3A_2, %sub3A : vector<8x3x4096xf32>
      %integer_pow3A = arith.mulf %sub3A_36, %sub3A_36 : vector<8x3x4096xf32>
      %reduce_sum3A_37 = arith.constant dense<0.000000e+00> : vector<8x4096xf32>
      %reduce_sum3A_38 = vector.multi_reduction <add>, %integer_pow3A, %reduce_sum3A_37 [1] : vector<8x3x4096xf32> to vector<8x4096xf32>
      %min3A = arith.minimumf %scan3A_18, %reduce_sum3A_38 : vector<8x4096xf32>
      %argmax3A = tpu.reduce_index %min3A {axis = 1 : i32, kind = #tpu.reduction_kind<arg_max>} : vector<8x4096xf32> -> vector<8xi32>
      %broadcast_in_dim3A_39 = vector.shape_cast %argmax3A : vector<8xi32> to vector<8x1xi32>
      scf.yield %min3A, %broadcast_in_dim3A_39, %add3A : vector<8x4096xf32>, vector<8x1xi32>, vector<8x3x512xf32>
    }
    %scan3A_13 = arith.constant 512 : i32
    %swap3A = arith.constant 0 : index
    %swap3A_14 = arith.constant 0 : index
    %swap3A_15 = arith.constant 0 : index
    %swap3A_16 = vector.load %arg1[%swap3A, %swap3A_14, %swap3A_15] : memref<8x3x512xf32, #tpu.memory_space<vmem>>, vector<8x3x512xf32>
    tpu.vector_store %arg1[%swap3A, %swap3A_14, %swap3A_15], %scan3A_12#2 {strides = array<i32>} : memref<8x3x512xf32, #tpu.memory_space<vmem>>, vector<8x3x512xf32>,
    return
  }
}

module attributes {stable_mosaic.version = 14 : i64} {
  func.func @_bq_body(%arg0: i32, %arg1: i32, %arg2: memref<1x16x3xf32, #tpu.memory_space<vmem>>, %arg3: memref<1x16x4096xf32, #tpu.memory_space<vmem>>, %arg4: memref<1x4096x3xf32, #tpu.memory_space<vmem>>, %arg5: memref<1x16x32x3xf32, #tpu.memory_space<vmem>>) attributes {dimension_semantics = [#tpu.dimension_semantics<arbitrary>, #tpu.dimension_semantics<arbitrary>], iteration_bounds = array<i64: 8, 32>, scalar_prefetch = 0 : i64, scratch_operands = 0 : i64, tpu.core_type = #tpu.core_type<tc>, window_params = [{transform_indices = @transform_0, window_bounds = array<i64: 1, 16, 3>}, {transform_indices = @transform_1, window_bounds = array<i64: 1, 16, 4096>}, {transform_indices = @transform_2, window_bounds = array<i64: 1, 4096, 3>}, {transform_indices = @transform_3, window_bounds = array<i64: 1, 16, 32, 3>}]} {
    %get3A = arith.constant 0 : index
    %get3A_0 = arith.constant 0 : index
    %get3A_1 = arith.constant 0 : index
    %get3A_2 = vector.load %arg2[%get3A, %get3A_0, %get3A_1] : memref<1x16x3xf32, #tpu.memory_space<vmem>>, vector<1x16x3xf32>
    %get3A_3 = vector.shape_cast %get3A_2 : vector<1x16x3xf32> to vector<16x3xf32>
    %get3A_4 = arith.constant 0 : index
    %get3A_5 = arith.constant 0 : index
    %get3A_6 = arith.constant 0 : index
    %get3A_7 = vector.load %arg3[%get3A_4, %get3A_5, %get3A_6] : memref<1x16x4096xf32, #tpu.memory_space<vmem>>, vector<1x16x4096xf32>
    %get3A_8 = vector.shape_cast %get3A_7 : vector<1x16x4096xf32> to vector<16x4096xf32>
    %le3A = arith.constant 0.00999999977 : f32
    %le3A_9 = vector.broadcast %le3A : f32 to vector<16x4096xf32>
    %le3A_10 = arith.cmpf ole, %get3A_8, %le3A_9 : vector<16x4096xf32>
    %convert_element_type3A = arith.extui %le3A_10 : vector<16x4096xi1> to vector<16x4096xi32>
    %convert_element_type3A_11 = arith.sitofp %convert_element_type3A : vector<16x4096xi32> to vector<16x4096xf32>
    %iota3A = tpu.iota {dimensions = array<i32: 0>} : vector<256x256xi32>
    %iota3A_12 = tpu.iota {dimensions = array<i32: 1>} : vector<256x256xi32>
    %lt3A = arith.cmpi slt, %iota3A, %iota3A_12 : vector<256x256xi32>
    %convert_element_type3A_13 = arith.extui %lt3A : vector<256x256xi1> to vector<256x256xi32>
    %convert_element_type3A_14 = arith.sitofp %convert_element_type3A_13 : vector<256x256xi32> to vector<256x256xf32>
    %broadcast_in_dim3A = arith.constant 0.000000e+00 : f32
    %broadcast_in_dim3A_15 = vector.broadcast %broadcast_in_dim3A : f32 to vector<16x1xf32>
    %slice3A = vector.extract_strided_slice %convert_element_type3A_11 {offsets = [0, 0], sizes = [16, 256], strides = [1, 1]} : vector<16x4096xf32> to vector<16x256xf32>
    %dot_general3A = arith.constant dense<0.000000e+00> : vector<16x256xf32>
    %dot_general3A_16 = tpu.matmul %slice3A, %convert_element_type3A_14, %dot_general3A {dimension_numbers = #tpu.dot_dimension_numbers<[1], [0], [0], [1], [0, 0, 1, 1], [], []>, transpose_lhs_hint = false} : vector<16x256xf32>, vector<256x256xf32>, vector<16x256xf32> -> vector<16x256xf32>
    %add3A = vector.broadcast %broadcast_in_dim3A_15 : vector<16x1xf32> to vector<16x256xf32>
    %add3A_17 = arith.addf %dot_general3A_16, %add3A : vector<16x256xf32>
    %reduce_sum3A = arith.constant dense<0.000000e+00> : vector<16xf32>
    %reduce_sum3A_18 = vector.multi_reduction <add>, %slice3A, %reduce_sum3A [1] : vector<16x256xf32> to vector<16xf32>
    %broadcast_in_dim3A_19 = vector.shape_cast %reduce_sum3A_18 : vector<16xf32> to vector<16x1xf32>
    %add3A_20 = arith.addf %broadcast_in_dim3A_15, %broadcast_in_dim3A_19 : vector<16x1xf32>
    %slice3A_21 = vector.extract_strided_slice %convert_element_type3A_11 {offsets = [0, 256], sizes = [16, 256], strides = [1, 1]} : vector<16x4096xf32> to vector<16x256xf32>
    %dot_general3A_22 = arith.constant dense<0.000000e+00> : vector<16x256xf32>
    %dot_general3A_23 = tpu.matmul %slice3A_21, %convert_element_type3A_14, %dot_general3A_22 {dimension_numbers = #tpu.dot_dimension_numbers<[1], [0], [0], [1], [0, 0, 1, 1], [], []>, transpose_lhs_hint = false} : vector<16x256xf32>, vector<256x256xf32>, vector<16x256xf32> -> vector<16x256xf32>
    %add3A_24 = vector.broadcast %add3A_20 : vector<16x1xf32> to vector<16x256xf32>
    %add3A_25 = arith.addf %dot_general3A_23, %add3A_24 : vector<16x256xf32>
    %reduce_sum3A_26 = arith.constant dense<0.000000e+00> : vector<16xf32>
    %reduce_sum3A_27 = vector.multi_reduction <add>, %slice3A_21, %reduce_sum3A_26 [1] : vector<16x256xf32> to vector<16xf32>
    %broadcast_in_dim3A_28 = vector.shape_cast %reduce_sum3A_27 : vector<16xf32> to vector<16x1xf32>
    %add3A_29 = arith.addf %add3A_20, %broadcast_in_dim3A_28 : vector<16x1xf32>
    %slice3A_30 = vector.extract_strided_slice %convert_element_type3A_11 {offsets = [0, 512], sizes = [16, 256], strides = [1, 1]} : vector<16x4096xf32> to vector<16x256xf32>
    %dot_general3A_31 = arith.constant dense<0.000000e+00> : vector<16x256xf32>
    %dot_general3A_32 = tpu.matmul %slice3A_30, %convert_element_type3A_14, %dot_general3A_31 {dimension_numbers = #tpu.dot_dimension_numbers<[1], [0], [0], [1], [0, 0, 1, 1], [], []>, transpose_lhs_hint = false} : vector<16x256xf32>, vector<256x256xf32>, vector<16x256xf32> -> vector<16x256xf32>
    %add3A_33 = vector.broadcast %add3A_29 : vector<16x1xf32> to vector<16x256xf32>
    %add3A_34 = arith.addf %dot_general3A_32, %add3A_33 : vector<16x256xf32>
    %reduce_sum3A_35 = arith.constant dense<0.000000e+00> : vector<16xf32>
    %reduce_sum3A_36 = vector.multi_reduction <add>, %slice3A_30, %reduce_sum3A_35 [1] : vector<16x256xf32> to vector<16xf32>
    %broadcast_in_dim3A_37 = vector.shape_cast %reduce_sum3A_36 : vector<16xf32> to vector<16x1xf32>
    %add3A_38 = arith.addf %add3A_29, %broadcast_in_dim3A_37 : vector<16x1xf32>
    %slice3A_39 = vector.extract_strided_slice %convert_element_type3A_11 {offsets = [0, 768], sizes = [16, 256], strides = [1, 1]} : vector<16x4096xf32> to vector<16x256xf32>
    %dot_general3A_40 = arith.constant dense<0.000000e+00> : vector<16x256xf32>
    %dot_general3A_41 = tpu.matmul %slice3A_39, %convert_element_type3A_14, %dot_general3A_40 {dimension_numbers = #tpu.dot_dimension_numbers<[1], [0], [0], [1], [0, 0, 1, 1], [], []>, transpose_lhs_hint = false} : vector<16x256xf32>, vector<256x256xf32>, vector<16x256xf32> -> vector<16x256xf32>
    %add3A_42 = vector.broadcast %add3A_38 : vector<16x1xf32> to vector<16x256xf32>
    %add3A_43 = arith.addf %dot_general3A_41, %add3A_42 : vector<16x256xf32>
    %reduce_sum3A_44 = arith.constant dense<0.000000e+00> : vector<16xf32>
    %reduce_sum3A_45 = vector.multi_reduction <add>, %slice3A_39, %reduce_sum3A_44 [1] : vector<16x256xf32> to vector<16xf32>
    %broadcast_in_dim3A_46 = vector.shape_cast %reduce_sum3A_45 : vector<16xf32> to vector<16x1xf32>
    %add3A_47 = arith.addf %add3A_38, %broadcast_in_dim3A_46 : vector<16x1xf32>
    %slice3A_48 = vector.extract_strided_slice %convert_element_type3A_11 {offsets = [0, 1024], sizes = [16, 256], strides = [1, 1]} : vector<16x4096xf32> to vector<16x256xf32>
    %dot_general3A_49 = arith.constant dense<0.000000e+00> : vector<16x256xf32>
    %dot_general3A_50 = tpu.matmul %slice3A_48, %convert_element_type3A_14, %dot_general3A_49 {dimension_numbers = #tpu.dot_dimension_numbers<[1], [0], [0], [1], [0, 0, 1, 1], [], []>, transpose_lhs_hint = false} : vector<16x256xf32>, vector<256x256xf32>, vector<16x256xf32> -> vector<16x256xf32>
    %add3A_51 = vector.broadcast %add3A_47 : vector<16x1xf32> to vector<16x256xf32>
    %add3A_52 = arith.addf %dot_general3A_50, %add3A_51 : vector<16x256xf32>
    %reduce_sum3A_53 = arith.constant dense<0.000000e+00> : vector<16xf32>
    %reduce_sum3A_54 = vector.multi_reduction <add>, %slice3A_48, %reduce_sum3A_53 [1] : vector<16x256xf32> to vector<16xf32>
    %broadcast_in_dim3A_55 = vector.shape_cast %reduce_sum3A_54 : vector<16xf32> to vector<16x1xf32>
    %add3A_56 = arith.addf %add3A_47, %broadcast_in_dim3A_55 : vector<16x1xf32>
    %slice3A_57 = vector.extract_strided_slice %convert_element_type3A_11 {offsets = [0, 1280], sizes = [16, 256], strides = [1, 1]} : vector<16x4096xf32> to vector<16x256xf32>
    %dot_general3A_58 = arith.constant dense<0.000000e+00> : vector<16x256xf32>
    %dot_general3A_59 = tpu.matmul %slice3A_57, %convert_element_type3A_14, %dot_general3A_58 {dimension_numbers = #tpu.dot_dimension_numbers<[1], [0], [0], [1], [0, 0, 1, 1], [], []>, transpose_lhs_hint = false} : vector<16x256xf32>, vector<256x256xf32>, vector<16x256xf32> -> vector<16x256xf32>
    %add3A_60 = vector.broadcast %add3A_56 : vector<16x1xf32> to vector<16x256xf32>
    %add3A_61 = arith.addf %dot_general3A_59, %add3A_60 : vector<16x256xf32>
    %reduce_sum3A_62 = arith.constant dense<0.000000e+00> : vector<16xf32>
    %reduce_sum3A_63 = vector.multi_reduction <add>, %slice3A_57, %reduce_sum3A_62 [1] : vector<16x256xf32> to vector<16xf32>
    %broadcast_in_dim3A_64 = vector.shape_cast %reduce_sum3A_63 : vector<16xf32> to vector<16x1xf32>
    %add3A_65 = arith.addf %add3A_56, %broadcast_in_dim3A_64 : vector<16x1xf32>
    %slice3A_66 = vector.extract_strided_slice %convert_element_type3A_11 {offsets = [0, 1536], sizes = [16, 256], strides = [1, 1]} : vector<16x4096xf32> to vector<16x256xf32>
    %dot_general3A_67 = arith.constant dense<0.000000e+00> : vector<16x256xf32>
    %dot_general3A_68 = tpu.matmul %slice3A_66, %convert_element_type3A_14, %dot_general3A_67 {dimension_numbers = #tpu.dot_dimension_numbers<[1], [0], [0], [1], [0, 0, 1, 1], [], []>, transpose_lhs_hint = false} : vector<16x256xf32>, vector<256x256xf32>, vector<16x256xf32> -> vector<16x256xf32>
    %add3A_69 = vector.broadcast %add3A_65 : vector<16x1xf32> to vector<16x256xf32>
    %add3A_70 = arith.addf %dot_general3A_68, %add3A_69 : vector<16x256xf32>
    %reduce_sum3A_71 = arith.constant dense<0.000000e+00> : vector<16xf32>
    %reduce_sum3A_72 = vector.multi_reduction <add>, %slice3A_66, %reduce_sum3A_71 [1] : vector<16x256xf32> to vector<16xf32>
    %broadcast_in_dim3A_73 = vector.shape_cast %reduce_sum3A_72 : vector<16xf32> to vector<16x1xf32>
    %add3A_74 = arith.addf %add3A_65, %broadcast_in_dim3A_73 : vector<16x1xf32>
    %slice3A_75 = vector.extract_strided_slice %convert_element_type3A_11 {offsets = [0, 1792], sizes = [16, 256], strides = [1, 1]} : vector<16x4096xf32> to vector<16x256xf32>
    %dot_general3A_76 = arith.constant dense<0.000000e+00> : vector<16x256xf32>
    %dot_general3A_77 = tpu.matmul %slice3A_75, %convert_element_type3A_14, %dot_general3A_76 {dimension_numbers = #tpu.dot_dimension_numbers<[1], [0], [0], [1], [0, 0, 1, 1], [], []>, transpose_lhs_hint = false} : vector<16x256xf32>, vector<256x256xf32>, vector<16x256xf32> -> vector<16x256xf32>
    %add3A_78 = vector.broadcast %add3A_74 : vector<16x1xf32> to vector<16x256xf32>
    %add3A_79 = arith.addf %dot_general3A_77, %add3A_78 : vector<16x256xf32>
    %reduce_sum3A_80 = arith.constant dense<0.000000e+00> : vector<16xf32>
    %reduce_sum3A_81 = vector.multi_reduction <add>, %slice3A_75, %reduce_sum3A_80 [1] : vector<16x256xf32> to vector<16xf32>
    %broadcast_in_dim3A_82 = vector.shape_cast %reduce_sum3A_81 : vector<16xf32> to vector<16x1xf32>
    %add3A_83 = arith.addf %add3A_74, %broadcast_in_dim3A_82 : vector<16x1xf32>
    %slice3A_84 = vector.extract_strided_slice %convert_element_type3A_11 {offsets = [0, 2048], sizes = [16, 256], strides = [1, 1]} : vector<16x4096xf32> to vector<16x256xf32>
    %dot_general3A_85 = arith.constant dense<0.000000e+00> : vector<16x256xf32>
    %dot_general3A_86 = tpu.matmul %slice3A_84, %convert_element_type3A_14, %dot_general3A_85 {dimension_numbers = #tpu.dot_dimension_numbers<[1], [0], [0], [1], [0, 0, 1, 1], [], []>, transpose_lhs_hint = false} : vector<16x256xf32>, vector<256x256xf32>, vector<16x256xf32> -> vector<16x256xf32>
    %add3A_87 = vector.broadcast %add3A_83 : vector<16x1xf32> to vector<16x256xf32>
    %add3A_88 = arith.addf %dot_general3A_86, %add3A_87 : vector<16x256xf32>
    %reduce_sum3A_89 = arith.constant dense<0.000000e+00> : vector<16xf32>
    %reduce_sum3A_90 = vector.multi_reduction <add>, %slice3A_84, %reduce_sum3A_89 [1] : vector<16x256xf32> to vector<16xf32>
    %broadcast_in_dim3A_91 = vector.shape_cast %reduce_sum3A_90 : vector<16xf32> to vector<16x1xf32>
    %add3A_92 = arith.addf %add3A_83, %broadcast_in_dim3A_91 : vector<16x1xf32>
    %slice3A_93 = vector.extract_strided_slice %convert_element_type3A_11 {offsets = [0, 2304], sizes = [16, 256], strides = [1, 1]} : vector<16x4096xf32> to vector<16x256xf32>
    %dot_general3A_94 = arith.constant dense<0.000000e+00> : vector<16x256xf32>
    %dot_general3A_95 = tpu.matmul %slice3A_93, %convert_element_type3A_14, %dot_general3A_94 {dimension_numbers = #tpu.dot_dimension_numbers<[1], [0], [0], [1], [0, 0, 1, 1], [], []>, transpose_lhs_hint = false} : vector<16x256xf32>, vector<256x256xf32>, vector<16x256xf32> -> vector<16x256xf32>
    %add3A_96 = vector.broadcast %add3A_92 : vector<16x1xf32> to vector<16x256xf32>
    %add3A_97 = arith.addf %dot_general3A_95, %add3A_96 : vector<16x256xf32>
    %reduce_sum3A_98 = arith.constant dense<0.000000e+00> : vector<16xf32>
    %reduce_sum3A_99 = vector.multi_reduction <add>, %slice3A_93, %reduce_sum3A_98 [1] : vector<16x256xf32> to vector<16xf32>
    %broadcast_in_dim3A_100 = vector.shape_cast %reduce_sum3A_99 : vector<16xf32> to vector<16x1xf32>
    %add3A_101 = arith.addf %add3A_92, %broadcast_in_dim3A_100 : vector<16x1xf32>
    %slice3A_102 = vector.extract_strided_slice %convert_element_type3A_11 {offsets = [0, 2560], sizes = [16, 256], strides = [1, 1]} : vector<16x4096xf32> to vector<16x256xf32>
    %dot_general3A_103 = arith.constant dense<0.000000e+00> : vector<16x256xf32>
    %dot_general3A_104 = tpu.matmul %slice3A_102, %convert_element_type3A_14, %dot_general3A_103 {dimension_numbers = #tpu.dot_dimension_numbers<[1], [0], [0], [1], [0, 0, 1, 1], [], []>, transpose_lhs_hint = false} : vector<16x256xf32>, vector<256x256xf32>, vector<16x256xf32> -> vector<16x256xf32>
    %add3A_105 = vector.broadcast %add3A_101 : vector<16x1xf32> to vector<16x256xf32>
    %add3A_106 = arith.addf %dot_general3A_104, %add3A_105 : vector<16x256xf32>
    %reduce_sum3A_107 = arith.constant dense<0.000000e+00> : vector<16xf32>
    %reduce_sum3A_108 = vector.multi_reduction <add>, %slice3A_102, %reduce_sum3A_107 [1] : vector<16x256xf32> to vector<16xf32>
    %broadcast_in_dim3A_109 = vector.shape_cast %reduce_sum3A_108 : vector<16xf32> to vector<16x1xf32>
    %add3A_110 = arith.addf %add3A_101, %broadcast_in_dim3A_109 : vector<16x1xf32>
    %slice3A_111 = vector.extract_strided_slice %convert_element_type3A_11 {offsets = [0, 2816], sizes = [16, 256], strides = [1, 1]} : vector<16x4096xf32> to vector<16x256xf32>
    %dot_general3A_112 = arith.constant dense<0.000000e+00> : vector<16x256xf32>
    %dot_general3A_113 = tpu.matmul %slice3A_111, %convert_element_type3A_14, %dot_general3A_112 {dimension_numbers = #tpu.dot_dimension_numbers<[1], [0], [0], [1], [0, 0, 1, 1], [], []>, transpose_lhs_hint = false} : vector<16x256xf32>, vector<256x256xf32>, vector<16x256xf32> -> vector<16x256xf32>
    %add3A_114 = vector.broadcast %add3A_110 : vector<16x1xf32> to vector<16x256xf32>
    %add3A_115 = arith.addf %dot_general3A_113, %add3A_114 : vector<16x256xf32>
    %reduce_sum3A_116 = arith.constant dense<0.000000e+00> : vector<16xf32>
    %reduce_sum3A_117 = vector.multi_reduction <add>, %slice3A_111, %reduce_sum3A_116 [1] : vector<16x256xf32> to vector<16xf32>
    %broadcast_in_dim3A_118 = vector.shape_cast %reduce_sum3A_117 : vector<16xf32> to vector<16x1xf32>
    %add3A_119 = arith.addf %add3A_110, %broadcast_in_dim3A_118 : vector<16x1xf32>
    %slice3A_120 = vector.extract_strided_slice %convert_element_type3A_11 {offsets = [0, 3072], sizes = [16, 256], strides = [1, 1]} : vector<16x4096xf32> to vector<16x256xf32>
    %dot_general3A_121 = arith.constant dense<0.000000e+00> : vector<16x256xf32>
    %dot_general3A_122 = tpu.matmul %slice3A_120, %convert_element_type3A_14, %dot_general3A_121 {dimension_numbers = #tpu.dot_dimension_numbers<[1], [0], [0], [1], [0, 0, 1, 1], [], []>, transpose_lhs_hint = false} : vector<16x256xf32>, vector<256x256xf32>, vector<16x256xf32> -> vector<16x256xf32>
    %add3A_123 = vector.broadcast %add3A_119 : vector<16x1xf32> to vector<16x256xf32>
    %add3A_124 = arith.addf %dot_general3A_122, %add3A_123 : vector<16x256xf32>
    %reduce_sum3A_125 = arith.constant dense<0.000000e+00> : vector<16xf32>
    %reduce_sum3A_126 = vector.multi_reduction <add>, %slice3A_120, %reduce_sum3A_125 [1] : vector<16x256xf32> to vector<16xf32>
    %broadcast_in_dim3A_127 = vector.shape_cast %reduce_sum3A_126 : vector<16xf32> to vector<16x1xf32>
    %add3A_128 = arith.addf %add3A_119, %broadcast_in_dim3A_127 : vector<16x1xf32>
    %slice3A_129 = vector.extract_strided_slice %convert_element_type3A_11 {offsets = [0, 3328], sizes = [16, 256], strides = [1, 1]} : vector<16x4096xf32> to vector<16x256xf32>
    %dot_general3A_130 = arith.constant dense<0.000000e+00> : vector<16x256xf32>
    %dot_general3A_131 = tpu.matmul %slice3A_129, %convert_element_type3A_14, %dot_general3A_130 {dimension_numbers = #tpu.dot_dimension_numbers<[1], [0], [0], [1], [0, 0, 1, 1], [], []>, transpose_lhs_hint = false} : vector<16x256xf32>, vector<256x256xf32>, vector<16x256xf32> -> vector<16x256xf32>
    %add3A_132 = vector.broadcast %add3A_128 : vector<16x1xf32> to vector<16x256xf32>
    %add3A_133 = arith.addf %dot_general3A_131, %add3A_132 : vector<16x256xf32>
    %reduce_sum3A_134 = arith.constant dense<0.000000e+00> : vector<16xf32>
    %reduce_sum3A_135 = vector.multi_reduction <add>, %slice3A_129, %reduce_sum3A_134 [1] : vector<16x256xf32> to vector<16xf32>
    %broadcast_in_dim3A_136 = vector.shape_cast %reduce_sum3A_135 : vector<16xf32> to vector<16x1xf32>
    %add3A_137 = arith.addf %add3A_128, %broadcast_in_dim3A_136 : vector<16x1xf32>
    %slice3A_138 = vector.extract_strided_slice %convert_element_type3A_11 {offsets = [0, 3584], sizes = [16, 256], strides = [1, 1]} : vector<16x4096xf32> to vector<16x256xf32>
    %dot_general3A_139 = arith.constant dense<0.000000e+00> : vector<16x256xf32>
    %dot_general3A_140 = tpu.matmul %slice3A_138, %convert_element_type3A_14, %dot_general3A_139 {dimension_numbers = #tpu.dot_dimension_numbers<[1], [0], [0], [1], [0, 0, 1, 1], [], []>, transpose_lhs_hint = false} : vector<16x256xf32>, vector<256x256xf32>, vector<16x256xf32> -> vector<16x256xf32>
    %add3A_141 = vector.broadcast %add3A_137 : vector<16x1xf32> to vector<16x256xf32>
    %add3A_142 = arith.addf %dot_general3A_140, %add3A_141 : vector<16x256xf32>
    %reduce_sum3A_143 = arith.constant dense<0.000000e+00> : vector<16xf32>
    %reduce_sum3A_144 = vector.multi_reduction <add>, %slice3A_138, %reduce_sum3A_143 [1] : vector<16x256xf32> to vector<16xf32>
    %broadcast_in_dim3A_145 = vector.shape_cast %reduce_sum3A_144 : vector<16xf32> to vector<16x1xf32>
    %add3A_146 = arith.addf %add3A_137, %broadcast_in_dim3A_145 : vector<16x1xf32>
    %slice3A_147 = vector.extract_strided_slice %convert_element_type3A_11 {offsets = [0, 3840], sizes = [16, 256], strides = [1, 1]} : vector<16x4096xf32> to vector<16x256xf32>
    %dot_general3A_148 = arith.constant dense<0.000000e+00> : vector<16x256xf32>
    %dot_general3A_149 = tpu.matmul %slice3A_147, %convert_element_type3A_14, %dot_general3A_148 {dimension_numbers = #tpu.dot_dimension_numbers<[1], [0], [0], [1], [0, 0, 1, 1], [], []>, transpose_lhs_hint = false} : vector<16x256xf32>, vector<256x256xf32>, vector<16x256xf32> -> vector<16x256xf32>
    %add3A_150 = vector.broadcast %add3A_146 : vector<16x1xf32> to vector<16x256xf32>
    %add3A_151 = arith.addf %dot_general3A_149, %add3A_150 : vector<16x256xf32>
    %reduce_sum3A_152 = arith.constant dense<0.000000e+00> : vector<16xf32>
    %reduce_sum3A_153 = vector.multi_reduction <add>, %slice3A_147, %reduce_sum3A_152 [1] : vector<16x256xf32> to vector<16xf32>
    %broadcast_in_dim3A_154 = vector.shape_cast %reduce_sum3A_153 : vector<16xf32> to vector<16x1xf32>
    %add3A_155 = arith.addf %add3A_146, %broadcast_in_dim3A_154 : vector<16x1xf32>
    %concatenate3A = tpu.concatenate %add3A_17, %add3A_25, %add3A_34, %add3A_43, %add3A_52, %add3A_61, %add3A_70, %add3A_79, %add3A_88, %add3A_97, %add3A_106, %add3A_115, %add3A_124, %add3A_133, %add3A_142, %add3A_151 in 1 : vector<16x256xf32>, vector<16x256xf32>, vector<16x256xf32>, vector<16x256xf32>, vector<16x256xf32>, vector<16x256xf32>, vector<16x256xf32>, vector<16x256xf32>, vector<16x256xf32>, vector<16x256xf32>, vector<16x256xf32>, vector<16x256xf32>, vector<16x256xf32>, vector<16x256xf32>, vector<16x256xf32>, vector<16x256xf32> -> vector<16x4096xf32>
    %iota3A_156 = tpu.iota {dimensions = array<i32: 1>} : vector<1x32x1xi32>
    %convert_element_type3A_157 = arith.sitofp %iota3A_156 : vector<1x32x1xi32> to vector<1x32x1xf32>
    %broadcast_in_dim3A_158 = vector.shape_cast %concatenate3A : vector<16x4096xf32> to vector<16x1x4096xf32>
    %eq3A = vector.broadcast %broadcast_in_dim3A_158 : vector<16x1x4096xf32> to vector<16x32x4096xf32>
    %eq3A_159 = vector.broadcast %convert_element_type3A_157 : vector<1x32x1xf32> to vector<16x32x4096xf32>
    %eq3A_160 = arith.cmpf oeq, %eq3A, %eq3A_159 : vector<16x32x4096xf32>
    %broadcast_in_dim3A_161 = vector.shape_cast %le3A_10 : vector<16x4096xi1> to vector<16x1x4096xi1>
    %and3A = vector.broadcast %broadcast_in_dim3A_161 : vector<16x1x4096xi1> to vector<16x32x4096xi1>
    %and3A_162 = arith.andi %eq3A_160, %and3A : vector<16x32x4096xi1>
    %reshape3A = vector.shape_cast %and3A_162 : vector<16x32x4096xi1> to vector<512x4096xi1>
    %convert_element_type3A_163 = arith.extui %reshape3A : vector<512x4096xi1> to vector<512x4096xi32>
    %convert_element_type3A_164 = arith.sitofp %convert_element_type3A_163 : vector<512x4096xi32> to vector<512x4096xf32>
    %get3A_165 = arith.constant 0 : index
    %get3A_166 = arith.constant 0 : index
    %get3A_167 = arith.constant 0 : index
    %get3A_168 = vector.load %arg4[%get3A_165, %get3A_166, %get3A_167] : memref<1x4096x3xf32, #tpu.memory_space<vmem>>, vector<1x4096x3xf32>
    %get3A_169 = vector.shape_cast %get3A_168 : vector<1x4096x3xf32> to vector<4096x3xf32>
    %dot_general3A_170 = arith.constant dense<0.000000e+00> : vector<512x3xf32>
    %dot_general3A_171 = tpu.matmul %convert_element_type3A_164, %get3A_169, %dot_general3A_170 {dimension_numbers = #tpu.dot_dimension_numbers<[1], [0], [0], [1], [0, 0, 1, 1], [], []>, precision = #tpu.contract_precision<fp32>, transpose_lhs_hint = false} : vector<512x4096xf32>, vector<4096x3xf32>, vector<512x3xf32> -> vector<512x3xf32>
    %reshape3A_172 = vector.shape_cast %dot_general3A_171 : vector<512x3xf32> to vector<16x32x3xf32>
    %iota3A_173 = tpu.iota {dimensions = array<i32: 1>} : vector<16x32xi32>
    %convert_element_type3A_174 = arith.sitofp %iota3A_173 : vector<16x32xi32> to vector<16x32xf32>
    %ge3A = vector.broadcast %add3A_155 : vector<16x1xf32> to vector<16x32xf32>
    %ge3A_175 = arith.cmpf oge, %convert_element_type3A_174, %ge3A : vector<16x32xf32>
    %convert_element_type3A_176 = arith.extui %ge3A_175 : vector<16x32xi1> to vector<16x32xi32>
    %convert_element_type3A_177 = arith.sitofp %convert_element_type3A_176 : vector<16x32xi32> to vector<16x32xf32>
    %broadcast_in_dim3A_178 = vector.shape_cast %convert_element_type3A_177 : vector<16x32xf32> to vector<16x32x1xf32>
    %slice3A_179 = vector.extract_strided_slice %reshape3A_172 {offsets = [0, 0, 0], sizes = [16, 1, 3], strides = [1, 1, 1]} : vector<16x32x3xf32> to vector<16x1x3xf32>
    %mul3A = vector.broadcast %broadcast_in_dim3A_178 : vector<16x32x1xf32> to vector<16x32x3xf32>
    %mul3A_180 = vector.broadcast %slice3A_179 : vector<16x1x3xf32> to vector<16x32x3xf32>
    %mul3A_181 = arith.mulf %mul3A, %mul3A_180 : vector<16x32x3xf32>
    %add3A_182 = arith.addf %reshape3A_172, %mul3A_181 : vector<16x32x3xf32>
    %eq3A_183 = arith.constant 0.000000e+00 : f32
    %eq3A_184 = vector.broadcast %eq3A_183 : f32 to vector<16x1xf32>
    %eq3A_185 = arith.cmpf oeq, %add3A_155, %eq3A_184 : vector<16x1xf32>
    %convert_element_type3A_186 = arith.extui %eq3A_185 : vector<16x1xi1> to vector<16x1xi32>
    %convert_element_type3A_187 = arith.sitofp %convert_element_type3A_186 : vector<16x1xi32> to vector<16x1xf32>
    %broadcast_in_dim3A_188 = vector.shape_cast %convert_element_type3A_187 : vector<16x1xf32> to vector<16x1x1xf32>
    %get3A_189 = arith.constant 0 : index
    %get3A_190 = arith.constant 4095 : index
    %get3A_191 = arith.constant 0 : index
    %get3A_192 = vector.load %arg4[%get3A_189, %get3A_190, %get3A_191] : memref<1x4096x3xf32, #tpu.memory_space<vmem>>, vector<1x1x3xf32>
    %get3A_193 = vector.shape_cast %get3A_192 : vector<1x1x3xf32> to vector<3xf32>
    %broadcast_in_dim3A_194 = vector.shape_cast %get3A_193 : vector<3xf32> to vector<1x1x3xf32>
    %mul3A_195 = vector.broadcast %broadcast_in_dim3A_188 : vector<16x1x1xf32> to vector<16x1x3xf32>
    %mul3A_196 = vector.broadcast %broadcast_in_dim3A_194 : vector<1x1x3xf32> to vector<16x1x3xf32>
    %mul3A_197 = arith.mulf %mul3A_195, %mul3A_196 : vector<16x1x3xf32>
    %add3A_198 = vector.broadcast %mul3A_197 : vector<16x1x3xf32> to vector<16x32x3xf32>
    %add3A_199 = arith.addf %add3A_182, %add3A_198 : vector<16x32x3xf32>
    %broadcast_in_dim3A_200 = vector.shape_cast %get3A_3 : vector<16x3xf32> to vector<16x1x3xf32>
    %sub3A = vector.broadcast %broadcast_in_dim3A_200 : vector<16x1x3xf32> to vector<16x32x3xf32>
    %sub3A_201 = arith.subf %add3A_199, %sub3A : vector<16x32x3xf32>
    %reshape3A_202 = vector.shape_cast %sub3A_201 : vector<16x32x3xf32> to vector<1x16x32x3xf32>
    %swap3A = arith.constant 0 : index
    %swap3A_203 = arith.constant 0 : index
    %swap3A_204 = arith.constant 0 : index
    %swap3A_205 = arith.constant 0 : index
    %swap3A_206 = vector.load %arg5[%swap3A, %swap3A_203, %swap3A_204, %swap3A_205] : memref<1x16x32x3xf32, #tpu.memory_space<vmem>>, vector<1x16x32x3xf32>
    tpu.vector_store %arg5[%swap3A, %swap3A_203, %swap3A_204, %swap3A_205], %reshape3A_202 {strides = array<i32>} : memref<1x16x32x3xf32, #tpu.memory_space<vmem>>, vector<1x16x32x3xf32>,
    return
  }
  func.func @transform_0(%arg0: i32, %arg1: i32) -> (i32, i32, i32) {
    %c0_i32 = arith.constant 0 : i32
    %c0_i32_0 = arith.constant 0 : i32
    return %arg0, %arg1, %c0_i32 : i32, i32, i32
  }
  func.func @transform_1(%arg0: i32, %arg1: i32) -> (i32, i32, i32) {
    %c0_i32 = arith.constant 0 : i32
    %c0_i32_0 = arith.constant 0 : i32
    return %arg0, %arg1, %c0_i32 : i32, i32, i32
  }
  func.func @transform_2(%arg0: i32, %arg1: i32) -> (i32, i32, i32) {
    %c0_i32 = arith.constant 0 : i32
    %c0_i32_0 = arith.constant 0 : i32
    %c0_i32_1 = arith.constant 0 : i32
    return %arg0, %c0_i32, %c0_i32_0 : i32, i32, i32
  }
  func.func @transform_3(%arg0: i32, %arg1: i32) -> (i32, i32, i32, i32) {
    %c0_i32 = arith.constant 0 : i32
    %c0_i32_0 = arith.constant 0 : i32
    %c0_i32_1 = arith.constant 0 : i32
    return %arg0, %arg1, %c0_i32, %c0_i32_0 : i32, i32, i32, i32
  }
}

module attributes {stable_mosaic.version = 14 : i64} {
  func.func @_bq_body(%arg0: i32, %arg1: i32, %arg2: memref<1x16x3xf32, #tpu.memory_space<vmem>>, %arg3: memref<1x16x4096xf32, #tpu.memory_space<vmem>>, %arg4: memref<1x4096x3xf32, #tpu.memory_space<vmem>>, %arg5: memref<1x16x64x3xf32, #tpu.memory_space<vmem>>) attributes {dimension_semantics = [#tpu.dimension_semantics<arbitrary>, #tpu.dimension_semantics<arbitrary>], iteration_bounds = array<i64: 8, 32>, scalar_prefetch = 0 : i64, scratch_operands = 0 : i64, tpu.core_type = #tpu.core_type<tc>, window_params = [{transform_indices = @transform_0, window_bounds = array<i64: 1, 16, 3>}, {transform_indices = @transform_1, window_bounds = array<i64: 1, 16, 4096>}, {transform_indices = @transform_2, window_bounds = array<i64: 1, 4096, 3>}, {transform_indices = @transform_3, window_bounds = array<i64: 1, 16, 64, 3>}]} {
    %get3A = arith.constant 0 : index
    %get3A_0 = arith.constant 0 : index
    %get3A_1 = arith.constant 0 : index
    %get3A_2 = vector.load %arg2[%get3A, %get3A_0, %get3A_1] : memref<1x16x3xf32, #tpu.memory_space<vmem>>, vector<1x16x3xf32>
    %get3A_3 = vector.shape_cast %get3A_2 : vector<1x16x3xf32> to vector<16x3xf32>
    %get3A_4 = arith.constant 0 : index
    %get3A_5 = arith.constant 0 : index
    %get3A_6 = arith.constant 0 : index
    %get3A_7 = vector.load %arg3[%get3A_4, %get3A_5, %get3A_6] : memref<1x16x4096xf32, #tpu.memory_space<vmem>>, vector<1x16x4096xf32>
    %get3A_8 = vector.shape_cast %get3A_7 : vector<1x16x4096xf32> to vector<16x4096xf32>
    %le3A = arith.constant 4.000000e-02 : f32
    %le3A_9 = vector.broadcast %le3A : f32 to vector<16x4096xf32>
    %le3A_10 = arith.cmpf ole, %get3A_8, %le3A_9 : vector<16x4096xf32>
    %convert_element_type3A = arith.extui %le3A_10 : vector<16x4096xi1> to vector<16x4096xi32>
    %convert_element_type3A_11 = arith.sitofp %convert_element_type3A : vector<16x4096xi32> to vector<16x4096xf32>
    %iota3A = tpu.iota {dimensions = array<i32: 0>} : vector<256x256xi32>
    %iota3A_12 = tpu.iota {dimensions = array<i32: 1>} : vector<256x256xi32>
    %lt3A = arith.cmpi slt, %iota3A, %iota3A_12 : vector<256x256xi32>
    %convert_element_type3A_13 = arith.extui %lt3A : vector<256x256xi1> to vector<256x256xi32>
    %convert_element_type3A_14 = arith.sitofp %convert_element_type3A_13 : vector<256x256xi32> to vector<256x256xf32>
    %broadcast_in_dim3A = arith.constant 0.000000e+00 : f32
    %broadcast_in_dim3A_15 = vector.broadcast %broadcast_in_dim3A : f32 to vector<16x1xf32>
    %slice3A = vector.extract_strided_slice %convert_element_type3A_11 {offsets = [0, 0], sizes = [16, 256], strides = [1, 1]} : vector<16x4096xf32> to vector<16x256xf32>
    %dot_general3A = arith.constant dense<0.000000e+00> : vector<16x256xf32>
    %dot_general3A_16 = tpu.matmul %slice3A, %convert_element_type3A_14, %dot_general3A {dimension_numbers = #tpu.dot_dimension_numbers<[1], [0], [0], [1], [0, 0, 1, 1], [], []>, transpose_lhs_hint = false} : vector<16x256xf32>, vector<256x256xf32>, vector<16x256xf32> -> vector<16x256xf32>
    %add3A = vector.broadcast %broadcast_in_dim3A_15 : vector<16x1xf32> to vector<16x256xf32>
    %add3A_17 = arith.addf %dot_general3A_16, %add3A : vector<16x256xf32>
    %reduce_sum3A = arith.constant dense<0.000000e+00> : vector<16xf32>
    %reduce_sum3A_18 = vector.multi_reduction <add>, %slice3A, %reduce_sum3A [1] : vector<16x256xf32> to vector<16xf32>
    %broadcast_in_dim3A_19 = vector.shape_cast %reduce_sum3A_18 : vector<16xf32> to vector<16x1xf32>
    %add3A_20 = arith.addf %broadcast_in_dim3A_15, %broadcast_in_dim3A_19 : vector<16x1xf32>
    %slice3A_21 = vector.extract_strided_slice %convert_element_type3A_11 {offsets = [0, 256], sizes = [16, 256], strides = [1, 1]} : vector<16x4096xf32> to vector<16x256xf32>
    %dot_general3A_22 = arith.constant dense<0.000000e+00> : vector<16x256xf32>
    %dot_general3A_23 = tpu.matmul %slice3A_21, %convert_element_type3A_14, %dot_general3A_22 {dimension_numbers = #tpu.dot_dimension_numbers<[1], [0], [0], [1], [0, 0, 1, 1], [], []>, transpose_lhs_hint = false} : vector<16x256xf32>, vector<256x256xf32>, vector<16x256xf32> -> vector<16x256xf32>
    %add3A_24 = vector.broadcast %add3A_20 : vector<16x1xf32> to vector<16x256xf32>
    %add3A_25 = arith.addf %dot_general3A_23, %add3A_24 : vector<16x256xf32>
    %reduce_sum3A_26 = arith.constant dense<0.000000e+00> : vector<16xf32>
    %reduce_sum3A_27 = vector.multi_reduction <add>, %slice3A_21, %reduce_sum3A_26 [1] : vector<16x256xf32> to vector<16xf32>
    %broadcast_in_dim3A_28 = vector.shape_cast %reduce_sum3A_27 : vector<16xf32> to vector<16x1xf32>
    %add3A_29 = arith.addf %add3A_20, %broadcast_in_dim3A_28 : vector<16x1xf32>
    %slice3A_30 = vector.extract_strided_slice %convert_element_type3A_11 {offsets = [0, 512], sizes = [16, 256], strides = [1, 1]} : vector<16x4096xf32> to vector<16x256xf32>
    %dot_general3A_31 = arith.constant dense<0.000000e+00> : vector<16x256xf32>
    %dot_general3A_32 = tpu.matmul %slice3A_30, %convert_element_type3A_14, %dot_general3A_31 {dimension_numbers = #tpu.dot_dimension_numbers<[1], [0], [0], [1], [0, 0, 1, 1], [], []>, transpose_lhs_hint = false} : vector<16x256xf32>, vector<256x256xf32>, vector<16x256xf32> -> vector<16x256xf32>
    %add3A_33 = vector.broadcast %add3A_29 : vector<16x1xf32> to vector<16x256xf32>
    %add3A_34 = arith.addf %dot_general3A_32, %add3A_33 : vector<16x256xf32>
    %reduce_sum3A_35 = arith.constant dense<0.000000e+00> : vector<16xf32>
    %reduce_sum3A_36 = vector.multi_reduction <add>, %slice3A_30, %reduce_sum3A_35 [1] : vector<16x256xf32> to vector<16xf32>
    %broadcast_in_dim3A_37 = vector.shape_cast %reduce_sum3A_36 : vector<16xf32> to vector<16x1xf32>
    %add3A_38 = arith.addf %add3A_29, %broadcast_in_dim3A_37 : vector<16x1xf32>
    %slice3A_39 = vector.extract_strided_slice %convert_element_type3A_11 {offsets = [0, 768], sizes = [16, 256], strides = [1, 1]} : vector<16x4096xf32> to vector<16x256xf32>
    %dot_general3A_40 = arith.constant dense<0.000000e+00> : vector<16x256xf32>
    %dot_general3A_41 = tpu.matmul %slice3A_39, %convert_element_type3A_14, %dot_general3A_40 {dimension_numbers = #tpu.dot_dimension_numbers<[1], [0], [0], [1], [0, 0, 1, 1], [], []>, transpose_lhs_hint = false} : vector<16x256xf32>, vector<256x256xf32>, vector<16x256xf32> -> vector<16x256xf32>
    %add3A_42 = vector.broadcast %add3A_38 : vector<16x1xf32> to vector<16x256xf32>
    %add3A_43 = arith.addf %dot_general3A_41, %add3A_42 : vector<16x256xf32>
    %reduce_sum3A_44 = arith.constant dense<0.000000e+00> : vector<16xf32>
    %reduce_sum3A_45 = vector.multi_reduction <add>, %slice3A_39, %reduce_sum3A_44 [1] : vector<16x256xf32> to vector<16xf32>
    %broadcast_in_dim3A_46 = vector.shape_cast %reduce_sum3A_45 : vector<16xf32> to vector<16x1xf32>
    %add3A_47 = arith.addf %add3A_38, %broadcast_in_dim3A_46 : vector<16x1xf32>
    %slice3A_48 = vector.extract_strided_slice %convert_element_type3A_11 {offsets = [0, 1024], sizes = [16, 256], strides = [1, 1]} : vector<16x4096xf32> to vector<16x256xf32>
    %dot_general3A_49 = arith.constant dense<0.000000e+00> : vector<16x256xf32>
    %dot_general3A_50 = tpu.matmul %slice3A_48, %convert_element_type3A_14, %dot_general3A_49 {dimension_numbers = #tpu.dot_dimension_numbers<[1], [0], [0], [1], [0, 0, 1, 1], [], []>, transpose_lhs_hint = false} : vector<16x256xf32>, vector<256x256xf32>, vector<16x256xf32> -> vector<16x256xf32>
    %add3A_51 = vector.broadcast %add3A_47 : vector<16x1xf32> to vector<16x256xf32>
    %add3A_52 = arith.addf %dot_general3A_50, %add3A_51 : vector<16x256xf32>
    %reduce_sum3A_53 = arith.constant dense<0.000000e+00> : vector<16xf32>
    %reduce_sum3A_54 = vector.multi_reduction <add>, %slice3A_48, %reduce_sum3A_53 [1] : vector<16x256xf32> to vector<16xf32>
    %broadcast_in_dim3A_55 = vector.shape_cast %reduce_sum3A_54 : vector<16xf32> to vector<16x1xf32>
    %add3A_56 = arith.addf %add3A_47, %broadcast_in_dim3A_55 : vector<16x1xf32>
    %slice3A_57 = vector.extract_strided_slice %convert_element_type3A_11 {offsets = [0, 1280], sizes = [16, 256], strides = [1, 1]} : vector<16x4096xf32> to vector<16x256xf32>
    %dot_general3A_58 = arith.constant dense<0.000000e+00> : vector<16x256xf32>
    %dot_general3A_59 = tpu.matmul %slice3A_57, %convert_element_type3A_14, %dot_general3A_58 {dimension_numbers = #tpu.dot_dimension_numbers<[1], [0], [0], [1], [0, 0, 1, 1], [], []>, transpose_lhs_hint = false} : vector<16x256xf32>, vector<256x256xf32>, vector<16x256xf32> -> vector<16x256xf32>
    %add3A_60 = vector.broadcast %add3A_56 : vector<16x1xf32> to vector<16x256xf32>
    %add3A_61 = arith.addf %dot_general3A_59, %add3A_60 : vector<16x256xf32>
    %reduce_sum3A_62 = arith.constant dense<0.000000e+00> : vector<16xf32>
    %reduce_sum3A_63 = vector.multi_reduction <add>, %slice3A_57, %reduce_sum3A_62 [1] : vector<16x256xf32> to vector<16xf32>
    %broadcast_in_dim3A_64 = vector.shape_cast %reduce_sum3A_63 : vector<16xf32> to vector<16x1xf32>
    %add3A_65 = arith.addf %add3A_56, %broadcast_in_dim3A_64 : vector<16x1xf32>
    %slice3A_66 = vector.extract_strided_slice %convert_element_type3A_11 {offsets = [0, 1536], sizes = [16, 256], strides = [1, 1]} : vector<16x4096xf32> to vector<16x256xf32>
    %dot_general3A_67 = arith.constant dense<0.000000e+00> : vector<16x256xf32>
    %dot_general3A_68 = tpu.matmul %slice3A_66, %convert_element_type3A_14, %dot_general3A_67 {dimension_numbers = #tpu.dot_dimension_numbers<[1], [0], [0], [1], [0, 0, 1, 1], [], []>, transpose_lhs_hint = false} : vector<16x256xf32>, vector<256x256xf32>, vector<16x256xf32> -> vector<16x256xf32>
    %add3A_69 = vector.broadcast %add3A_65 : vector<16x1xf32> to vector<16x256xf32>
    %add3A_70 = arith.addf %dot_general3A_68, %add3A_69 : vector<16x256xf32>
    %reduce_sum3A_71 = arith.constant dense<0.000000e+00> : vector<16xf32>
    %reduce_sum3A_72 = vector.multi_reduction <add>, %slice3A_66, %reduce_sum3A_71 [1] : vector<16x256xf32> to vector<16xf32>
    %broadcast_in_dim3A_73 = vector.shape_cast %reduce_sum3A_72 : vector<16xf32> to vector<16x1xf32>
    %add3A_74 = arith.addf %add3A_65, %broadcast_in_dim3A_73 : vector<16x1xf32>
    %slice3A_75 = vector.extract_strided_slice %convert_element_type3A_11 {offsets = [0, 1792], sizes = [16, 256], strides = [1, 1]} : vector<16x4096xf32> to vector<16x256xf32>
    %dot_general3A_76 = arith.constant dense<0.000000e+00> : vector<16x256xf32>
    %dot_general3A_77 = tpu.matmul %slice3A_75, %convert_element_type3A_14, %dot_general3A_76 {dimension_numbers = #tpu.dot_dimension_numbers<[1], [0], [0], [1], [0, 0, 1, 1], [], []>, transpose_lhs_hint = false} : vector<16x256xf32>, vector<256x256xf32>, vector<16x256xf32> -> vector<16x256xf32>
    %add3A_78 = vector.broadcast %add3A_74 : vector<16x1xf32> to vector<16x256xf32>
    %add3A_79 = arith.addf %dot_general3A_77, %add3A_78 : vector<16x256xf32>
    %reduce_sum3A_80 = arith.constant dense<0.000000e+00> : vector<16xf32>
    %reduce_sum3A_81 = vector.multi_reduction <add>, %slice3A_75, %reduce_sum3A_80 [1] : vector<16x256xf32> to vector<16xf32>
    %broadcast_in_dim3A_82 = vector.shape_cast %reduce_sum3A_81 : vector<16xf32> to vector<16x1xf32>
    %add3A_83 = arith.addf %add3A_74, %broadcast_in_dim3A_82 : vector<16x1xf32>
    %slice3A_84 = vector.extract_strided_slice %convert_element_type3A_11 {offsets = [0, 2048], sizes = [16, 256], strides = [1, 1]} : vector<16x4096xf32> to vector<16x256xf32>
    %dot_general3A_85 = arith.constant dense<0.000000e+00> : vector<16x256xf32>
    %dot_general3A_86 = tpu.matmul %slice3A_84, %convert_element_type3A_14, %dot_general3A_85 {dimension_numbers = #tpu.dot_dimension_numbers<[1], [0], [0], [1], [0, 0, 1, 1], [], []>, transpose_lhs_hint = false} : vector<16x256xf32>, vector<256x256xf32>, vector<16x256xf32> -> vector<16x256xf32>
    %add3A_87 = vector.broadcast %add3A_83 : vector<16x1xf32> to vector<16x256xf32>
    %add3A_88 = arith.addf %dot_general3A_86, %add3A_87 : vector<16x256xf32>
    %reduce_sum3A_89 = arith.constant dense<0.000000e+00> : vector<16xf32>
    %reduce_sum3A_90 = vector.multi_reduction <add>, %slice3A_84, %reduce_sum3A_89 [1] : vector<16x256xf32> to vector<16xf32>
    %broadcast_in_dim3A_91 = vector.shape_cast %reduce_sum3A_90 : vector<16xf32> to vector<16x1xf32>
    %add3A_92 = arith.addf %add3A_83, %broadcast_in_dim3A_91 : vector<16x1xf32>
    %slice3A_93 = vector.extract_strided_slice %convert_element_type3A_11 {offsets = [0, 2304], sizes = [16, 256], strides = [1, 1]} : vector<16x4096xf32> to vector<16x256xf32>
    %dot_general3A_94 = arith.constant dense<0.000000e+00> : vector<16x256xf32>
    %dot_general3A_95 = tpu.matmul %slice3A_93, %convert_element_type3A_14, %dot_general3A_94 {dimension_numbers = #tpu.dot_dimension_numbers<[1], [0], [0], [1], [0, 0, 1, 1], [], []>, transpose_lhs_hint = false} : vector<16x256xf32>, vector<256x256xf32>, vector<16x256xf32> -> vector<16x256xf32>
    %add3A_96 = vector.broadcast %add3A_92 : vector<16x1xf32> to vector<16x256xf32>
    %add3A_97 = arith.addf %dot_general3A_95, %add3A_96 : vector<16x256xf32>
    %reduce_sum3A_98 = arith.constant dense<0.000000e+00> : vector<16xf32>
    %reduce_sum3A_99 = vector.multi_reduction <add>, %slice3A_93, %reduce_sum3A_98 [1] : vector<16x256xf32> to vector<16xf32>
    %broadcast_in_dim3A_100 = vector.shape_cast %reduce_sum3A_99 : vector<16xf32> to vector<16x1xf32>
    %add3A_101 = arith.addf %add3A_92, %broadcast_in_dim3A_100 : vector<16x1xf32>
    %slice3A_102 = vector.extract_strided_slice %convert_element_type3A_11 {offsets = [0, 2560], sizes = [16, 256], strides = [1, 1]} : vector<16x4096xf32> to vector<16x256xf32>
    %dot_general3A_103 = arith.constant dense<0.000000e+00> : vector<16x256xf32>
    %dot_general3A_104 = tpu.matmul %slice3A_102, %convert_element_type3A_14, %dot_general3A_103 {dimension_numbers = #tpu.dot_dimension_numbers<[1], [0], [0], [1], [0, 0, 1, 1], [], []>, transpose_lhs_hint = false} : vector<16x256xf32>, vector<256x256xf32>, vector<16x256xf32> -> vector<16x256xf32>
    %add3A_105 = vector.broadcast %add3A_101 : vector<16x1xf32> to vector<16x256xf32>
    %add3A_106 = arith.addf %dot_general3A_104, %add3A_105 : vector<16x256xf32>
    %reduce_sum3A_107 = arith.constant dense<0.000000e+00> : vector<16xf32>
    %reduce_sum3A_108 = vector.multi_reduction <add>, %slice3A_102, %reduce_sum3A_107 [1] : vector<16x256xf32> to vector<16xf32>
    %broadcast_in_dim3A_109 = vector.shape_cast %reduce_sum3A_108 : vector<16xf32> to vector<16x1xf32>
    %add3A_110 = arith.addf %add3A_101, %broadcast_in_dim3A_109 : vector<16x1xf32>
    %slice3A_111 = vector.extract_strided_slice %convert_element_type3A_11 {offsets = [0, 2816], sizes = [16, 256], strides = [1, 1]} : vector<16x4096xf32> to vector<16x256xf32>
    %dot_general3A_112 = arith.constant dense<0.000000e+00> : vector<16x256xf32>
    %dot_general3A_113 = tpu.matmul %slice3A_111, %convert_element_type3A_14, %dot_general3A_112 {dimension_numbers = #tpu.dot_dimension_numbers<[1], [0], [0], [1], [0, 0, 1, 1], [], []>, transpose_lhs_hint = false} : vector<16x256xf32>, vector<256x256xf32>, vector<16x256xf32> -> vector<16x256xf32>
    %add3A_114 = vector.broadcast %add3A_110 : vector<16x1xf32> to vector<16x256xf32>
    %add3A_115 = arith.addf %dot_general3A_113, %add3A_114 : vector<16x256xf32>
    %reduce_sum3A_116 = arith.constant dense<0.000000e+00> : vector<16xf32>
    %reduce_sum3A_117 = vector.multi_reduction <add>, %slice3A_111, %reduce_sum3A_116 [1] : vector<16x256xf32> to vector<16xf32>
    %broadcast_in_dim3A_118 = vector.shape_cast %reduce_sum3A_117 : vector<16xf32> to vector<16x1xf32>
    %add3A_119 = arith.addf %add3A_110, %broadcast_in_dim3A_118 : vector<16x1xf32>
    %slice3A_120 = vector.extract_strided_slice %convert_element_type3A_11 {offsets = [0, 3072], sizes = [16, 256], strides = [1, 1]} : vector<16x4096xf32> to vector<16x256xf32>
    %dot_general3A_121 = arith.constant dense<0.000000e+00> : vector<16x256xf32>
    %dot_general3A_122 = tpu.matmul %slice3A_120, %convert_element_type3A_14, %dot_general3A_121 {dimension_numbers = #tpu.dot_dimension_numbers<[1], [0], [0], [1], [0, 0, 1, 1], [], []>, transpose_lhs_hint = false} : vector<16x256xf32>, vector<256x256xf32>, vector<16x256xf32> -> vector<16x256xf32>
    %add3A_123 = vector.broadcast %add3A_119 : vector<16x1xf32> to vector<16x256xf32>
    %add3A_124 = arith.addf %dot_general3A_122, %add3A_123 : vector<16x256xf32>
    %reduce_sum3A_125 = arith.constant dense<0.000000e+00> : vector<16xf32>
    %reduce_sum3A_126 = vector.multi_reduction <add>, %slice3A_120, %reduce_sum3A_125 [1] : vector<16x256xf32> to vector<16xf32>
    %broadcast_in_dim3A_127 = vector.shape_cast %reduce_sum3A_126 : vector<16xf32> to vector<16x1xf32>
    %add3A_128 = arith.addf %add3A_119, %broadcast_in_dim3A_127 : vector<16x1xf32>
    %slice3A_129 = vector.extract_strided_slice %convert_element_type3A_11 {offsets = [0, 3328], sizes = [16, 256], strides = [1, 1]} : vector<16x4096xf32> to vector<16x256xf32>
    %dot_general3A_130 = arith.constant dense<0.000000e+00> : vector<16x256xf32>
    %dot_general3A_131 = tpu.matmul %slice3A_129, %convert_element_type3A_14, %dot_general3A_130 {dimension_numbers = #tpu.dot_dimension_numbers<[1], [0], [0], [1], [0, 0, 1, 1], [], []>, transpose_lhs_hint = false} : vector<16x256xf32>, vector<256x256xf32>, vector<16x256xf32> -> vector<16x256xf32>
    %add3A_132 = vector.broadcast %add3A_128 : vector<16x1xf32> to vector<16x256xf32>
    %add3A_133 = arith.addf %dot_general3A_131, %add3A_132 : vector<16x256xf32>
    %reduce_sum3A_134 = arith.constant dense<0.000000e+00> : vector<16xf32>
    %reduce_sum3A_135 = vector.multi_reduction <add>, %slice3A_129, %reduce_sum3A_134 [1] : vector<16x256xf32> to vector<16xf32>
    %broadcast_in_dim3A_136 = vector.shape_cast %reduce_sum3A_135 : vector<16xf32> to vector<16x1xf32>
    %add3A_137 = arith.addf %add3A_128, %broadcast_in_dim3A_136 : vector<16x1xf32>
    %slice3A_138 = vector.extract_strided_slice %convert_element_type3A_11 {offsets = [0, 3584], sizes = [16, 256], strides = [1, 1]} : vector<16x4096xf32> to vector<16x256xf32>
    %dot_general3A_139 = arith.constant dense<0.000000e+00> : vector<16x256xf32>
    %dot_general3A_140 = tpu.matmul %slice3A_138, %convert_element_type3A_14, %dot_general3A_139 {dimension_numbers = #tpu.dot_dimension_numbers<[1], [0], [0], [1], [0, 0, 1, 1], [], []>, transpose_lhs_hint = false} : vector<16x256xf32>, vector<256x256xf32>, vector<16x256xf32> -> vector<16x256xf32>
    %add3A_141 = vector.broadcast %add3A_137 : vector<16x1xf32> to vector<16x256xf32>
    %add3A_142 = arith.addf %dot_general3A_140, %add3A_141 : vector<16x256xf32>
    %reduce_sum3A_143 = arith.constant dense<0.000000e+00> : vector<16xf32>
    %reduce_sum3A_144 = vector.multi_reduction <add>, %slice3A_138, %reduce_sum3A_143 [1] : vector<16x256xf32> to vector<16xf32>
    %broadcast_in_dim3A_145 = vector.shape_cast %reduce_sum3A_144 : vector<16xf32> to vector<16x1xf32>
    %add3A_146 = arith.addf %add3A_137, %broadcast_in_dim3A_145 : vector<16x1xf32>
    %slice3A_147 = vector.extract_strided_slice %convert_element_type3A_11 {offsets = [0, 3840], sizes = [16, 256], strides = [1, 1]} : vector<16x4096xf32> to vector<16x256xf32>
    %dot_general3A_148 = arith.constant dense<0.000000e+00> : vector<16x256xf32>
    %dot_general3A_149 = tpu.matmul %slice3A_147, %convert_element_type3A_14, %dot_general3A_148 {dimension_numbers = #tpu.dot_dimension_numbers<[1], [0], [0], [1], [0, 0, 1, 1], [], []>, transpose_lhs_hint = false} : vector<16x256xf32>, vector<256x256xf32>, vector<16x256xf32> -> vector<16x256xf32>
    %add3A_150 = vector.broadcast %add3A_146 : vector<16x1xf32> to vector<16x256xf32>
    %add3A_151 = arith.addf %dot_general3A_149, %add3A_150 : vector<16x256xf32>
    %reduce_sum3A_152 = arith.constant dense<0.000000e+00> : vector<16xf32>
    %reduce_sum3A_153 = vector.multi_reduction <add>, %slice3A_147, %reduce_sum3A_152 [1] : vector<16x256xf32> to vector<16xf32>
    %broadcast_in_dim3A_154 = vector.shape_cast %reduce_sum3A_153 : vector<16xf32> to vector<16x1xf32>
    %add3A_155 = arith.addf %add3A_146, %broadcast_in_dim3A_154 : vector<16x1xf32>
    %concatenate3A = tpu.concatenate %add3A_17, %add3A_25, %add3A_34, %add3A_43, %add3A_52, %add3A_61, %add3A_70, %add3A_79, %add3A_88, %add3A_97, %add3A_106, %add3A_115, %add3A_124, %add3A_133, %add3A_142, %add3A_151 in 1 : vector<16x256xf32>, vector<16x256xf32>, vector<16x256xf32>, vector<16x256xf32>, vector<16x256xf32>, vector<16x256xf32>, vector<16x256xf32>, vector<16x256xf32>, vector<16x256xf32>, vector<16x256xf32>, vector<16x256xf32>, vector<16x256xf32>, vector<16x256xf32>, vector<16x256xf32>, vector<16x256xf32>, vector<16x256xf32> -> vector<16x4096xf32>
    %iota3A_156 = tpu.iota {dimensions = array<i32: 1>} : vector<1x64x1xi32>
    %convert_element_type3A_157 = arith.sitofp %iota3A_156 : vector<1x64x1xi32> to vector<1x64x1xf32>
    %broadcast_in_dim3A_158 = vector.shape_cast %concatenate3A : vector<16x4096xf32> to vector<16x1x4096xf32>
    %eq3A = vector.broadcast %broadcast_in_dim3A_158 : vector<16x1x4096xf32> to vector<16x64x4096xf32>
    %eq3A_159 = vector.broadcast %convert_element_type3A_157 : vector<1x64x1xf32> to vector<16x64x4096xf32>
    %eq3A_160 = arith.cmpf oeq, %eq3A, %eq3A_159 : vector<16x64x4096xf32>
    %broadcast_in_dim3A_161 = vector.shape_cast %le3A_10 : vector<16x4096xi1> to vector<16x1x4096xi1>
    %and3A = vector.broadcast %broadcast_in_dim3A_161 : vector<16x1x4096xi1> to vector<16x64x4096xi1>
    %and3A_162 = arith.andi %eq3A_160, %and3A : vector<16x64x4096xi1>
    %reshape3A = vector.shape_cast %and3A_162 : vector<16x64x4096xi1> to vector<1024x4096xi1>
    %convert_element_type3A_163 = arith.extui %reshape3A : vector<1024x4096xi1> to vector<1024x4096xi32>
    %convert_element_type3A_164 = arith.sitofp %convert_element_type3A_163 : vector<1024x4096xi32> to vector<1024x4096xf32>
    %get3A_165 = arith.constant 0 : index
    %get3A_166 = arith.constant 0 : index
    %get3A_167 = arith.constant 0 : index
    %get3A_168 = vector.load %arg4[%get3A_165, %get3A_166, %get3A_167] : memref<1x4096x3xf32, #tpu.memory_space<vmem>>, vector<1x4096x3xf32>
    %get3A_169 = vector.shape_cast %get3A_168 : vector<1x4096x3xf32> to vector<4096x3xf32>
    %dot_general3A_170 = arith.constant dense<0.000000e+00> : vector<1024x3xf32>
    %dot_general3A_171 = tpu.matmul %convert_element_type3A_164, %get3A_169, %dot_general3A_170 {dimension_numbers = #tpu.dot_dimension_numbers<[1], [0], [0], [1], [0, 0, 1, 1], [], []>, precision = #tpu.contract_precision<fp32>, transpose_lhs_hint = false} : vector<1024x4096xf32>, vector<4096x3xf32>, vector<1024x3xf32> -> vector<1024x3xf32>
    %reshape3A_172 = vector.shape_cast %dot_general3A_171 : vector<1024x3xf32> to vector<16x64x3xf32>
    %iota3A_173 = tpu.iota {dimensions = array<i32: 1>} : vector<16x64xi32>
    %convert_element_type3A_174 = arith.sitofp %iota3A_173 : vector<16x64xi32> to vector<16x64xf32>
    %ge3A = vector.broadcast %add3A_155 : vector<16x1xf32> to vector<16x64xf32>
    %ge3A_175 = arith.cmpf oge, %convert_element_type3A_174, %ge3A : vector<16x64xf32>
    %convert_element_type3A_176 = arith.extui %ge3A_175 : vector<16x64xi1> to vector<16x64xi32>
    %convert_element_type3A_177 = arith.sitofp %convert_element_type3A_176 : vector<16x64xi32> to vector<16x64xf32>
    %broadcast_in_dim3A_178 = vector.shape_cast %convert_element_type3A_177 : vector<16x64xf32> to vector<16x64x1xf32>
    %slice3A_179 = vector.extract_strided_slice %reshape3A_172 {offsets = [0, 0, 0], sizes = [16, 1, 3], strides = [1, 1, 1]} : vector<16x64x3xf32> to vector<16x1x3xf32>
    %mul3A = vector.broadcast %broadcast_in_dim3A_178 : vector<16x64x1xf32> to vector<16x64x3xf32>
    %mul3A_180 = vector.broadcast %slice3A_179 : vector<16x1x3xf32> to vector<16x64x3xf32>
    %mul3A_181 = arith.mulf %mul3A, %mul3A_180 : vector<16x64x3xf32>
    %add3A_182 = arith.addf %reshape3A_172, %mul3A_181 : vector<16x64x3xf32>
    %eq3A_183 = arith.constant 0.000000e+00 : f32
    %eq3A_184 = vector.broadcast %eq3A_183 : f32 to vector<16x1xf32>
    %eq3A_185 = arith.cmpf oeq, %add3A_155, %eq3A_184 : vector<16x1xf32>
    %convert_element_type3A_186 = arith.extui %eq3A_185 : vector<16x1xi1> to vector<16x1xi32>
    %convert_element_type3A_187 = arith.sitofp %convert_element_type3A_186 : vector<16x1xi32> to vector<16x1xf32>
    %broadcast_in_dim3A_188 = vector.shape_cast %convert_element_type3A_187 : vector<16x1xf32> to vector<16x1x1xf32>
    %get3A_189 = arith.constant 0 : index
    %get3A_190 = arith.constant 4095 : index
    %get3A_191 = arith.constant 0 : index
    %get3A_192 = vector.load %arg4[%get3A_189, %get3A_190, %get3A_191] : memref<1x4096x3xf32, #tpu.memory_space<vmem>>, vector<1x1x3xf32>
    %get3A_193 = vector.shape_cast %get3A_192 : vector<1x1x3xf32> to vector<3xf32>
    %broadcast_in_dim3A_194 = vector.shape_cast %get3A_193 : vector<3xf32> to vector<1x1x3xf32>
    %mul3A_195 = vector.broadcast %broadcast_in_dim3A_188 : vector<16x1x1xf32> to vector<16x1x3xf32>
    %mul3A_196 = vector.broadcast %broadcast_in_dim3A_194 : vector<1x1x3xf32> to vector<16x1x3xf32>
    %mul3A_197 = arith.mulf %mul3A_195, %mul3A_196 : vector<16x1x3xf32>
    %add3A_198 = vector.broadcast %mul3A_197 : vector<16x1x3xf32> to vector<16x64x3xf32>
    %add3A_199 = arith.addf %add3A_182, %add3A_198 : vector<16x64x3xf32>
    %broadcast_in_dim3A_200 = vector.shape_cast %get3A_3 : vector<16x3xf32> to vector<16x1x3xf32>
    %sub3A = vector.broadcast %broadcast_in_dim3A_200 : vector<16x1x3xf32> to vector<16x64x3xf32>
    %sub3A_201 = arith.subf %add3A_199, %sub3A : vector<16x64x3xf32>
    %reshape3A_202 = vector.shape_cast %sub3A_201 : vector<16x64x3xf32> to vector<1x16x64x3xf32>
    %swap3A = arith.constant 0 : index
    %swap3A_203 = arith.constant 0 : index
    %swap3A_204 = arith.constant 0 : index
    %swap3A_205 = arith.constant 0 : index
    %swap3A_206 = vector.load %arg5[%swap3A, %swap3A_203, %swap3A_204, %swap3A_205] : memref<1x16x64x3xf32, #tpu.memory_space<vmem>>, vector<1x16x64x3xf32>
    tpu.vector_store %arg5[%swap3A, %swap3A_203, %swap3A_204, %swap3A_205], %reshape3A_202 {strides = array<i32>} : memref<1x16x64x3xf32, #tpu.memory_space<vmem>>, vector<1x16x64x3xf32>,
    return
  }
  func.func @transform_0(%arg0: i32, %arg1: i32) -> (i32, i32, i32) {
    %c0_i32 = arith.constant 0 : i32
    %c0_i32_0 = arith.constant 0 : i32
    return %arg0, %arg1, %c0_i32 : i32, i32, i32
  }
  func.func @transform_1(%arg0: i32, %arg1: i32) -> (i32, i32, i32) {
    %c0_i32 = arith.constant 0 : i32
    %c0_i32_0 = arith.constant 0 : i32
    return %arg0, %arg1, %c0_i32 : i32, i32, i32
  }
  func.func @transform_2(%arg0: i32, %arg1: i32) -> (i32, i32, i32) {
    %c0_i32 = arith.constant 0 : i32
    %c0_i32_0 = arith.constant 0 : i32
    %c0_i32_1 = arith.constant 0 : i32
    return %arg0, %c0_i32, %c0_i32_0 : i32, i32, i32
  }
  func.func @transform_3(%arg0: i32, %arg1: i32) -> (i32, i32, i32, i32) {
    %c0_i32 = arith.constant 0 : i32
    %c0_i32_0 = arith.constant 0 : i32
    %c0_i32_1 = arith.constant 0 : i32
    return %arg0, %arg1, %c0_i32, %c0_i32_0 : i32, i32, i32, i32
  }
}

module attributes {stable_mosaic.version = 14 : i64} {
  func.func @_fps_body(%arg0: memref<8x3x512xf32, #tpu.memory_space<vmem>>, %arg1: memref<8x3x128xf32, #tpu.memory_space<vmem>>) attributes {dimension_semantics = [], scalar_prefetch = 0 : i64, scratch_operands = 0 : i64, tpu.core_type = #tpu.core_type<tc>} {
    %get3A = arith.constant 0 : index
    %get3A_0 = arith.constant 0 : index
    %get3A_1 = arith.constant 0 : index
    %get3A_2 = vector.load %arg0[%get3A, %get3A_0, %get3A_1] : memref<8x3x512xf32, #tpu.memory_space<vmem>>, vector<8x3x512xf32>
    %iota3A = tpu.iota {dimensions = array<i32: 1>} : vector<8x512xi32>
    %iota3A_3 = tpu.iota {dimensions = array<i32: 1>} : vector<8x128xi32>
    %broadcast_in_dim3A = arith.constant 1.000000e+10 : f32
    %broadcast_in_dim3A_4 = vector.broadcast %broadcast_in_dim3A : f32 to vector<8x512xf32>
    %broadcast_in_dim3A_5 = arith.constant 0 : i32
    %broadcast_in_dim3A_6 = vector.broadcast %broadcast_in_dim3A_5 : i32 to vector<8x1xi32>
    %broadcast_in_dim3A_7 = arith.constant 0.000000e+00 : f32
    %broadcast_in_dim3A_8 = vector.broadcast %broadcast_in_dim3A_7 : f32 to vector<8x3x128xf32>
    %scan3A = arith.constant 0 : i32
    %scan3A_9 = arith.constant 128 : i32
    %scan3A_10 = arith.addi %scan3A, %scan3A_9 : i32
    %scan3A_11 = arith.constant 1 : i32
    %scan3A_12:3 = scf.for %scan3A_17 = %scan3A to %scan3A_10 step %scan3A_11 iter_args(%scan3A_18 = %broadcast_in_dim3A_4, %scan3A_19 = %broadcast_in_dim3A_6, %scan3A_20 = %broadcast_in_dim3A_8) -> (vector<8x512xf32>, vector<8x1xi32>, vector<8x3x128xf32>)  : i32 {
      %eq3A = vector.broadcast %scan3A_19 : vector<8x1xi32> to vector<8x512xi32>
      %eq3A_21 = arith.cmpi eq, %iota3A, %eq3A : vector<8x512xi32>
      %convert_element_type3A = arith.extui %eq3A_21 : vector<8x512xi1> to vector<8x512xi32>
      %convert_element_type3A_22 = arith.sitofp %convert_element_type3A : vector<8x512xi32> to vector<8x512xf32>
      %broadcast_in_dim3A_23 = vector.shape_cast %convert_element_type3A_22 : vector<8x512xf32> to vector<8x1x512xf32>
      %mul3A = vector.broadcast %broadcast_in_dim3A_23 : vector<8x1x512xf32> to vector<8x3x512xf32>
      %mul3A_24 = arith.mulf %mul3A, %get3A_2 : vector<8x3x512xf32>
      %reduce_sum3A = arith.constant dense<0.000000e+00> : vector<8x3xf32>
      %reduce_sum3A_25 = vector.multi_reduction <add>, %mul3A_24, %reduce_sum3A [2] : vector<8x3x512xf32> to vector<8x3xf32>
      %eq3A_26 = vector.broadcast %scan3A_17 : i32 to vector<8x128xi32>
      %eq3A_27 = arith.cmpi eq, %iota3A_3, %eq3A_26 : vector<8x128xi32>
      %convert_element_type3A_28 = arith.extui %eq3A_27 : vector<8x128xi1> to vector<8x128xi32>
      %convert_element_type3A_29 = arith.sitofp %convert_element_type3A_28 : vector<8x128xi32> to vector<8x128xf32>
      %broadcast_in_dim3A_30 = vector.shape_cast %reduce_sum3A_25 : vector<8x3xf32> to vector<8x3x1xf32>
      %broadcast_in_dim3A_31 = vector.shape_cast %convert_element_type3A_29 : vector<8x128xf32> to vector<8x1x128xf32>
      %mul3A_32 = vector.broadcast %broadcast_in_dim3A_30 : vector<8x3x1xf32> to vector<8x3x128xf32>
      %mul3A_33 = vector.broadcast %broadcast_in_dim3A_31 : vector<8x1x128xf32> to vector<8x3x128xf32>
      %mul3A_34 = arith.mulf %mul3A_32, %mul3A_33 : vector<8x3x128xf32>
      %add3A = arith.addf %scan3A_20, %mul3A_34 : vector<8x3x128xf32>
      %broadcast_in_dim3A_35 = vector.shape_cast %reduce_sum3A_25 : vector<8x3xf32> to vector<8x3x1xf32>
      %sub3A = vector.broadcast %broadcast_in_dim3A_35 : vector<8x3x1xf32> to vector<8x3x512xf32>
      %sub3A_36 = arith.subf %get3A_2, %sub3A : vector<8x3x512xf32>
      %integer_pow3A = arith.mulf %sub3A_36, %sub3A_36 : vector<8x3x512xf32>
      %reduce_sum3A_37 = arith.constant dense<0.000000e+00> : vector<8x512xf32>
      %reduce_sum3A_38 = vector.multi_reduction <add>, %integer_pow3A, %reduce_sum3A_37 [1] : vector<8x3x512xf32> to vector<8x512xf32>
      %min3A = arith.minimumf %scan3A_18, %reduce_sum3A_38 : vector<8x512xf32>
      %argmax3A = tpu.reduce_index %min3A {axis = 1 : i32, kind = #tpu.reduction_kind<arg_max>} : vector<8x512xf32> -> vector<8xi32>
      %broadcast_in_dim3A_39 = vector.shape_cast %argmax3A : vector<8xi32> to vector<8x1xi32>
      scf.yield %min3A, %broadcast_in_dim3A_39, %add3A : vector<8x512xf32>, vector<8x1xi32>, vector<8x3x128xf32>
    }
    %scan3A_13 = arith.constant 128 : i32
    %swap3A = arith.constant 0 : index
    %swap3A_14 = arith.constant 0 : index
    %swap3A_15 = arith.constant 0 : index
    %swap3A_16 = vector.load %arg1[%swap3A, %swap3A_14, %swap3A_15] : memref<8x3x128xf32, #tpu.memory_space<vmem>>, vector<8x3x128xf32>
    tpu.vector_store %arg1[%swap3A, %swap3A_14, %swap3A_15], %scan3A_12#2 {strides = array<i32>} : memref<8x3x128xf32, #tpu.memory_space<vmem>>, vector<8x3x128xf32>,
    return
  }
}

module attributes {stable_mosaic.version = 14 : i64} {
  func.func @_lin0_body(%arg0: i32, %arg1: i32, %arg2: memref<1x64x32x3xf32, #tpu.memory_space<vmem>>, %arg3: memref<3x32xf32, #tpu.memory_space<vmem>>, %arg4: memref<1x32xf32, #tpu.memory_space<vmem>>, %arg5: memref<1x64x32x32xf32, #tpu.memory_space<vmem>>) attributes {dimension_semantics = [#tpu.dimension_semantics<arbitrary>, #tpu.dimension_semantics<arbitrary>], iteration_bounds = array<i64: 8, 8>, scalar_prefetch = 0 : i64, scratch_operands = 0 : i64, tpu.core_type = #tpu.core_type<tc>, window_params = [{transform_indices = @transform_0, window_bounds = array<i64: 1, 64, 32, 3>}, {pipeline_mode = #tpu.pipeline_mode<synchronous>, transform_indices = @transform_1, window_bounds = array<i64: 3, 32>}, {pipeline_mode = #tpu.pipeline_mode<synchronous>, transform_indices = @transform_2, window_bounds = array<i64: 1, 32>}, {transform_indices = @transform_3, window_bounds = array<i64: 1, 64, 32, 32>}]} {
    %get3A = arith.constant 0 : index
    %get3A_0 = arith.constant 0 : index
    %get3A_1 = arith.constant 0 : index
    %get3A_2 = arith.constant 0 : index
    %get3A_3 = vector.load %arg2[%get3A, %get3A_0, %get3A_1, %get3A_2] : memref<1x64x32x3xf32, #tpu.memory_space<vmem>>, vector<1x64x32x3xf32>
    %reshape3A = vector.shape_cast %get3A_3 : vector<1x64x32x3xf32> to vector<2048x3xf32>
    %get3A_4 = arith.constant 0 : index
    %get3A_5 = arith.constant 0 : index
    %get3A_6 = vector.load %arg3[%get3A_4, %get3A_5] : memref<3x32xf32, #tpu.memory_space<vmem>>, vector<3x32xf32>
    %dot_general3A = arith.constant dense<0.000000e+00> : vector<2048x32xf32>
    %dot_general3A_7 = tpu.matmul %reshape3A, %get3A_6, %dot_general3A {dimension_numbers = #tpu.dot_dimension_numbers<[1], [0], [0], [1], [0, 0, 1, 1], [], []>, transpose_lhs_hint = false} : vector<2048x3xf32>, vector<3x32xf32>, vector<2048x32xf32> -> vector<2048x32xf32>
    %get3A_8 = arith.constant 0 : index
    %get3A_9 = arith.constant 0 : index
    %get3A_10 = vector.load %arg4[%get3A_8, %get3A_9] : memref<1x32xf32, #tpu.memory_space<vmem>>, vector<1x32xf32>
    %add3A = vector.broadcast %get3A_10 : vector<1x32xf32> to vector<2048x32xf32>
    %add3A_11 = arith.addf %dot_general3A_7, %add3A : vector<2048x32xf32>
    %reshape3A_12 = vector.shape_cast %add3A_11 : vector<2048x32xf32> to vector<1x64x32x32xf32>
    %swap3A = arith.constant 0 : index
    %swap3A_13 = arith.constant 0 : index
    %swap3A_14 = arith.constant 0 : index
    %swap3A_15 = arith.constant 0 : index
    %swap3A_16 = vector.load %arg5[%swap3A, %swap3A_13, %swap3A_14, %swap3A_15] : memref<1x64x32x32xf32, #tpu.memory_space<vmem>>, vector<1x64x32x32xf32>
    tpu.vector_store %arg5[%swap3A, %swap3A_13, %swap3A_14, %swap3A_15], %reshape3A_12 {strides = array<i32>} : memref<1x64x32x32xf32, #tpu.memory_space<vmem>>, vector<1x64x32x32xf32>,
    return
  }
  func.func @transform_0(%arg0: i32, %arg1: i32) -> (i32, i32, i32, i32) {
    %c0_i32 = arith.constant 0 : i32
    %c0_i32_0 = arith.constant 0 : i32
    %c0_i32_1 = arith.constant 0 : i32
    return %arg0, %arg1, %c0_i32, %c0_i32_0 : i32, i32, i32, i32
  }
  func.func @transform_1(%arg0: i32, %arg1: i32) -> (i32, i32) {
    %c0_i32 = arith.constant 0 : i32
    %c0_i32_0 = arith.constant 0 : i32
    %c0_i32_1 = arith.constant 0 : i32
    return %c0_i32, %c0_i32_0 : i32, i32
  }
  func.func @transform_2(%arg0: i32, %arg1: i32) -> (i32, i32) {
    %c0_i32 = arith.constant 0 : i32
    %c0_i32_0 = arith.constant 0 : i32
    %c0_i32_1 = arith.constant 0 : i32
    return %c0_i32, %c0_i32_0 : i32, i32
  }
  func.func @transform_3(%arg0: i32, %arg1: i32) -> (i32, i32, i32, i32) {
    %c0_i32 = arith.constant 0 : i32
    %c0_i32_0 = arith.constant 0 : i32
    %c0_i32_1 = arith.constant 0 : i32
    return %arg0, %arg1, %c0_i32, %c0_i32_0 : i32, i32, i32, i32
  }
}

module attributes {stable_mosaic.version = 14 : i64} {
  func.func @_mid_body(%arg0: i32, %arg1: i32, %arg2: memref<1x64x32x32xf32, #tpu.memory_space<vmem>>, %arg3: memref<1x32xf32, #tpu.memory_space<vmem>>, %arg4: memref<1x32xf32, #tpu.memory_space<vmem>>, %arg5: memref<1x32xf32, #tpu.memory_space<vmem>>, %arg6: memref<1x32xf32, #tpu.memory_space<vmem>>, %arg7: memref<32x32xf32, #tpu.memory_space<vmem>>, %arg8: memref<1x32xf32, #tpu.memory_space<vmem>>, %arg9: memref<1x64x32x32xf32, #tpu.memory_space<vmem>>) attributes {dimension_semantics = [#tpu.dimension_semantics<arbitrary>, #tpu.dimension_semantics<arbitrary>], iteration_bounds = array<i64: 8, 8>, scalar_prefetch = 0 : i64, scratch_operands = 0 : i64, tpu.core_type = #tpu.core_type<tc>, window_params = [{transform_indices = @transform_0, window_bounds = array<i64: 1, 64, 32, 32>}, {pipeline_mode = #tpu.pipeline_mode<synchronous>, transform_indices = @transform_1, window_bounds = array<i64: 1, 32>}, {pipeline_mode = #tpu.pipeline_mode<synchronous>, transform_indices = @transform_2, window_bounds = array<i64: 1, 32>}, {pipeline_mode = #tpu.pipeline_mode<synchronous>, transform_indices = @transform_3, window_bounds = array<i64: 1, 32>}, {pipeline_mode = #tpu.pipeline_mode<synchronous>, transform_indices = @transform_4, window_bounds = array<i64: 1, 32>}, {pipeline_mode = #tpu.pipeline_mode<synchronous>, transform_indices = @transform_5, window_bounds = array<i64: 32, 32>}, {pipeline_mode = #tpu.pipeline_mode<synchronous>, transform_indices = @transform_6, window_bounds = array<i64: 1, 32>}, {transform_indices = @transform_7, window_bounds = array<i64: 1, 64, 32, 32>}]} {
    %get3A = arith.constant 0 : index
    %get3A_0 = arith.constant 0 : index
    %get3A_1 = arith.constant 0 : index
    %get3A_2 = arith.constant 0 : index
    %get3A_3 = vector.load %arg2[%get3A, %get3A_0, %get3A_1, %get3A_2] : memref<1x64x32x32xf32, #tpu.memory_space<vmem>>, vector<1x64x32x32xf32>
    %reshape3A = vector.shape_cast %get3A_3 : vector<1x64x32x32xf32> to vector<2048x32xf32>
    %get3A_4 = arith.constant 0 : index
    %get3A_5 = arith.constant 0 : index
    %get3A_6 = vector.load %arg5[%get3A_4, %get3A_5] : memref<1x32xf32, #tpu.memory_space<vmem>>, vector<1x32xf32>
    %get3A_7 = arith.constant 0 : index
    %get3A_8 = arith.constant 0 : index
    %get3A_9 = vector.load %arg3[%get3A_7, %get3A_8] : memref<1x32xf32, #tpu.memory_space<vmem>>, vector<1x32xf32>
    %sub3A = vector.broadcast %get3A_9 : vector<1x32xf32> to vector<2048x32xf32>
    %sub3A_10 = arith.subf %reshape3A, %sub3A : vector<2048x32xf32>
    %mul3A = vector.broadcast %get3A_6 : vector<1x32xf32> to vector<2048x32xf32>
    %mul3A_11 = arith.mulf %mul3A, %sub3A_10 : vector<2048x32xf32>
    %get3A_12 = arith.constant 0 : index
    %get3A_13 = arith.constant 0 : index
    %get3A_14 = vector.load %arg4[%get3A_12, %get3A_13] : memref<1x32xf32, #tpu.memory_space<vmem>>, vector<1x32xf32>
    %add3A = arith.constant 9.99999974E-6 : f32
    %add3A_15 = vector.broadcast %add3A : f32 to vector<1x32xf32>
    %add3A_16 = arith.addf %get3A_14, %add3A_15 : vector<1x32xf32>
    %sqrt3A = math.sqrt %add3A_16 : vector<1x32xf32>
    %div3A = vector.broadcast %sqrt3A : vector<1x32xf32> to vector<2048x32xf32>
    %div3A_17 = arith.divf %mul3A_11, %div3A : vector<2048x32xf32>
    %get3A_18 = arith.constant 0 : index
    %get3A_19 = arith.constant 0 : index
    %get3A_20 = vector.load %arg6[%get3A_18, %get3A_19] : memref<1x32xf32, #tpu.memory_space<vmem>>, vector<1x32xf32>
    %add3A_21 = vector.broadcast %get3A_20 : vector<1x32xf32> to vector<2048x32xf32>
    %add3A_22 = arith.addf %div3A_17, %add3A_21 : vector<2048x32xf32>
    %max3A = arith.constant 0.000000e+00 : f32
    %max3A_23 = vector.broadcast %max3A : f32 to vector<2048x32xf32>
    %max3A_24 = arith.maximumf %add3A_22, %max3A_23 : vector<2048x32xf32>
    %get3A_25 = arith.constant 0 : index
    %get3A_26 = arith.constant 0 : index
    %get3A_27 = vector.load %arg7[%get3A_25, %get3A_26] : memref<32x32xf32, #tpu.memory_space<vmem>>, vector<32x32xf32>
    %dot_general3A = arith.constant dense<0.000000e+00> : vector<2048x32xf32>
    %dot_general3A_28 = tpu.matmul %max3A_24, %get3A_27, %dot_general3A {dimension_numbers = #tpu.dot_dimension_numbers<[1], [0], [0], [1], [0, 0, 1, 1], [], []>, transpose_lhs_hint = false} : vector<2048x32xf32>, vector<32x32xf32>, vector<2048x32xf32> -> vector<2048x32xf32>
    %get3A_29 = arith.constant 0 : index
    %get3A_30 = arith.constant 0 : index
    %get3A_31 = vector.load %arg8[%get3A_29, %get3A_30] : memref<1x32xf32, #tpu.memory_space<vmem>>, vector<1x32xf32>
    %add3A_32 = vector.broadcast %get3A_31 : vector<1x32xf32> to vector<2048x32xf32>
    %add3A_33 = arith.addf %dot_general3A_28, %add3A_32 : vector<2048x32xf32>
    %reshape3A_34 = vector.shape_cast %add3A_33 : vector<2048x32xf32> to vector<1x64x32x32xf32>
    %swap3A = arith.constant 0 : index
    %swap3A_35 = arith.constant 0 : index
    %swap3A_36 = arith.constant 0 : index
    %swap3A_37 = arith.constant 0 : index
    %swap3A_38 = vector.load %arg9[%swap3A, %swap3A_35, %swap3A_36, %swap3A_37] : memref<1x64x32x32xf32, #tpu.memory_space<vmem>>, vector<1x64x32x32xf32>
    tpu.vector_store %arg9[%swap3A, %swap3A_35, %swap3A_36, %swap3A_37], %reshape3A_34 {strides = array<i32>} : memref<1x64x32x32xf32, #tpu.memory_space<vmem>>, vector<1x64x32x32xf32>,
    return
  }
  func.func @transform_0(%arg0: i32, %arg1: i32) -> (i32, i32, i32, i32) {
    %c0_i32 = arith.constant 0 : i32
    %c0_i32_0 = arith.constant 0 : i32
    %c0_i32_1 = arith.constant 0 : i32
    return %arg0, %arg1, %c0_i32, %c0_i32_0 : i32, i32, i32, i32
  }
  func.func @transform_1(%arg0: i32, %arg1: i32) -> (i32, i32) {
    %c0_i32 = arith.constant 0 : i32
    %c0_i32_0 = arith.constant 0 : i32
    %c0_i32_1 = arith.constant 0 : i32
    return %c0_i32, %c0_i32_0 : i32, i32
  }
  func.func @transform_2(%arg0: i32, %arg1: i32) -> (i32, i32) {
    %c0_i32 = arith.constant 0 : i32
    %c0_i32_0 = arith.constant 0 : i32
    %c0_i32_1 = arith.constant 0 : i32
    return %c0_i32, %c0_i32_0 : i32, i32
  }
  func.func @transform_3(%arg0: i32, %arg1: i32) -> (i32, i32) {
    %c0_i32 = arith.constant 0 : i32
    %c0_i32_0 = arith.constant 0 : i32
    %c0_i32_1 = arith.constant 0 : i32
    return %c0_i32, %c0_i32_0 : i32, i32
  }
  func.func @transform_4(%arg0: i32, %arg1: i32) -> (i32, i32) {
    %c0_i32 = arith.constant 0 : i32
    %c0_i32_0 = arith.constant 0 : i32
    %c0_i32_1 = arith.constant 0 : i32
    return %c0_i32, %c0_i32_0 : i32, i32
  }
  func.func @transform_5(%arg0: i32, %arg1: i32) -> (i32, i32) {
    %c0_i32 = arith.constant 0 : i32
    %c0_i32_0 = arith.constant 0 : i32
    %c0_i32_1 = arith.constant 0 : i32
    return %c0_i32, %c0_i32_0 : i32, i32
  }
  func.func @transform_6(%arg0: i32, %arg1: i32) -> (i32, i32) {
    %c0_i32 = arith.constant 0 : i32
    %c0_i32_0 = arith.constant 0 : i32
    %c0_i32_1 = arith.constant 0 : i32
    return %c0_i32, %c0_i32_0 : i32, i32
  }
  func.func @transform_7(%arg0: i32, %arg1: i32) -> (i32, i32, i32, i32) {
    %c0_i32 = arith.constant 0 : i32
    %c0_i32_0 = arith.constant 0 : i32
    %c0_i32_1 = arith.constant 0 : i32
    return %arg0, %arg1, %c0_i32, %c0_i32_0 : i32, i32, i32, i32
  }
}

module attributes {stable_mosaic.version = 14 : i64} {
  func.func @_mid_body(%arg0: i32, %arg1: i32, %arg2: memref<1x64x32x32xf32, #tpu.memory_space<vmem>>, %arg3: memref<1x32xf32, #tpu.memory_space<vmem>>, %arg4: memref<1x32xf32, #tpu.memory_space<vmem>>, %arg5: memref<1x32xf32, #tpu.memory_space<vmem>>, %arg6: memref<1x32xf32, #tpu.memory_space<vmem>>, %arg7: memref<32x64xf32, #tpu.memory_space<vmem>>, %arg8: memref<1x64xf32, #tpu.memory_space<vmem>>, %arg9: memref<1x64x32x64xf32, #tpu.memory_space<vmem>>) attributes {dimension_semantics = [#tpu.dimension_semantics<arbitrary>, #tpu.dimension_semantics<arbitrary>], iteration_bounds = array<i64: 8, 8>, scalar_prefetch = 0 : i64, scratch_operands = 0 : i64, tpu.core_type = #tpu.core_type<tc>, window_params = [{transform_indices = @transform_0, window_bounds = array<i64: 1, 64, 32, 32>}, {pipeline_mode = #tpu.pipeline_mode<synchronous>, transform_indices = @transform_1, window_bounds = array<i64: 1, 32>}, {pipeline_mode = #tpu.pipeline_mode<synchronous>, transform_indices = @transform_2, window_bounds = array<i64: 1, 32>}, {pipeline_mode = #tpu.pipeline_mode<synchronous>, transform_indices = @transform_3, window_bounds = array<i64: 1, 32>}, {pipeline_mode = #tpu.pipeline_mode<synchronous>, transform_indices = @transform_4, window_bounds = array<i64: 1, 32>}, {pipeline_mode = #tpu.pipeline_mode<synchronous>, transform_indices = @transform_5, window_bounds = array<i64: 32, 64>}, {pipeline_mode = #tpu.pipeline_mode<synchronous>, transform_indices = @transform_6, window_bounds = array<i64: 1, 64>}, {transform_indices = @transform_7, window_bounds = array<i64: 1, 64, 32, 64>}]} {
    %get3A = arith.constant 0 : index
    %get3A_0 = arith.constant 0 : index
    %get3A_1 = arith.constant 0 : index
    %get3A_2 = arith.constant 0 : index
    %get3A_3 = vector.load %arg2[%get3A, %get3A_0, %get3A_1, %get3A_2] : memref<1x64x32x32xf32, #tpu.memory_space<vmem>>, vector<1x64x32x32xf32>
    %reshape3A = vector.shape_cast %get3A_3 : vector<1x64x32x32xf32> to vector<2048x32xf32>
    %get3A_4 = arith.constant 0 : index
    %get3A_5 = arith.constant 0 : index
    %get3A_6 = vector.load %arg5[%get3A_4, %get3A_5] : memref<1x32xf32, #tpu.memory_space<vmem>>, vector<1x32xf32>
    %get3A_7 = arith.constant 0 : index
    %get3A_8 = arith.constant 0 : index
    %get3A_9 = vector.load %arg3[%get3A_7, %get3A_8] : memref<1x32xf32, #tpu.memory_space<vmem>>, vector<1x32xf32>
    %sub3A = vector.broadcast %get3A_9 : vector<1x32xf32> to vector<2048x32xf32>
    %sub3A_10 = arith.subf %reshape3A, %sub3A : vector<2048x32xf32>
    %mul3A = vector.broadcast %get3A_6 : vector<1x32xf32> to vector<2048x32xf32>
    %mul3A_11 = arith.mulf %mul3A, %sub3A_10 : vector<2048x32xf32>
    %get3A_12 = arith.constant 0 : index
    %get3A_13 = arith.constant 0 : index
    %get3A_14 = vector.load %arg4[%get3A_12, %get3A_13] : memref<1x32xf32, #tpu.memory_space<vmem>>, vector<1x32xf32>
    %add3A = arith.constant 9.99999974E-6 : f32
    %add3A_15 = vector.broadcast %add3A : f32 to vector<1x32xf32>
    %add3A_16 = arith.addf %get3A_14, %add3A_15 : vector<1x32xf32>
    %sqrt3A = math.sqrt %add3A_16 : vector<1x32xf32>
    %div3A = vector.broadcast %sqrt3A : vector<1x32xf32> to vector<2048x32xf32>
    %div3A_17 = arith.divf %mul3A_11, %div3A : vector<2048x32xf32>
    %get3A_18 = arith.constant 0 : index
    %get3A_19 = arith.constant 0 : index
    %get3A_20 = vector.load %arg6[%get3A_18, %get3A_19] : memref<1x32xf32, #tpu.memory_space<vmem>>, vector<1x32xf32>
    %add3A_21 = vector.broadcast %get3A_20 : vector<1x32xf32> to vector<2048x32xf32>
    %add3A_22 = arith.addf %div3A_17, %add3A_21 : vector<2048x32xf32>
    %max3A = arith.constant 0.000000e+00 : f32
    %max3A_23 = vector.broadcast %max3A : f32 to vector<2048x32xf32>
    %max3A_24 = arith.maximumf %add3A_22, %max3A_23 : vector<2048x32xf32>
    %get3A_25 = arith.constant 0 : index
    %get3A_26 = arith.constant 0 : index
    %get3A_27 = vector.load %arg7[%get3A_25, %get3A_26] : memref<32x64xf32, #tpu.memory_space<vmem>>, vector<32x64xf32>
    %dot_general3A = arith.constant dense<0.000000e+00> : vector<2048x64xf32>
    %dot_general3A_28 = tpu.matmul %max3A_24, %get3A_27, %dot_general3A {dimension_numbers = #tpu.dot_dimension_numbers<[1], [0], [0], [1], [0, 0, 1, 1], [], []>, transpose_lhs_hint = false} : vector<2048x32xf32>, vector<32x64xf32>, vector<2048x64xf32> -> vector<2048x64xf32>
    %get3A_29 = arith.constant 0 : index
    %get3A_30 = arith.constant 0 : index
    %get3A_31 = vector.load %arg8[%get3A_29, %get3A_30] : memref<1x64xf32, #tpu.memory_space<vmem>>, vector<1x64xf32>
    %add3A_32 = vector.broadcast %get3A_31 : vector<1x64xf32> to vector<2048x64xf32>
    %add3A_33 = arith.addf %dot_general3A_28, %add3A_32 : vector<2048x64xf32>
    %reshape3A_34 = vector.shape_cast %add3A_33 : vector<2048x64xf32> to vector<1x64x32x64xf32>
    %swap3A = arith.constant 0 : index
    %swap3A_35 = arith.constant 0 : index
    %swap3A_36 = arith.constant 0 : index
    %swap3A_37 = arith.constant 0 : index
    %swap3A_38 = vector.load %arg9[%swap3A, %swap3A_35, %swap3A_36, %swap3A_37] : memref<1x64x32x64xf32, #tpu.memory_space<vmem>>, vector<1x64x32x64xf32>
    tpu.vector_store %arg9[%swap3A, %swap3A_35, %swap3A_36, %swap3A_37], %reshape3A_34 {strides = array<i32>} : memref<1x64x32x64xf32, #tpu.memory_space<vmem>>, vector<1x64x32x64xf32>,
    return
  }
  func.func @transform_0(%arg0: i32, %arg1: i32) -> (i32, i32, i32, i32) {
    %c0_i32 = arith.constant 0 : i32
    %c0_i32_0 = arith.constant 0 : i32
    %c0_i32_1 = arith.constant 0 : i32
    return %arg0, %arg1, %c0_i32, %c0_i32_0 : i32, i32, i32, i32
  }
  func.func @transform_1(%arg0: i32, %arg1: i32) -> (i32, i32) {
    %c0_i32 = arith.constant 0 : i32
    %c0_i32_0 = arith.constant 0 : i32
    %c0_i32_1 = arith.constant 0 : i32
    return %c0_i32, %c0_i32_0 : i32, i32
  }
  func.func @transform_2(%arg0: i32, %arg1: i32) -> (i32, i32) {
    %c0_i32 = arith.constant 0 : i32
    %c0_i32_0 = arith.constant 0 : i32
    %c0_i32_1 = arith.constant 0 : i32
    return %c0_i32, %c0_i32_0 : i32, i32
  }
  func.func @transform_3(%arg0: i32, %arg1: i32) -> (i32, i32) {
    %c0_i32 = arith.constant 0 : i32
    %c0_i32_0 = arith.constant 0 : i32
    %c0_i32_1 = arith.constant 0 : i32
    return %c0_i32, %c0_i32_0 : i32, i32
  }
  func.func @transform_4(%arg0: i32, %arg1: i32) -> (i32, i32) {
    %c0_i32 = arith.constant 0 : i32
    %c0_i32_0 = arith.constant 0 : i32
    %c0_i32_1 = arith.constant 0 : i32
    return %c0_i32, %c0_i32_0 : i32, i32
  }
  func.func @transform_5(%arg0: i32, %arg1: i32) -> (i32, i32) {
    %c0_i32 = arith.constant 0 : i32
    %c0_i32_0 = arith.constant 0 : i32
    %c0_i32_1 = arith.constant 0 : i32
    return %c0_i32, %c0_i32_0 : i32, i32
  }
  func.func @transform_6(%arg0: i32, %arg1: i32) -> (i32, i32) {
    %c0_i32 = arith.constant 0 : i32
    %c0_i32_0 = arith.constant 0 : i32
    %c0_i32_1 = arith.constant 0 : i32
    return %c0_i32, %c0_i32_0 : i32, i32
  }
  func.func @transform_7(%arg0: i32, %arg1: i32) -> (i32, i32, i32, i32) {
    %c0_i32 = arith.constant 0 : i32
    %c0_i32_0 = arith.constant 0 : i32
    %c0_i32_1 = arith.constant 0 : i32
    return %arg0, %arg1, %c0_i32, %c0_i32_0 : i32, i32, i32, i32
  }
}

module attributes {stable_mosaic.version = 14 : i64} {
  func.func @_lin0_body(%arg0: i32, %arg1: i32, %arg2: memref<1x32x64x3xf32, #tpu.memory_space<vmem>>, %arg3: memref<3x32xf32, #tpu.memory_space<vmem>>, %arg4: memref<1x32xf32, #tpu.memory_space<vmem>>, %arg5: memref<1x32x64x32xf32, #tpu.memory_space<vmem>>) attributes {dimension_semantics = [#tpu.dimension_semantics<arbitrary>, #tpu.dimension_semantics<arbitrary>], iteration_bounds = array<i64: 8, 16>, scalar_prefetch = 0 : i64, scratch_operands = 0 : i64, tpu.core_type = #tpu.core_type<tc>, window_params = [{transform_indices = @transform_0, window_bounds = array<i64: 1, 32, 64, 3>}, {pipeline_mode = #tpu.pipeline_mode<synchronous>, transform_indices = @transform_1, window_bounds = array<i64: 3, 32>}, {pipeline_mode = #tpu.pipeline_mode<synchronous>, transform_indices = @transform_2, window_bounds = array<i64: 1, 32>}, {transform_indices = @transform_3, window_bounds = array<i64: 1, 32, 64, 32>}]} {
    %get3A = arith.constant 0 : index
    %get3A_0 = arith.constant 0 : index
    %get3A_1 = arith.constant 0 : index
    %get3A_2 = arith.constant 0 : index
    %get3A_3 = vector.load %arg2[%get3A, %get3A_0, %get3A_1, %get3A_2] : memref<1x32x64x3xf32, #tpu.memory_space<vmem>>, vector<1x32x64x3xf32>
    %reshape3A = vector.shape_cast %get3A_3 : vector<1x32x64x3xf32> to vector<2048x3xf32>
    %get3A_4 = arith.constant 0 : index
    %get3A_5 = arith.constant 0 : index
    %get3A_6 = vector.load %arg3[%get3A_4, %get3A_5] : memref<3x32xf32, #tpu.memory_space<vmem>>, vector<3x32xf32>
    %dot_general3A = arith.constant dense<0.000000e+00> : vector<2048x32xf32>
    %dot_general3A_7 = tpu.matmul %reshape3A, %get3A_6, %dot_general3A {dimension_numbers = #tpu.dot_dimension_numbers<[1], [0], [0], [1], [0, 0, 1, 1], [], []>, transpose_lhs_hint = false} : vector<2048x3xf32>, vector<3x32xf32>, vector<2048x32xf32> -> vector<2048x32xf32>
    %get3A_8 = arith.constant 0 : index
    %get3A_9 = arith.constant 0 : index
    %get3A_10 = vector.load %arg4[%get3A_8, %get3A_9] : memref<1x32xf32, #tpu.memory_space<vmem>>, vector<1x32xf32>
    %add3A = vector.broadcast %get3A_10 : vector<1x32xf32> to vector<2048x32xf32>
    %add3A_11 = arith.addf %dot_general3A_7, %add3A : vector<2048x32xf32>
    %reshape3A_12 = vector.shape_cast %add3A_11 : vector<2048x32xf32> to vector<1x32x64x32xf32>
    %swap3A = arith.constant 0 : index
    %swap3A_13 = arith.constant 0 : index
    %swap3A_14 = arith.constant 0 : index
    %swap3A_15 = arith.constant 0 : index
    %swap3A_16 = vector.load %arg5[%swap3A, %swap3A_13, %swap3A_14, %swap3A_15] : memref<1x32x64x32xf32, #tpu.memory_space<vmem>>, vector<1x32x64x32xf32>
    tpu.vector_store %arg5[%swap3A, %swap3A_13, %swap3A_14, %swap3A_15], %reshape3A_12 {strides = array<i32>} : memref<1x32x64x32xf32, #tpu.memory_space<vmem>>, vector<1x32x64x32xf32>,
    return
  }
  func.func @transform_0(%arg0: i32, %arg1: i32) -> (i32, i32, i32, i32) {
    %c0_i32 = arith.constant 0 : i32
    %c0_i32_0 = arith.constant 0 : i32
    %c0_i32_1 = arith.constant 0 : i32
    return %arg0, %arg1, %c0_i32, %c0_i32_0 : i32, i32, i32, i32
  }
  func.func @transform_1(%arg0: i32, %arg1: i32) -> (i32, i32) {
    %c0_i32 = arith.constant 0 : i32
    %c0_i32_0 = arith.constant 0 : i32
    %c0_i32_1 = arith.constant 0 : i32
    return %c0_i32, %c0_i32_0 : i32, i32
  }
  func.func @transform_2(%arg0: i32, %arg1: i32) -> (i32, i32) {
    %c0_i32 = arith.constant 0 : i32
    %c0_i32_0 = arith.constant 0 : i32
    %c0_i32_1 = arith.constant 0 : i32
    return %c0_i32, %c0_i32_0 : i32, i32
  }
  func.func @transform_3(%arg0: i32, %arg1: i32) -> (i32, i32, i32, i32) {
    %c0_i32 = arith.constant 0 : i32
    %c0_i32_0 = arith.constant 0 : i32
    %c0_i32_1 = arith.constant 0 : i32
    return %arg0, %arg1, %c0_i32, %c0_i32_0 : i32, i32, i32, i32
  }
}

module attributes {stable_mosaic.version = 14 : i64} {
  func.func @_mid_body(%arg0: i32, %arg1: i32, %arg2: memref<1x32x64x32xf32, #tpu.memory_space<vmem>>, %arg3: memref<1x32xf32, #tpu.memory_space<vmem>>, %arg4: memref<1x32xf32, #tpu.memory_space<vmem>>, %arg5: memref<1x32xf32, #tpu.memory_space<vmem>>, %arg6: memref<1x32xf32, #tpu.memory_space<vmem>>, %arg7: memref<32x32xf32, #tpu.memory_space<vmem>>, %arg8: memref<1x32xf32, #tpu.memory_space<vmem>>, %arg9: memref<1x32x64x32xf32, #tpu.memory_space<vmem>>) attributes {dimension_semantics = [#tpu.dimension_semantics<arbitrary>, #tpu.dimension_semantics<arbitrary>], iteration_bounds = array<i64: 8, 16>, scalar_prefetch = 0 : i64, scratch_operands = 0 : i64, tpu.core_type = #tpu.core_type<tc>, window_params = [{transform_indices = @transform_0, window_bounds = array<i64: 1, 32, 64, 32>}, {pipeline_mode = #tpu.pipeline_mode<synchronous>, transform_indices = @transform_1, window_bounds = array<i64: 1, 32>}, {pipeline_mode = #tpu.pipeline_mode<synchronous>, transform_indices = @transform_2, window_bounds = array<i64: 1, 32>}, {pipeline_mode = #tpu.pipeline_mode<synchronous>, transform_indices = @transform_3, window_bounds = array<i64: 1, 32>}, {pipeline_mode = #tpu.pipeline_mode<synchronous>, transform_indices = @transform_4, window_bounds = array<i64: 1, 32>}, {pipeline_mode = #tpu.pipeline_mode<synchronous>, transform_indices = @transform_5, window_bounds = array<i64: 32, 32>}, {pipeline_mode = #tpu.pipeline_mode<synchronous>, transform_indices = @transform_6, window_bounds = array<i64: 1, 32>}, {transform_indices = @transform_7, window_bounds = array<i64: 1, 32, 64, 32>}]} {
    %get3A = arith.constant 0 : index
    %get3A_0 = arith.constant 0 : index
    %get3A_1 = arith.constant 0 : index
    %get3A_2 = arith.constant 0 : index
    %get3A_3 = vector.load %arg2[%get3A, %get3A_0, %get3A_1, %get3A_2] : memref<1x32x64x32xf32, #tpu.memory_space<vmem>>, vector<1x32x64x32xf32>
    %reshape3A = vector.shape_cast %get3A_3 : vector<1x32x64x32xf32> to vector<2048x32xf32>
    %get3A_4 = arith.constant 0 : index
    %get3A_5 = arith.constant 0 : index
    %get3A_6 = vector.load %arg5[%get3A_4, %get3A_5] : memref<1x32xf32, #tpu.memory_space<vmem>>, vector<1x32xf32>
    %get3A_7 = arith.constant 0 : index
    %get3A_8 = arith.constant 0 : index
    %get3A_9 = vector.load %arg3[%get3A_7, %get3A_8] : memref<1x32xf32, #tpu.memory_space<vmem>>, vector<1x32xf32>
    %sub3A = vector.broadcast %get3A_9 : vector<1x32xf32> to vector<2048x32xf32>
    %sub3A_10 = arith.subf %reshape3A, %sub3A : vector<2048x32xf32>
    %mul3A = vector.broadcast %get3A_6 : vector<1x32xf32> to vector<2048x32xf32>
    %mul3A_11 = arith.mulf %mul3A, %sub3A_10 : vector<2048x32xf32>
    %get3A_12 = arith.constant 0 : index
    %get3A_13 = arith.constant 0 : index
    %get3A_14 = vector.load %arg4[%get3A_12, %get3A_13] : memref<1x32xf32, #tpu.memory_space<vmem>>, vector<1x32xf32>
    %add3A = arith.constant 9.99999974E-6 : f32
    %add3A_15 = vector.broadcast %add3A : f32 to vector<1x32xf32>
    %add3A_16 = arith.addf %get3A_14, %add3A_15 : vector<1x32xf32>
    %sqrt3A = math.sqrt %add3A_16 : vector<1x32xf32>
    %div3A = vector.broadcast %sqrt3A : vector<1x32xf32> to vector<2048x32xf32>
    %div3A_17 = arith.divf %mul3A_11, %div3A : vector<2048x32xf32>
    %get3A_18 = arith.constant 0 : index
    %get3A_19 = arith.constant 0 : index
    %get3A_20 = vector.load %arg6[%get3A_18, %get3A_19] : memref<1x32xf32, #tpu.memory_space<vmem>>, vector<1x32xf32>
    %add3A_21 = vector.broadcast %get3A_20 : vector<1x32xf32> to vector<2048x32xf32>
    %add3A_22 = arith.addf %div3A_17, %add3A_21 : vector<2048x32xf32>
    %max3A = arith.constant 0.000000e+00 : f32
    %max3A_23 = vector.broadcast %max3A : f32 to vector<2048x32xf32>
    %max3A_24 = arith.maximumf %add3A_22, %max3A_23 : vector<2048x32xf32>
    %get3A_25 = arith.constant 0 : index
    %get3A_26 = arith.constant 0 : index
    %get3A_27 = vector.load %arg7[%get3A_25, %get3A_26] : memref<32x32xf32, #tpu.memory_space<vmem>>, vector<32x32xf32>
    %dot_general3A = arith.constant dense<0.000000e+00> : vector<2048x32xf32>
    %dot_general3A_28 = tpu.matmul %max3A_24, %get3A_27, %dot_general3A {dimension_numbers = #tpu.dot_dimension_numbers<[1], [0], [0], [1], [0, 0, 1, 1], [], []>, transpose_lhs_hint = false} : vector<2048x32xf32>, vector<32x32xf32>, vector<2048x32xf32> -> vector<2048x32xf32>
    %get3A_29 = arith.constant 0 : index
    %get3A_30 = arith.constant 0 : index
    %get3A_31 = vector.load %arg8[%get3A_29, %get3A_30] : memref<1x32xf32, #tpu.memory_space<vmem>>, vector<1x32xf32>
    %add3A_32 = vector.broadcast %get3A_31 : vector<1x32xf32> to vector<2048x32xf32>
    %add3A_33 = arith.addf %dot_general3A_28, %add3A_32 : vector<2048x32xf32>
    %reshape3A_34 = vector.shape_cast %add3A_33 : vector<2048x32xf32> to vector<1x32x64x32xf32>
    %swap3A = arith.constant 0 : index
    %swap3A_35 = arith.constant 0 : index
    %swap3A_36 = arith.constant 0 : index
    %swap3A_37 = arith.constant 0 : index
    %swap3A_38 = vector.load %arg9[%swap3A, %swap3A_35, %swap3A_36, %swap3A_37] : memref<1x32x64x32xf32, #tpu.memory_space<vmem>>, vector<1x32x64x32xf32>
    tpu.vector_store %arg9[%swap3A, %swap3A_35, %swap3A_36, %swap3A_37], %reshape3A_34 {strides = array<i32>} : memref<1x32x64x32xf32, #tpu.memory_space<vmem>>, vector<1x32x64x32xf32>,
    return
  }
  func.func @transform_0(%arg0: i32, %arg1: i32) -> (i32, i32, i32, i32) {
    %c0_i32 = arith.constant 0 : i32
    %c0_i32_0 = arith.constant 0 : i32
    %c0_i32_1 = arith.constant 0 : i32
    return %arg0, %arg1, %c0_i32, %c0_i32_0 : i32, i32, i32, i32
  }
  func.func @transform_1(%arg0: i32, %arg1: i32) -> (i32, i32) {
    %c0_i32 = arith.constant 0 : i32
    %c0_i32_0 = arith.constant 0 : i32
    %c0_i32_1 = arith.constant 0 : i32
    return %c0_i32, %c0_i32_0 : i32, i32
  }
  func.func @transform_2(%arg0: i32, %arg1: i32) -> (i32, i32) {
    %c0_i32 = arith.constant 0 : i32
    %c0_i32_0 = arith.constant 0 : i32
    %c0_i32_1 = arith.constant 0 : i32
    return %c0_i32, %c0_i32_0 : i32, i32
  }
  func.func @transform_3(%arg0: i32, %arg1: i32) -> (i32, i32) {
    %c0_i32 = arith.constant 0 : i32
    %c0_i32_0 = arith.constant 0 : i32
    %c0_i32_1 = arith.constant 0 : i32
    return %c0_i32, %c0_i32_0 : i32, i32
  }
  func.func @transform_4(%arg0: i32, %arg1: i32) -> (i32, i32) {
    %c0_i32 = arith.constant 0 : i32
    %c0_i32_0 = arith.constant 0 : i32
    %c0_i32_1 = arith.constant 0 : i32
    return %c0_i32, %c0_i32_0 : i32, i32
  }
  func.func @transform_5(%arg0: i32, %arg1: i32) -> (i32, i32) {
    %c0_i32 = arith.constant 0 : i32
    %c0_i32_0 = arith.constant 0 : i32
    %c0_i32_1 = arith.constant 0 : i32
    return %c0_i32, %c0_i32_0 : i32, i32
  }
  func.func @transform_6(%arg0: i32, %arg1: i32) -> (i32, i32) {
    %c0_i32 = arith.constant 0 : i32
    %c0_i32_0 = arith.constant 0 : i32
    %c0_i32_1 = arith.constant 0 : i32
    return %c0_i32, %c0_i32_0 : i32, i32
  }
  func.func @transform_7(%arg0: i32, %arg1: i32) -> (i32, i32, i32, i32) {
    %c0_i32 = arith.constant 0 : i32
    %c0_i32_0 = arith.constant 0 : i32
    %c0_i32_1 = arith.constant 0 : i32
    return %arg0, %arg1, %c0_i32, %c0_i32_0 : i32, i32, i32, i32
  }
}

module attributes {stable_mosaic.version = 14 : i64} {
  func.func @_mid_body(%arg0: i32, %arg1: i32, %arg2: memref<1x32x64x32xf32, #tpu.memory_space<vmem>>, %arg3: memref<1x32xf32, #tpu.memory_space<vmem>>, %arg4: memref<1x32xf32, #tpu.memory_space<vmem>>, %arg5: memref<1x32xf32, #tpu.memory_space<vmem>>, %arg6: memref<1x32xf32, #tpu.memory_space<vmem>>, %arg7: memref<32x64xf32, #tpu.memory_space<vmem>>, %arg8: memref<1x64xf32, #tpu.memory_space<vmem>>, %arg9: memref<1x32x64x64xf32, #tpu.memory_space<vmem>>) attributes {dimension_semantics = [#tpu.dimension_semantics<arbitrary>, #tpu.dimension_semantics<arbitrary>], iteration_bounds = array<i64: 8, 16>, scalar_prefetch = 0 : i64, scratch_operands = 0 : i64, tpu.core_type = #tpu.core_type<tc>, window_params = [{transform_indices = @transform_0, window_bounds = array<i64: 1, 32, 64, 32>}, {pipeline_mode = #tpu.pipeline_mode<synchronous>, transform_indices = @transform_1, window_bounds = array<i64: 1, 32>}, {pipeline_mode = #tpu.pipeline_mode<synchronous>, transform_indices = @transform_2, window_bounds = array<i64: 1, 32>}, {pipeline_mode = #tpu.pipeline_mode<synchronous>, transform_indices = @transform_3, window_bounds = array<i64: 1, 32>}, {pipeline_mode = #tpu.pipeline_mode<synchronous>, transform_indices = @transform_4, window_bounds = array<i64: 1, 32>}, {pipeline_mode = #tpu.pipeline_mode<synchronous>, transform_indices = @transform_5, window_bounds = array<i64: 32, 64>}, {pipeline_mode = #tpu.pipeline_mode<synchronous>, transform_indices = @transform_6, window_bounds = array<i64: 1, 64>}, {transform_indices = @transform_7, window_bounds = array<i64: 1, 32, 64, 64>}]} {
    %get3A = arith.constant 0 : index
    %get3A_0 = arith.constant 0 : index
    %get3A_1 = arith.constant 0 : index
    %get3A_2 = arith.constant 0 : index
    %get3A_3 = vector.load %arg2[%get3A, %get3A_0, %get3A_1, %get3A_2] : memref<1x32x64x32xf32, #tpu.memory_space<vmem>>, vector<1x32x64x32xf32>
    %reshape3A = vector.shape_cast %get3A_3 : vector<1x32x64x32xf32> to vector<2048x32xf32>
    %get3A_4 = arith.constant 0 : index
    %get3A_5 = arith.constant 0 : index
    %get3A_6 = vector.load %arg5[%get3A_4, %get3A_5] : memref<1x32xf32, #tpu.memory_space<vmem>>, vector<1x32xf32>
    %get3A_7 = arith.constant 0 : index
    %get3A_8 = arith.constant 0 : index
    %get3A_9 = vector.load %arg3[%get3A_7, %get3A_8] : memref<1x32xf32, #tpu.memory_space<vmem>>, vector<1x32xf32>
    %sub3A = vector.broadcast %get3A_9 : vector<1x32xf32> to vector<2048x32xf32>
    %sub3A_10 = arith.subf %reshape3A, %sub3A : vector<2048x32xf32>
    %mul3A = vector.broadcast %get3A_6 : vector<1x32xf32> to vector<2048x32xf32>
    %mul3A_11 = arith.mulf %mul3A, %sub3A_10 : vector<2048x32xf32>
    %get3A_12 = arith.constant 0 : index
    %get3A_13 = arith.constant 0 : index
    %get3A_14 = vector.load %arg4[%get3A_12, %get3A_13] : memref<1x32xf32, #tpu.memory_space<vmem>>, vector<1x32xf32>
    %add3A = arith.constant 9.99999974E-6 : f32
    %add3A_15 = vector.broadcast %add3A : f32 to vector<1x32xf32>
    %add3A_16 = arith.addf %get3A_14, %add3A_15 : vector<1x32xf32>
    %sqrt3A = math.sqrt %add3A_16 : vector<1x32xf32>
    %div3A = vector.broadcast %sqrt3A : vector<1x32xf32> to vector<2048x32xf32>
    %div3A_17 = arith.divf %mul3A_11, %div3A : vector<2048x32xf32>
    %get3A_18 = arith.constant 0 : index
    %get3A_19 = arith.constant 0 : index
    %get3A_20 = vector.load %arg6[%get3A_18, %get3A_19] : memref<1x32xf32, #tpu.memory_space<vmem>>, vector<1x32xf32>
    %add3A_21 = vector.broadcast %get3A_20 : vector<1x32xf32> to vector<2048x32xf32>
    %add3A_22 = arith.addf %div3A_17, %add3A_21 : vector<2048x32xf32>
    %max3A = arith.constant 0.000000e+00 : f32
    %max3A_23 = vector.broadcast %max3A : f32 to vector<2048x32xf32>
    %max3A_24 = arith.maximumf %add3A_22, %max3A_23 : vector<2048x32xf32>
    %get3A_25 = arith.constant 0 : index
    %get3A_26 = arith.constant 0 : index
    %get3A_27 = vector.load %arg7[%get3A_25, %get3A_26] : memref<32x64xf32, #tpu.memory_space<vmem>>, vector<32x64xf32>
    %dot_general3A = arith.constant dense<0.000000e+00> : vector<2048x64xf32>
    %dot_general3A_28 = tpu.matmul %max3A_24, %get3A_27, %dot_general3A {dimension_numbers = #tpu.dot_dimension_numbers<[1], [0], [0], [1], [0, 0, 1, 1], [], []>, transpose_lhs_hint = false} : vector<2048x32xf32>, vector<32x64xf32>, vector<2048x64xf32> -> vector<2048x64xf32>
    %get3A_29 = arith.constant 0 : index
    %get3A_30 = arith.constant 0 : index
    %get3A_31 = vector.load %arg8[%get3A_29, %get3A_30] : memref<1x64xf32, #tpu.memory_space<vmem>>, vector<1x64xf32>
    %add3A_32 = vector.broadcast %get3A_31 : vector<1x64xf32> to vector<2048x64xf32>
    %add3A_33 = arith.addf %dot_general3A_28, %add3A_32 : vector<2048x64xf32>
    %reshape3A_34 = vector.shape_cast %add3A_33 : vector<2048x64xf32> to vector<1x32x64x64xf32>
    %swap3A = arith.constant 0 : index
    %swap3A_35 = arith.constant 0 : index
    %swap3A_36 = arith.constant 0 : index
    %swap3A_37 = arith.constant 0 : index
    %swap3A_38 = vector.load %arg9[%swap3A, %swap3A_35, %swap3A_36, %swap3A_37] : memref<1x32x64x64xf32, #tpu.memory_space<vmem>>, vector<1x32x64x64xf32>
    tpu.vector_store %arg9[%swap3A, %swap3A_35, %swap3A_36, %swap3A_37], %reshape3A_34 {strides = array<i32>} : memref<1x32x64x64xf32, #tpu.memory_space<vmem>>, vector<1x32x64x64xf32>,
    return
  }
  func.func @transform_0(%arg0: i32, %arg1: i32) -> (i32, i32, i32, i32) {
    %c0_i32 = arith.constant 0 : i32
    %c0_i32_0 = arith.constant 0 : i32
    %c0_i32_1 = arith.constant 0 : i32
    return %arg0, %arg1, %c0_i32, %c0_i32_0 : i32, i32, i32, i32
  }
  func.func @transform_1(%arg0: i32, %arg1: i32) -> (i32, i32) {
    %c0_i32 = arith.constant 0 : i32
    %c0_i32_0 = arith.constant 0 : i32
    %c0_i32_1 = arith.constant 0 : i32
    return %c0_i32, %c0_i32_0 : i32, i32
  }
  func.func @transform_2(%arg0: i32, %arg1: i32) -> (i32, i32) {
    %c0_i32 = arith.constant 0 : i32
    %c0_i32_0 = arith.constant 0 : i32
    %c0_i32_1 = arith.constant 0 : i32
    return %c0_i32, %c0_i32_0 : i32, i32
  }
  func.func @transform_3(%arg0: i32, %arg1: i32) -> (i32, i32) {
    %c0_i32 = arith.constant 0 : i32
    %c0_i32_0 = arith.constant 0 : i32
    %c0_i32_1 = arith.constant 0 : i32
    return %c0_i32, %c0_i32_0 : i32, i32
  }
  func.func @transform_4(%arg0: i32, %arg1: i32) -> (i32, i32) {
    %c0_i32 = arith.constant 0 : i32
    %c0_i32_0 = arith.constant 0 : i32
    %c0_i32_1 = arith.constant 0 : i32
    return %c0_i32, %c0_i32_0 : i32, i32
  }
  func.func @transform_5(%arg0: i32, %arg1: i32) -> (i32, i32) {
    %c0_i32 = arith.constant 0 : i32
    %c0_i32_0 = arith.constant 0 : i32
    %c0_i32_1 = arith.constant 0 : i32
    return %c0_i32, %c0_i32_0 : i32, i32
  }
  func.func @transform_6(%arg0: i32, %arg1: i32) -> (i32, i32) {
    %c0_i32 = arith.constant 0 : i32
    %c0_i32_0 = arith.constant 0 : i32
    %c0_i32_1 = arith.constant 0 : i32
    return %c0_i32, %c0_i32_0 : i32, i32
  }
  func.func @transform_7(%arg0: i32, %arg1: i32) -> (i32, i32, i32, i32) {
    %c0_i32 = arith.constant 0 : i32
    %c0_i32_0 = arith.constant 0 : i32
    %c0_i32_1 = arith.constant 0 : i32
    return %arg0, %arg1, %c0_i32, %c0_i32_0 : i32, i32, i32, i32
  }
}

module attributes {stable_mosaic.version = 14 : i64} {
  func.func @_fin_body(%arg0: i32, %arg1: i32, %arg2: memref<1x32x64x64xf32, #tpu.memory_space<vmem>>, %arg3: memref<1x64xf32, #tpu.memory_space<vmem>>, %arg4: memref<1x64xf32, #tpu.memory_space<vmem>>, %arg5: memref<1x64xf32, #tpu.memory_space<vmem>>, %arg6: memref<1x64xf32, #tpu.memory_space<vmem>>, %arg7: memref<1x32x64xf32, #tpu.memory_space<vmem>>) attributes {dimension_semantics = [#tpu.dimension_semantics<arbitrary>, #tpu.dimension_semantics<arbitrary>], iteration_bounds = array<i64: 8, 16>, scalar_prefetch = 0 : i64, scratch_operands = 0 : i64, tpu.core_type = #tpu.core_type<tc>, window_params = [{transform_indices = @transform_0, window_bounds = array<i64: 1, 32, 64, 64>}, {pipeline_mode = #tpu.pipeline_mode<synchronous>, transform_indices = @transform_1, window_bounds = array<i64: 1, 64>}, {pipeline_mode = #tpu.pipeline_mode<synchronous>, transform_indices = @transform_2, window_bounds = array<i64: 1, 64>}, {pipeline_mode = #tpu.pipeline_mode<synchronous>, transform_indices = @transform_3, window_bounds = array<i64: 1, 64>}, {pipeline_mode = #tpu.pipeline_mode<synchronous>, transform_indices = @transform_4, window_bounds = array<i64: 1, 64>}, {transform_indices = @transform_5, window_bounds = array<i64: 1, 32, 64>}]} {
    %get3A = arith.constant 0 : index
    %get3A_0 = arith.constant 0 : index
    %get3A_1 = arith.constant 0 : index
    %get3A_2 = arith.constant 0 : index
    %get3A_3 = vector.load %arg2[%get3A, %get3A_0, %get3A_1, %get3A_2] : memref<1x32x64x64xf32, #tpu.memory_space<vmem>>, vector<1x32x64x64xf32>
    %reshape3A = vector.shape_cast %get3A_3 : vector<1x32x64x64xf32> to vector<2048x64xf32>
    %get3A_4 = arith.constant 0 : index
    %get3A_5 = arith.constant 0 : index
    %get3A_6 = vector.load %arg5[%get3A_4, %get3A_5] : memref<1x64xf32, #tpu.memory_space<vmem>>, vector<1x64xf32>
    %get3A_7 = arith.constant 0 : index
    %get3A_8 = arith.constant 0 : index
    %get3A_9 = vector.load %arg3[%get3A_7, %get3A_8] : memref<1x64xf32, #tpu.memory_space<vmem>>, vector<1x64xf32>
    %sub3A = vector.broadcast %get3A_9 : vector<1x64xf32> to vector<2048x64xf32>
    %sub3A_10 = arith.subf %reshape3A, %sub3A : vector<2048x64xf32>
    %mul3A = vector.broadcast %get3A_6 : vector<1x64xf32> to vector<2048x64xf32>
    %mul3A_11 = arith.mulf %mul3A, %sub3A_10 : vector<2048x64xf32>
    %get3A_12 = arith.constant 0 : index
    %get3A_13 = arith.constant 0 : index
    %get3A_14 = vector.load %arg4[%get3A_12, %get3A_13] : memref<1x64xf32, #tpu.memory_space<vmem>>, vector<1x64xf32>
    %add3A = arith.constant 9.99999974E-6 : f32
    %add3A_15 = vector.broadcast %add3A : f32 to vector<1x64xf32>
    %add3A_16 = arith.addf %get3A_14, %add3A_15 : vector<1x64xf32>
    %sqrt3A = math.sqrt %add3A_16 : vector<1x64xf32>
    %div3A = vector.broadcast %sqrt3A : vector<1x64xf32> to vector<2048x64xf32>
    %div3A_17 = arith.divf %mul3A_11, %div3A : vector<2048x64xf32>
    %get3A_18 = arith.constant 0 : index
    %get3A_19 = arith.constant 0 : index
    %get3A_20 = vector.load %arg6[%get3A_18, %get3A_19] : memref<1x64xf32, #tpu.memory_space<vmem>>, vector<1x64xf32>
    %add3A_21 = vector.broadcast %get3A_20 : vector<1x64xf32> to vector<2048x64xf32>
    %add3A_22 = arith.addf %div3A_17, %add3A_21 : vector<2048x64xf32>
    %max3A = arith.constant 0.000000e+00 : f32
    %max3A_23 = vector.broadcast %max3A : f32 to vector<2048x64xf32>
    %max3A_24 = arith.maximumf %add3A_22, %max3A_23 : vector<2048x64xf32>
    %reshape3A_25 = vector.shape_cast %max3A_24 : vector<2048x64xf32> to vector<32x64x64xf32>
    %reduce_max3A = arith.constant dense<0xFF800000> : vector<32x64xf32>
    %reduce_max3A_26 = vector.multi_reduction <maximumf>, %reshape3A_25, %reduce_max3A [1] : vector<32x64x64xf32> to vector<32x64xf32>
    %reshape3A_27 = vector.shape_cast %reduce_max3A_26 : vector<32x64xf32> to vector<1x32x64xf32>
    %swap3A = arith.constant 0 : index
    %swap3A_28 = arith.constant 0 : index
    %swap3A_29 = arith.constant 0 : index
    %swap3A_30 = vector.load %arg7[%swap3A, %swap3A_28, %swap3A_29] : memref<1x32x64xf32, #tpu.memory_space<vmem>>, vector<1x32x64xf32>
    tpu.vector_store %arg7[%swap3A, %swap3A_28, %swap3A_29], %reshape3A_27 {strides = array<i32>} : memref<1x32x64xf32, #tpu.memory_space<vmem>>, vector<1x32x64xf32>,
    return
  }
  func.func @transform_0(%arg0: i32, %arg1: i32) -> (i32, i32, i32, i32) {
    %c0_i32 = arith.constant 0 : i32
    %c0_i32_0 = arith.constant 0 : i32
    %c0_i32_1 = arith.constant 0 : i32
    return %arg0, %arg1, %c0_i32, %c0_i32_0 : i32, i32, i32, i32
  }
  func.func @transform_1(%arg0: i32, %arg1: i32) -> (i32, i32) {
    %c0_i32 = arith.constant 0 : i32
    %c0_i32_0 = arith.constant 0 : i32
    %c0_i32_1 = arith.constant 0 : i32
    return %c0_i32, %c0_i32_0 : i32, i32
  }
  func.func @transform_2(%arg0: i32, %arg1: i32) -> (i32, i32) {
    %c0_i32 = arith.constant 0 : i32
    %c0_i32_0 = arith.constant 0 : i32
    %c0_i32_1 = arith.constant 0 : i32
    return %c0_i32, %c0_i32_0 : i32, i32
  }
  func.func @transform_3(%arg0: i32, %arg1: i32) -> (i32, i32) {
    %c0_i32 = arith.constant 0 : i32
    %c0_i32_0 = arith.constant 0 : i32
    %c0_i32_1 = arith.constant 0 : i32
    return %c0_i32, %c0_i32_0 : i32, i32
  }
  func.func @transform_4(%arg0: i32, %arg1: i32) -> (i32, i32) {
    %c0_i32 = arith.constant 0 : i32
    %c0_i32_0 = arith.constant 0 : i32
    %c0_i32_1 = arith.constant 0 : i32
    return %c0_i32, %c0_i32_0 : i32, i32
  }
  func.func @transform_5(%arg0: i32, %arg1: i32) -> (i32, i32, i32) {
    %c0_i32 = arith.constant 0 : i32
    %c0_i32_0 = arith.constant 0 : i32
    return %arg0, %arg1, %c0_i32 : i32, i32, i32
  }
}

module attributes {stable_mosaic.version = 14 : i64} {
  func.func @_fin_body(%arg0: i32, %arg1: i32, %arg2: memref<1x64x32x64xf32, #tpu.memory_space<vmem>>, %arg3: memref<1x64xf32, #tpu.memory_space<vmem>>, %arg4: memref<1x64xf32, #tpu.memory_space<vmem>>, %arg5: memref<1x64xf32, #tpu.memory_space<vmem>>, %arg6: memref<1x64xf32, #tpu.memory_space<vmem>>, %arg7: memref<1x64x64xf32, #tpu.memory_space<vmem>>) attributes {dimension_semantics = [#tpu.dimension_semantics<arbitrary>, #tpu.dimension_semantics<arbitrary>], iteration_bounds = array<i64: 8, 8>, scalar_prefetch = 0 : i64, scratch_operands = 0 : i64, tpu.core_type = #tpu.core_type<tc>, window_params = [{transform_indices = @transform_0, window_bounds = array<i64: 1, 64, 32, 64>}, {pipeline_mode = #tpu.pipeline_mode<synchronous>, transform_indices = @transform_1, window_bounds = array<i64: 1, 64>}, {pipeline_mode = #tpu.pipeline_mode<synchronous>, transform_indices = @transform_2, window_bounds = array<i64: 1, 64>}, {pipeline_mode = #tpu.pipeline_mode<synchronous>, transform_indices = @transform_3, window_bounds = array<i64: 1, 64>}, {pipeline_mode = #tpu.pipeline_mode<synchronous>, transform_indices = @transform_4, window_bounds = array<i64: 1, 64>}, {transform_indices = @transform_5, window_bounds = array<i64: 1, 64, 64>}]} {
    %get3A = arith.constant 0 : index
    %get3A_0 = arith.constant 0 : index
    %get3A_1 = arith.constant 0 : index
    %get3A_2 = arith.constant 0 : index
    %get3A_3 = vector.load %arg2[%get3A, %get3A_0, %get3A_1, %get3A_2] : memref<1x64x32x64xf32, #tpu.memory_space<vmem>>, vector<1x64x32x64xf32>
    %reshape3A = vector.shape_cast %get3A_3 : vector<1x64x32x64xf32> to vector<2048x64xf32>
    %get3A_4 = arith.constant 0 : index
    %get3A_5 = arith.constant 0 : index
    %get3A_6 = vector.load %arg5[%get3A_4, %get3A_5] : memref<1x64xf32, #tpu.memory_space<vmem>>, vector<1x64xf32>
    %get3A_7 = arith.constant 0 : index
    %get3A_8 = arith.constant 0 : index
    %get3A_9 = vector.load %arg3[%get3A_7, %get3A_8] : memref<1x64xf32, #tpu.memory_space<vmem>>, vector<1x64xf32>
    %sub3A = vector.broadcast %get3A_9 : vector<1x64xf32> to vector<2048x64xf32>
    %sub3A_10 = arith.subf %reshape3A, %sub3A : vector<2048x64xf32>
    %mul3A = vector.broadcast %get3A_6 : vector<1x64xf32> to vector<2048x64xf32>
    %mul3A_11 = arith.mulf %mul3A, %sub3A_10 : vector<2048x64xf32>
    %get3A_12 = arith.constant 0 : index
    %get3A_13 = arith.constant 0 : index
    %get3A_14 = vector.load %arg4[%get3A_12, %get3A_13] : memref<1x64xf32, #tpu.memory_space<vmem>>, vector<1x64xf32>
    %add3A = arith.constant 9.99999974E-6 : f32
    %add3A_15 = vector.broadcast %add3A : f32 to vector<1x64xf32>
    %add3A_16 = arith.addf %get3A_14, %add3A_15 : vector<1x64xf32>
    %sqrt3A = math.sqrt %add3A_16 : vector<1x64xf32>
    %div3A = vector.broadcast %sqrt3A : vector<1x64xf32> to vector<2048x64xf32>
    %div3A_17 = arith.divf %mul3A_11, %div3A : vector<2048x64xf32>
    %get3A_18 = arith.constant 0 : index
    %get3A_19 = arith.constant 0 : index
    %get3A_20 = vector.load %arg6[%get3A_18, %get3A_19] : memref<1x64xf32, #tpu.memory_space<vmem>>, vector<1x64xf32>
    %add3A_21 = vector.broadcast %get3A_20 : vector<1x64xf32> to vector<2048x64xf32>
    %add3A_22 = arith.addf %div3A_17, %add3A_21 : vector<2048x64xf32>
    %max3A = arith.constant 0.000000e+00 : f32
    %max3A_23 = vector.broadcast %max3A : f32 to vector<2048x64xf32>
    %max3A_24 = arith.maximumf %add3A_22, %max3A_23 : vector<2048x64xf32>
    %reshape3A_25 = vector.shape_cast %max3A_24 : vector<2048x64xf32> to vector<64x32x64xf32>
    %reduce_max3A = arith.constant dense<0xFF800000> : vector<64x64xf32>
    %reduce_max3A_26 = vector.multi_reduction <maximumf>, %reshape3A_25, %reduce_max3A [1] : vector<64x32x64xf32> to vector<64x64xf32>
    %reshape3A_27 = vector.shape_cast %reduce_max3A_26 : vector<64x64xf32> to vector<1x64x64xf32>
    %swap3A = arith.constant 0 : index
    %swap3A_28 = arith.constant 0 : index
    %swap3A_29 = arith.constant 0 : index
    %swap3A_30 = vector.load %arg7[%swap3A, %swap3A_28, %swap3A_29] : memref<1x64x64xf32, #tpu.memory_space<vmem>>, vector<1x64x64xf32>
    tpu.vector_store %arg7[%swap3A, %swap3A_28, %swap3A_29], %reshape3A_27 {strides = array<i32>} : memref<1x64x64xf32, #tpu.memory_space<vmem>>, vector<1x64x64xf32>,
    return
  }
  func.func @transform_0(%arg0: i32, %arg1: i32) -> (i32, i32, i32, i32) {
    %c0_i32 = arith.constant 0 : i32
    %c0_i32_0 = arith.constant 0 : i32
    %c0_i32_1 = arith.constant 0 : i32
    return %arg0, %arg1, %c0_i32, %c0_i32_0 : i32, i32, i32, i32
  }
  func.func @transform_1(%arg0: i32, %arg1: i32) -> (i32, i32) {
    %c0_i32 = arith.constant 0 : i32
    %c0_i32_0 = arith.constant 0 : i32
    %c0_i32_1 = arith.constant 0 : i32
    return %c0_i32, %c0_i32_0 : i32, i32
  }
  func.func @transform_2(%arg0: i32, %arg1: i32) -> (i32, i32) {
    %c0_i32 = arith.constant 0 : i32
    %c0_i32_0 = arith.constant 0 : i32
    %c0_i32_1 = arith.constant 0 : i32
    return %c0_i32, %c0_i32_0 : i32, i32
  }
  func.func @transform_3(%arg0: i32, %arg1: i32) -> (i32, i32) {
    %c0_i32 = arith.constant 0 : i32
    %c0_i32_0 = arith.constant 0 : i32
    %c0_i32_1 = arith.constant 0 : i32
    return %c0_i32, %c0_i32_0 : i32, i32
  }
  func.func @transform_4(%arg0: i32, %arg1: i32) -> (i32, i32) {
    %c0_i32 = arith.constant 0 : i32
    %c0_i32_0 = arith.constant 0 : i32
    %c0_i32_1 = arith.constant 0 : i32
    return %c0_i32, %c0_i32_0 : i32, i32
  }
  func.func @transform_5(%arg0: i32, %arg1: i32) -> (i32, i32, i32) {
    %c0_i32 = arith.constant 0 : i32
    %c0_i32_0 = arith.constant 0 : i32
    return %arg0, %arg1, %c0_i32 : i32, i32, i32
  }
}

module attributes {stable_mosaic.version = 14 : i64} {
  func.func @_bq_body(%arg0: i32, %arg1: i32, %arg2: memref<1x16x3xf32, #tpu.memory_space<vmem>>, %arg3: memref<1x16x512xf32, #tpu.memory_space<vmem>>, %arg4: memref<1x512x131xf32, #tpu.memory_space<vmem>>, %arg5: memref<1x16x32x131xf32, #tpu.memory_space<vmem>>) attributes {dimension_semantics = [#tpu.dimension_semantics<arbitrary>, #tpu.dimension_semantics<arbitrary>], iteration_bounds = array<i64: 8, 8>, scalar_prefetch = 0 : i64, scratch_operands = 0 : i64, tpu.core_type = #tpu.core_type<tc>, window_params = [{transform_indices = @transform_0, window_bounds = array<i64: 1, 16, 3>}, {transform_indices = @transform_1, window_bounds = array<i64: 1, 16, 512>}, {transform_indices = @transform_2, window_bounds = array<i64: 1, 512, 131>}, {transform_indices = @transform_3, window_bounds = array<i64: 1, 16, 32, 131>}]} {
    %get3A = arith.constant 0 : index
    %get3A_0 = arith.constant 0 : index
    %get3A_1 = arith.constant 0 : index
    %get3A_2 = vector.load %arg2[%get3A, %get3A_0, %get3A_1] : memref<1x16x3xf32, #tpu.memory_space<vmem>>, vector<1x16x3xf32>
    %get3A_3 = vector.shape_cast %get3A_2 : vector<1x16x3xf32> to vector<16x3xf32>
    %get3A_4 = arith.constant 0 : index
    %get3A_5 = arith.constant 0 : index
    %get3A_6 = arith.constant 0 : index
    %get3A_7 = vector.load %arg3[%get3A_4, %get3A_5, %get3A_6] : memref<1x16x512xf32, #tpu.memory_space<vmem>>, vector<1x16x512xf32>
    %get3A_8 = vector.shape_cast %get3A_7 : vector<1x16x512xf32> to vector<16x512xf32>
    %le3A = arith.constant 1.600000e-01 : f32
    %le3A_9 = vector.broadcast %le3A : f32 to vector<16x512xf32>
    %le3A_10 = arith.cmpf ole, %get3A_8, %le3A_9 : vector<16x512xf32>
    %convert_element_type3A = arith.extui %le3A_10 : vector<16x512xi1> to vector<16x512xi32>
    %convert_element_type3A_11 = arith.sitofp %convert_element_type3A : vector<16x512xi32> to vector<16x512xf32>
    %iota3A = tpu.iota {dimensions = array<i32: 0>} : vector<256x256xi32>
    %iota3A_12 = tpu.iota {dimensions = array<i32: 1>} : vector<256x256xi32>
    %lt3A = arith.cmpi slt, %iota3A, %iota3A_12 : vector<256x256xi32>
    %convert_element_type3A_13 = arith.extui %lt3A : vector<256x256xi1> to vector<256x256xi32>
    %convert_element_type3A_14 = arith.sitofp %convert_element_type3A_13 : vector<256x256xi32> to vector<256x256xf32>
    %broadcast_in_dim3A = arith.constant 0.000000e+00 : f32
    %broadcast_in_dim3A_15 = vector.broadcast %broadcast_in_dim3A : f32 to vector<16x1xf32>
    %slice3A = vector.extract_strided_slice %convert_element_type3A_11 {offsets = [0, 0], sizes = [16, 256], strides = [1, 1]} : vector<16x512xf32> to vector<16x256xf32>
    %dot_general3A = arith.constant dense<0.000000e+00> : vector<16x256xf32>
    %dot_general3A_16 = tpu.matmul %slice3A, %convert_element_type3A_14, %dot_general3A {dimension_numbers = #tpu.dot_dimension_numbers<[1], [0], [0], [1], [0, 0, 1, 1], [], []>, transpose_lhs_hint = false} : vector<16x256xf32>, vector<256x256xf32>, vector<16x256xf32> -> vector<16x256xf32>
    %add3A = vector.broadcast %broadcast_in_dim3A_15 : vector<16x1xf32> to vector<16x256xf32>
    %add3A_17 = arith.addf %dot_general3A_16, %add3A : vector<16x256xf32>
    %reduce_sum3A = arith.constant dense<0.000000e+00> : vector<16xf32>
    %reduce_sum3A_18 = vector.multi_reduction <add>, %slice3A, %reduce_sum3A [1] : vector<16x256xf32> to vector<16xf32>
    %broadcast_in_dim3A_19 = vector.shape_cast %reduce_sum3A_18 : vector<16xf32> to vector<16x1xf32>
    %add3A_20 = arith.addf %broadcast_in_dim3A_15, %broadcast_in_dim3A_19 : vector<16x1xf32>
    %slice3A_21 = vector.extract_strided_slice %convert_element_type3A_11 {offsets = [0, 256], sizes = [16, 256], strides = [1, 1]} : vector<16x512xf32> to vector<16x256xf32>
    %dot_general3A_22 = arith.constant dense<0.000000e+00> : vector<16x256xf32>
    %dot_general3A_23 = tpu.matmul %slice3A_21, %convert_element_type3A_14, %dot_general3A_22 {dimension_numbers = #tpu.dot_dimension_numbers<[1], [0], [0], [1], [0, 0, 1, 1], [], []>, transpose_lhs_hint = false} : vector<16x256xf32>, vector<256x256xf32>, vector<16x256xf32> -> vector<16x256xf32>
    %add3A_24 = vector.broadcast %add3A_20 : vector<16x1xf32> to vector<16x256xf32>
    %add3A_25 = arith.addf %dot_general3A_23, %add3A_24 : vector<16x256xf32>
    %reduce_sum3A_26 = arith.constant dense<0.000000e+00> : vector<16xf32>
    %reduce_sum3A_27 = vector.multi_reduction <add>, %slice3A_21, %reduce_sum3A_26 [1] : vector<16x256xf32> to vector<16xf32>
    %broadcast_in_dim3A_28 = vector.shape_cast %reduce_sum3A_27 : vector<16xf32> to vector<16x1xf32>
    %add3A_29 = arith.addf %add3A_20, %broadcast_in_dim3A_28 : vector<16x1xf32>
    %concatenate3A = tpu.concatenate %add3A_17, %add3A_25 in 1 : vector<16x256xf32>, vector<16x256xf32> -> vector<16x512xf32>
    %iota3A_30 = tpu.iota {dimensions = array<i32: 1>} : vector<1x32x1xi32>
    %convert_element_type3A_31 = arith.sitofp %iota3A_30 : vector<1x32x1xi32> to vector<1x32x1xf32>
    %broadcast_in_dim3A_32 = vector.shape_cast %concatenate3A : vector<16x512xf32> to vector<16x1x512xf32>
    %eq3A = vector.broadcast %broadcast_in_dim3A_32 : vector<16x1x512xf32> to vector<16x32x512xf32>
    %eq3A_33 = vector.broadcast %convert_element_type3A_31 : vector<1x32x1xf32> to vector<16x32x512xf32>
    %eq3A_34 = arith.cmpf oeq, %eq3A, %eq3A_33 : vector<16x32x512xf32>
    %broadcast_in_dim3A_35 = vector.shape_cast %le3A_10 : vector<16x512xi1> to vector<16x1x512xi1>
    %and3A = vector.broadcast %broadcast_in_dim3A_35 : vector<16x1x512xi1> to vector<16x32x512xi1>
    %and3A_36 = arith.andi %eq3A_34, %and3A : vector<16x32x512xi1>
    %reshape3A = vector.shape_cast %and3A_36 : vector<16x32x512xi1> to vector<512x512xi1>
    %convert_element_type3A_37 = arith.extui %reshape3A : vector<512x512xi1> to vector<512x512xi32>
    %convert_element_type3A_38 = arith.sitofp %convert_element_type3A_37 : vector<512x512xi32> to vector<512x512xf32>
    %get3A_39 = arith.constant 0 : index
    %get3A_40 = arith.constant 0 : index
    %get3A_41 = arith.constant 0 : index
    %get3A_42 = vector.load %arg4[%get3A_39, %get3A_40, %get3A_41] : memref<1x512x131xf32, #tpu.memory_space<vmem>>, vector<1x512x131xf32>
    %get3A_43 = vector.shape_cast %get3A_42 : vector<1x512x131xf32> to vector<512x131xf32>
    %dot_general3A_44 = arith.constant dense<0.000000e+00> : vector<512x131xf32>
    %dot_general3A_45 = tpu.matmul %convert_element_type3A_38, %get3A_43, %dot_general3A_44 {dimension_numbers = #tpu.dot_dimension_numbers<[1], [0], [0], [1], [0, 0, 1, 1], [], []>, precision = #tpu.contract_precision<fp32>, transpose_lhs_hint = false} : vector<512x512xf32>, vector<512x131xf32>, vector<512x131xf32> -> vector<512x131xf32>
    %reshape3A_46 = vector.shape_cast %dot_general3A_45 : vector<512x131xf32> to vector<16x32x131xf32>
    %iota3A_47 = tpu.iota {dimensions = array<i32: 1>} : vector<16x32xi32>
    %convert_element_type3A_48 = arith.sitofp %iota3A_47 : vector<16x32xi32> to vector<16x32xf32>
    %ge3A = vector.broadcast %add3A_29 : vector<16x1xf32> to vector<16x32xf32>
    %ge3A_49 = arith.cmpf oge, %convert_element_type3A_48, %ge3A : vector<16x32xf32>
    %convert_element_type3A_50 = arith.extui %ge3A_49 : vector<16x32xi1> to vector<16x32xi32>
    %convert_element_type3A_51 = arith.sitofp %convert_element_type3A_50 : vector<16x32xi32> to vector<16x32xf32>
    %broadcast_in_dim3A_52 = vector.shape_cast %convert_element_type3A_51 : vector<16x32xf32> to vector<16x32x1xf32>
    %slice3A_53 = vector.extract_strided_slice %reshape3A_46 {offsets = [0, 0, 0], sizes = [16, 1, 131], strides = [1, 1, 1]} : vector<16x32x131xf32> to vector<16x1x131xf32>
    %mul3A = vector.broadcast %broadcast_in_dim3A_52 : vector<16x32x1xf32> to vector<16x32x131xf32>
    %mul3A_54 = vector.broadcast %slice3A_53 : vector<16x1x131xf32> to vector<16x32x131xf32>
    %mul3A_55 = arith.mulf %mul3A, %mul3A_54 : vector<16x32x131xf32>
    %add3A_56 = arith.addf %reshape3A_46, %mul3A_55 : vector<16x32x131xf32>
    %eq3A_57 = arith.constant 0.000000e+00 : f32
    %eq3A_58 = vector.broadcast %eq3A_57 : f32 to vector<16x1xf32>
    %eq3A_59 = arith.cmpf oeq, %add3A_29, %eq3A_58 : vector<16x1xf32>
    %convert_element_type3A_60 = arith.extui %eq3A_59 : vector<16x1xi1> to vector<16x1xi32>
    %convert_element_type3A_61 = arith.sitofp %convert_element_type3A_60 : vector<16x1xi32> to vector<16x1xf32>
    %broadcast_in_dim3A_62 = vector.shape_cast %convert_element_type3A_61 : vector<16x1xf32> to vector<16x1x1xf32>
    %get3A_63 = arith.constant 0 : index
    %get3A_64 = arith.constant 511 : index
    %get3A_65 = arith.constant 0 : index
    %get3A_66 = vector.load %arg4[%get3A_63, %get3A_64, %get3A_65] : memref<1x512x131xf32, #tpu.memory_space<vmem>>, vector<1x1x131xf32>
    %get3A_67 = vector.shape_cast %get3A_66 : vector<1x1x131xf32> to vector<131xf32>
    %broadcast_in_dim3A_68 = vector.shape_cast %get3A_67 : vector<131xf32> to vector<1x1x131xf32>
    %mul3A_69 = vector.broadcast %broadcast_in_dim3A_62 : vector<16x1x1xf32> to vector<16x1x131xf32>
    %mul3A_70 = vector.broadcast %broadcast_in_dim3A_68 : vector<1x1x131xf32> to vector<16x1x131xf32>
    %mul3A_71 = arith.mulf %mul3A_69, %mul3A_70 : vector<16x1x131xf32>
    %add3A_72 = vector.broadcast %mul3A_71 : vector<16x1x131xf32> to vector<16x32x131xf32>
    %add3A_73 = arith.addf %add3A_56, %add3A_72 : vector<16x32x131xf32>
    %slice3A_74 = vector.extract_strided_slice %add3A_73 {offsets = [0, 0, 128], sizes = [16, 32, 3], strides = [1, 1, 1]} : vector<16x32x131xf32> to vector<16x32x3xf32>
    %broadcast_in_dim3A_75 = vector.shape_cast %get3A_3 : vector<16x3xf32> to vector<16x1x3xf32>
    %sub3A = vector.broadcast %broadcast_in_dim3A_75 : vector<16x1x3xf32> to vector<16x32x3xf32>
    %sub3A_76 = arith.subf %slice3A_74, %sub3A : vector<16x32x3xf32>
    %slice3A_77 = vector.extract_strided_slice %add3A_73 {offsets = [0, 0, 0], sizes = [16, 32, 128], strides = [1, 1, 1]} : vector<16x32x131xf32> to vector<16x32x128xf32>
    %concatenate3A_78 = tpu.concatenate %slice3A_77, %sub3A_76 in 2 : vector<16x32x128xf32>, vector<16x32x3xf32> -> vector<16x32x131xf32>
    %reshape3A_79 = vector.shape_cast %concatenate3A_78 : vector<16x32x131xf32> to vector<1x16x32x131xf32>
    %swap3A = arith.constant 0 : index
    %swap3A_80 = arith.constant 0 : index
    %swap3A_81 = arith.constant 0 : index
    %swap3A_82 = arith.constant 0 : index
    %swap3A_83 = vector.load %arg5[%swap3A, %swap3A_80, %swap3A_81, %swap3A_82] : memref<1x16x32x131xf32, #tpu.memory_space<vmem>>, vector<1x16x32x131xf32>
    tpu.vector_store %arg5[%swap3A, %swap3A_80, %swap3A_81, %swap3A_82], %reshape3A_79 {strides = array<i32>} : memref<1x16x32x131xf32, #tpu.memory_space<vmem>>, vector<1x16x32x131xf32>,
    return
  }
  func.func @transform_0(%arg0: i32, %arg1: i32) -> (i32, i32, i32) {
    %c0_i32 = arith.constant 0 : i32
    %c0_i32_0 = arith.constant 0 : i32
    return %arg0, %arg1, %c0_i32 : i32, i32, i32
  }
  func.func @transform_1(%arg0: i32, %arg1: i32) -> (i32, i32, i32) {
    %c0_i32 = arith.constant 0 : i32
    %c0_i32_0 = arith.constant 0 : i32
    return %arg0, %arg1, %c0_i32 : i32, i32, i32
  }
  func.func @transform_2(%arg0: i32, %arg1: i32) -> (i32, i32, i32) {
    %c0_i32 = arith.constant 0 : i32
    %c0_i32_0 = arith.constant 0 : i32
    %c0_i32_1 = arith.constant 0 : i32
    return %arg0, %c0_i32, %c0_i32_0 : i32, i32, i32
  }
  func.func @transform_3(%arg0: i32, %arg1: i32) -> (i32, i32, i32, i32) {
    %c0_i32 = arith.constant 0 : i32
    %c0_i32_0 = arith.constant 0 : i32
    %c0_i32_1 = arith.constant 0 : i32
    return %arg0, %arg1, %c0_i32, %c0_i32_0 : i32, i32, i32, i32
  }
}

module attributes {stable_mosaic.version = 14 : i64} {
  func.func @_bq_body(%arg0: i32, %arg1: i32, %arg2: memref<1x16x3xf32, #tpu.memory_space<vmem>>, %arg3: memref<1x16x512xf32, #tpu.memory_space<vmem>>, %arg4: memref<1x512x131xf32, #tpu.memory_space<vmem>>, %arg5: memref<1x16x64x131xf32, #tpu.memory_space<vmem>>) attributes {dimension_semantics = [#tpu.dimension_semantics<arbitrary>, #tpu.dimension_semantics<arbitrary>], iteration_bounds = array<i64: 8, 8>, scalar_prefetch = 0 : i64, scratch_operands = 0 : i64, tpu.core_type = #tpu.core_type<tc>, window_params = [{transform_indices = @transform_0, window_bounds = array<i64: 1, 16, 3>}, {transform_indices = @transform_1, window_bounds = array<i64: 1, 16, 512>}, {transform_indices = @transform_2, window_bounds = array<i64: 1, 512, 131>}, {transform_indices = @transform_3, window_bounds = array<i64: 1, 16, 64, 131>}]} {
    %get3A = arith.constant 0 : index
    %get3A_0 = arith.constant 0 : index
    %get3A_1 = arith.constant 0 : index
    %get3A_2 = vector.load %arg2[%get3A, %get3A_0, %get3A_1] : memref<1x16x3xf32, #tpu.memory_space<vmem>>, vector<1x16x3xf32>
    %get3A_3 = vector.shape_cast %get3A_2 : vector<1x16x3xf32> to vector<16x3xf32>
    %get3A_4 = arith.constant 0 : index
    %get3A_5 = arith.constant 0 : index
    %get3A_6 = arith.constant 0 : index
    %get3A_7 = vector.load %arg3[%get3A_4, %get3A_5, %get3A_6] : memref<1x16x512xf32, #tpu.memory_space<vmem>>, vector<1x16x512xf32>
    %get3A_8 = vector.shape_cast %get3A_7 : vector<1x16x512xf32> to vector<16x512xf32>
    %le3A = arith.constant 6.400000e-01 : f32
    %le3A_9 = vector.broadcast %le3A : f32 to vector<16x512xf32>
    %le3A_10 = arith.cmpf ole, %get3A_8, %le3A_9 : vector<16x512xf32>
    %convert_element_type3A = arith.extui %le3A_10 : vector<16x512xi1> to vector<16x512xi32>
    %convert_element_type3A_11 = arith.sitofp %convert_element_type3A : vector<16x512xi32> to vector<16x512xf32>
    %iota3A = tpu.iota {dimensions = array<i32: 0>} : vector<256x256xi32>
    %iota3A_12 = tpu.iota {dimensions = array<i32: 1>} : vector<256x256xi32>
    %lt3A = arith.cmpi slt, %iota3A, %iota3A_12 : vector<256x256xi32>
    %convert_element_type3A_13 = arith.extui %lt3A : vector<256x256xi1> to vector<256x256xi32>
    %convert_element_type3A_14 = arith.sitofp %convert_element_type3A_13 : vector<256x256xi32> to vector<256x256xf32>
    %broadcast_in_dim3A = arith.constant 0.000000e+00 : f32
    %broadcast_in_dim3A_15 = vector.broadcast %broadcast_in_dim3A : f32 to vector<16x1xf32>
    %slice3A = vector.extract_strided_slice %convert_element_type3A_11 {offsets = [0, 0], sizes = [16, 256], strides = [1, 1]} : vector<16x512xf32> to vector<16x256xf32>
    %dot_general3A = arith.constant dense<0.000000e+00> : vector<16x256xf32>
    %dot_general3A_16 = tpu.matmul %slice3A, %convert_element_type3A_14, %dot_general3A {dimension_numbers = #tpu.dot_dimension_numbers<[1], [0], [0], [1], [0, 0, 1, 1], [], []>, transpose_lhs_hint = false} : vector<16x256xf32>, vector<256x256xf32>, vector<16x256xf32> -> vector<16x256xf32>
    %add3A = vector.broadcast %broadcast_in_dim3A_15 : vector<16x1xf32> to vector<16x256xf32>
    %add3A_17 = arith.addf %dot_general3A_16, %add3A : vector<16x256xf32>
    %reduce_sum3A = arith.constant dense<0.000000e+00> : vector<16xf32>
    %reduce_sum3A_18 = vector.multi_reduction <add>, %slice3A, %reduce_sum3A [1] : vector<16x256xf32> to vector<16xf32>
    %broadcast_in_dim3A_19 = vector.shape_cast %reduce_sum3A_18 : vector<16xf32> to vector<16x1xf32>
    %add3A_20 = arith.addf %broadcast_in_dim3A_15, %broadcast_in_dim3A_19 : vector<16x1xf32>
    %slice3A_21 = vector.extract_strided_slice %convert_element_type3A_11 {offsets = [0, 256], sizes = [16, 256], strides = [1, 1]} : vector<16x512xf32> to vector<16x256xf32>
    %dot_general3A_22 = arith.constant dense<0.000000e+00> : vector<16x256xf32>
    %dot_general3A_23 = tpu.matmul %slice3A_21, %convert_element_type3A_14, %dot_general3A_22 {dimension_numbers = #tpu.dot_dimension_numbers<[1], [0], [0], [1], [0, 0, 1, 1], [], []>, transpose_lhs_hint = false} : vector<16x256xf32>, vector<256x256xf32>, vector<16x256xf32> -> vector<16x256xf32>
    %add3A_24 = vector.broadcast %add3A_20 : vector<16x1xf32> to vector<16x256xf32>
    %add3A_25 = arith.addf %dot_general3A_23, %add3A_24 : vector<16x256xf32>
    %reduce_sum3A_26 = arith.constant dense<0.000000e+00> : vector<16xf32>
    %reduce_sum3A_27 = vector.multi_reduction <add>, %slice3A_21, %reduce_sum3A_26 [1] : vector<16x256xf32> to vector<16xf32>
    %broadcast_in_dim3A_28 = vector.shape_cast %reduce_sum3A_27 : vector<16xf32> to vector<16x1xf32>
    %add3A_29 = arith.addf %add3A_20, %broadcast_in_dim3A_28 : vector<16x1xf32>
    %concatenate3A = tpu.concatenate %add3A_17, %add3A_25 in 1 : vector<16x256xf32>, vector<16x256xf32> -> vector<16x512xf32>
    %iota3A_30 = tpu.iota {dimensions = array<i32: 1>} : vector<1x64x1xi32>
    %convert_element_type3A_31 = arith.sitofp %iota3A_30 : vector<1x64x1xi32> to vector<1x64x1xf32>
    %broadcast_in_dim3A_32 = vector.shape_cast %concatenate3A : vector<16x512xf32> to vector<16x1x512xf32>
    %eq3A = vector.broadcast %broadcast_in_dim3A_32 : vector<16x1x512xf32> to vector<16x64x512xf32>
    %eq3A_33 = vector.broadcast %convert_element_type3A_31 : vector<1x64x1xf32> to vector<16x64x512xf32>
    %eq3A_34 = arith.cmpf oeq, %eq3A, %eq3A_33 : vector<16x64x512xf32>
    %broadcast_in_dim3A_35 = vector.shape_cast %le3A_10 : vector<16x512xi1> to vector<16x1x512xi1>
    %and3A = vector.broadcast %broadcast_in_dim3A_35 : vector<16x1x512xi1> to vector<16x64x512xi1>
    %and3A_36 = arith.andi %eq3A_34, %and3A : vector<16x64x512xi1>
    %reshape3A = vector.shape_cast %and3A_36 : vector<16x64x512xi1> to vector<1024x512xi1>
    %convert_element_type3A_37 = arith.extui %reshape3A : vector<1024x512xi1> to vector<1024x512xi32>
    %convert_element_type3A_38 = arith.sitofp %convert_element_type3A_37 : vector<1024x512xi32> to vector<1024x512xf32>
    %get3A_39 = arith.constant 0 : index
    %get3A_40 = arith.constant 0 : index
    %get3A_41 = arith.constant 0 : index
    %get3A_42 = vector.load %arg4[%get3A_39, %get3A_40, %get3A_41] : memref<1x512x131xf32, #tpu.memory_space<vmem>>, vector<1x512x131xf32>
    %get3A_43 = vector.shape_cast %get3A_42 : vector<1x512x131xf32> to vector<512x131xf32>
    %dot_general3A_44 = arith.constant dense<0.000000e+00> : vector<1024x131xf32>
    %dot_general3A_45 = tpu.matmul %convert_element_type3A_38, %get3A_43, %dot_general3A_44 {dimension_numbers = #tpu.dot_dimension_numbers<[1], [0], [0], [1], [0, 0, 1, 1], [], []>, precision = #tpu.contract_precision<fp32>, transpose_lhs_hint = false} : vector<1024x512xf32>, vector<512x131xf32>, vector<1024x131xf32> -> vector<1024x131xf32>
    %reshape3A_46 = vector.shape_cast %dot_general3A_45 : vector<1024x131xf32> to vector<16x64x131xf32>
    %iota3A_47 = tpu.iota {dimensions = array<i32: 1>} : vector<16x64xi32>
    %convert_element_type3A_48 = arith.sitofp %iota3A_47 : vector<16x64xi32> to vector<16x64xf32>
    %ge3A = vector.broadcast %add3A_29 : vector<16x1xf32> to vector<16x64xf32>
    %ge3A_49 = arith.cmpf oge, %convert_element_type3A_48, %ge3A : vector<16x64xf32>
    %convert_element_type3A_50 = arith.extui %ge3A_49 : vector<16x64xi1> to vector<16x64xi32>
    %convert_element_type3A_51 = arith.sitofp %convert_element_type3A_50 : vector<16x64xi32> to vector<16x64xf32>
    %broadcast_in_dim3A_52 = vector.shape_cast %convert_element_type3A_51 : vector<16x64xf32> to vector<16x64x1xf32>
    %slice3A_53 = vector.extract_strided_slice %reshape3A_46 {offsets = [0, 0, 0], sizes = [16, 1, 131], strides = [1, 1, 1]} : vector<16x64x131xf32> to vector<16x1x131xf32>
    %mul3A = vector.broadcast %broadcast_in_dim3A_52 : vector<16x64x1xf32> to vector<16x64x131xf32>
    %mul3A_54 = vector.broadcast %slice3A_53 : vector<16x1x131xf32> to vector<16x64x131xf32>
    %mul3A_55 = arith.mulf %mul3A, %mul3A_54 : vector<16x64x131xf32>
    %add3A_56 = arith.addf %reshape3A_46, %mul3A_55 : vector<16x64x131xf32>
    %eq3A_57 = arith.constant 0.000000e+00 : f32
    %eq3A_58 = vector.broadcast %eq3A_57 : f32 to vector<16x1xf32>
    %eq3A_59 = arith.cmpf oeq, %add3A_29, %eq3A_58 : vector<16x1xf32>
    %convert_element_type3A_60 = arith.extui %eq3A_59 : vector<16x1xi1> to vector<16x1xi32>
    %convert_element_type3A_61 = arith.sitofp %convert_element_type3A_60 : vector<16x1xi32> to vector<16x1xf32>
    %broadcast_in_dim3A_62 = vector.shape_cast %convert_element_type3A_61 : vector<16x1xf32> to vector<16x1x1xf32>
    %get3A_63 = arith.constant 0 : index
    %get3A_64 = arith.constant 511 : index
    %get3A_65 = arith.constant 0 : index
    %get3A_66 = vector.load %arg4[%get3A_63, %get3A_64, %get3A_65] : memref<1x512x131xf32, #tpu.memory_space<vmem>>, vector<1x1x131xf32>
    %get3A_67 = vector.shape_cast %get3A_66 : vector<1x1x131xf32> to vector<131xf32>
    %broadcast_in_dim3A_68 = vector.shape_cast %get3A_67 : vector<131xf32> to vector<1x1x131xf32>
    %mul3A_69 = vector.broadcast %broadcast_in_dim3A_62 : vector<16x1x1xf32> to vector<16x1x131xf32>
    %mul3A_70 = vector.broadcast %broadcast_in_dim3A_68 : vector<1x1x131xf32> to vector<16x1x131xf32>
    %mul3A_71 = arith.mulf %mul3A_69, %mul3A_70 : vector<16x1x131xf32>
    %add3A_72 = vector.broadcast %mul3A_71 : vector<16x1x131xf32> to vector<16x64x131xf32>
    %add3A_73 = arith.addf %add3A_56, %add3A_72 : vector<16x64x131xf32>
    %slice3A_74 = vector.extract_strided_slice %add3A_73 {offsets = [0, 0, 128], sizes = [16, 64, 3], strides = [1, 1, 1]} : vector<16x64x131xf32> to vector<16x64x3xf32>
    %broadcast_in_dim3A_75 = vector.shape_cast %get3A_3 : vector<16x3xf32> to vector<16x1x3xf32>
    %sub3A = vector.broadcast %broadcast_in_dim3A_75 : vector<16x1x3xf32> to vector<16x64x3xf32>
    %sub3A_76 = arith.subf %slice3A_74, %sub3A : vector<16x64x3xf32>
    %slice3A_77 = vector.extract_strided_slice %add3A_73 {offsets = [0, 0, 0], sizes = [16, 64, 128], strides = [1, 1, 1]} : vector<16x64x131xf32> to vector<16x64x128xf32>
    %concatenate3A_78 = tpu.concatenate %slice3A_77, %sub3A_76 in 2 : vector<16x64x128xf32>, vector<16x64x3xf32> -> vector<16x64x131xf32>
    %reshape3A_79 = vector.shape_cast %concatenate3A_78 : vector<16x64x131xf32> to vector<1x16x64x131xf32>
    %swap3A = arith.constant 0 : index
    %swap3A_80 = arith.constant 0 : index
    %swap3A_81 = arith.constant 0 : index
    %swap3A_82 = arith.constant 0 : index
    %swap3A_83 = vector.load %arg5[%swap3A, %swap3A_80, %swap3A_81, %swap3A_82] : memref<1x16x64x131xf32, #tpu.memory_space<vmem>>, vector<1x16x64x131xf32>
    tpu.vector_store %arg5[%swap3A, %swap3A_80, %swap3A_81, %swap3A_82], %reshape3A_79 {strides = array<i32>} : memref<1x16x64x131xf32, #tpu.memory_space<vmem>>, vector<1x16x64x131xf32>,
    return
  }
  func.func @transform_0(%arg0: i32, %arg1: i32) -> (i32, i32, i32) {
    %c0_i32 = arith.constant 0 : i32
    %c0_i32_0 = arith.constant 0 : i32
    return %arg0, %arg1, %c0_i32 : i32, i32, i32
  }
  func.func @transform_1(%arg0: i32, %arg1: i32) -> (i32, i32, i32) {
    %c0_i32 = arith.constant 0 : i32
    %c0_i32_0 = arith.constant 0 : i32
    return %arg0, %arg1, %c0_i32 : i32, i32, i32
  }
  func.func @transform_2(%arg0: i32, %arg1: i32) -> (i32, i32, i32) {
    %c0_i32 = arith.constant 0 : i32
    %c0_i32_0 = arith.constant 0 : i32
    %c0_i32_1 = arith.constant 0 : i32
    return %arg0, %c0_i32, %c0_i32_0 : i32, i32, i32
  }
  func.func @transform_3(%arg0: i32, %arg1: i32) -> (i32, i32, i32, i32) {
    %c0_i32 = arith.constant 0 : i32
    %c0_i32_0 = arith.constant 0 : i32
    %c0_i32_1 = arith.constant 0 : i32
    return %arg0, %arg1, %c0_i32, %c0_i32_0 : i32, i32, i32, i32
  }
}

module attributes {stable_mosaic.version = 14 : i64} {
  func.func @_lin0_body(%arg0: i32, %arg1: i32, %arg2: memref<1x64x32x131xf32, #tpu.memory_space<vmem>>, %arg3: memref<131x64xf32, #tpu.memory_space<vmem>>, %arg4: memref<1x64xf32, #tpu.memory_space<vmem>>, %arg5: memref<1x64x32x64xf32, #tpu.memory_space<vmem>>) attributes {dimension_semantics = [#tpu.dimension_semantics<arbitrary>, #tpu.dimension_semantics<arbitrary>], iteration_bounds = array<i64: 8, 2>, scalar_prefetch = 0 : i64, scratch_operands = 0 : i64, tpu.core_type = #tpu.core_type<tc>, window_params = [{transform_indices = @transform_0, window_bounds = array<i64: 1, 64, 32, 131>}, {pipeline_mode = #tpu.pipeline_mode<synchronous>, transform_indices = @transform_1, window_bounds = array<i64: 131, 64>}, {pipeline_mode = #tpu.pipeline_mode<synchronous>, transform_indices = @transform_2, window_bounds = array<i64: 1, 64>}, {transform_indices = @transform_3, window_bounds = array<i64: 1, 64, 32, 64>}]} {
    %get3A = arith.constant 0 : index
    %get3A_0 = arith.constant 0 : index
    %get3A_1 = arith.constant 0 : index
    %get3A_2 = arith.constant 0 : index
    %get3A_3 = vector.load %arg2[%get3A, %get3A_0, %get3A_1, %get3A_2] : memref<1x64x32x131xf32, #tpu.memory_space<vmem>>, vector<1x64x32x131xf32>
    %reshape3A = vector.shape_cast %get3A_3 : vector<1x64x32x131xf32> to vector<2048x131xf32>
    %get3A_4 = arith.constant 0 : index
    %get3A_5 = arith.constant 0 : index
    %get3A_6 = vector.load %arg3[%get3A_4, %get3A_5] : memref<131x64xf32, #tpu.memory_space<vmem>>, vector<131x64xf32>
    %dot_general3A = arith.constant dense<0.000000e+00> : vector<2048x64xf32>
    %dot_general3A_7 = tpu.matmul %reshape3A, %get3A_6, %dot_general3A {dimension_numbers = #tpu.dot_dimension_numbers<[1], [0], [0], [1], [0, 0, 1, 1], [], []>, transpose_lhs_hint = false} : vector<2048x131xf32>, vector<131x64xf32>, vector<2048x64xf32> -> vector<2048x64xf32>
    %get3A_8 = arith.constant 0 : index
    %get3A_9 = arith.constant 0 : index
    %get3A_10 = vector.load %arg4[%get3A_8, %get3A_9] : memref<1x64xf32, #tpu.memory_space<vmem>>, vector<1x64xf32>
    %add3A = vector.broadcast %get3A_10 : vector<1x64xf32> to vector<2048x64xf32>
    %add3A_11 = arith.addf %dot_general3A_7, %add3A : vector<2048x64xf32>
    %reshape3A_12 = vector.shape_cast %add3A_11 : vector<2048x64xf32> to vector<1x64x32x64xf32>
    %swap3A = arith.constant 0 : index
    %swap3A_13 = arith.constant 0 : index
    %swap3A_14 = arith.constant 0 : index
    %swap3A_15 = arith.constant 0 : index
    %swap3A_16 = vector.load %arg5[%swap3A, %swap3A_13, %swap3A_14, %swap3A_15] : memref<1x64x32x64xf32, #tpu.memory_space<vmem>>, vector<1x64x32x64xf32>
    tpu.vector_store %arg5[%swap3A, %swap3A_13, %swap3A_14, %swap3A_15], %reshape3A_12 {strides = array<i32>} : memref<1x64x32x64xf32, #tpu.memory_space<vmem>>, vector<1x64x32x64xf32>,
    return
  }
  func.func @transform_0(%arg0: i32, %arg1: i32) -> (i32, i32, i32, i32) {
    %c0_i32 = arith.constant 0 : i32
    %c0_i32_0 = arith.constant 0 : i32
    %c0_i32_1 = arith.constant 0 : i32
    return %arg0, %arg1, %c0_i32, %c0_i32_0 : i32, i32, i32, i32
  }
  func.func @transform_1(%arg0: i32, %arg1: i32) -> (i32, i32) {
    %c0_i32 = arith.constant 0 : i32
    %c0_i32_0 = arith.constant 0 : i32
    %c0_i32_1 = arith.constant 0 : i32
    return %c0_i32, %c0_i32_0 : i32, i32
  }
  func.func @transform_2(%arg0: i32, %arg1: i32) -> (i32, i32) {
    %c0_i32 = arith.constant 0 : i32
    %c0_i32_0 = arith.constant 0 : i32
    %c0_i32_1 = arith.constant 0 : i32
    return %c0_i32, %c0_i32_0 : i32, i32
  }
  func.func @transform_3(%arg0: i32, %arg1: i32) -> (i32, i32, i32, i32) {
    %c0_i32 = arith.constant 0 : i32
    %c0_i32_0 = arith.constant 0 : i32
    %c0_i32_1 = arith.constant 0 : i32
    return %arg0, %arg1, %c0_i32, %c0_i32_0 : i32, i32, i32, i32
  }
}

module attributes {stable_mosaic.version = 14 : i64} {
  func.func @_mid_body(%arg0: i32, %arg1: i32, %arg2: memref<1x64x32x64xf32, #tpu.memory_space<vmem>>, %arg3: memref<1x64xf32, #tpu.memory_space<vmem>>, %arg4: memref<1x64xf32, #tpu.memory_space<vmem>>, %arg5: memref<1x64xf32, #tpu.memory_space<vmem>>, %arg6: memref<1x64xf32, #tpu.memory_space<vmem>>, %arg7: memref<64x64xf32, #tpu.memory_space<vmem>>, %arg8: memref<1x64xf32, #tpu.memory_space<vmem>>, %arg9: memref<1x64x32x64xf32, #tpu.memory_space<vmem>>) attributes {dimension_semantics = [#tpu.dimension_semantics<arbitrary>, #tpu.dimension_semantics<arbitrary>], iteration_bounds = array<i64: 8, 2>, scalar_prefetch = 0 : i64, scratch_operands = 0 : i64, tpu.core_type = #tpu.core_type<tc>, window_params = [{transform_indices = @transform_0, window_bounds = array<i64: 1, 64, 32, 64>}, {pipeline_mode = #tpu.pipeline_mode<synchronous>, transform_indices = @transform_1, window_bounds = array<i64: 1, 64>}, {pipeline_mode = #tpu.pipeline_mode<synchronous>, transform_indices = @transform_2, window_bounds = array<i64: 1, 64>}, {pipeline_mode = #tpu.pipeline_mode<synchronous>, transform_indices = @transform_3, window_bounds = array<i64: 1, 64>}, {pipeline_mode = #tpu.pipeline_mode<synchronous>, transform_indices = @transform_4, window_bounds = array<i64: 1, 64>}, {pipeline_mode = #tpu.pipeline_mode<synchronous>, transform_indices = @transform_5, window_bounds = array<i64: 64, 64>}, {pipeline_mode = #tpu.pipeline_mode<synchronous>, transform_indices = @transform_6, window_bounds = array<i64: 1, 64>}, {transform_indices = @transform_7, window_bounds = array<i64: 1, 64, 32, 64>}]} {
    %get3A = arith.constant 0 : index
    %get3A_0 = arith.constant 0 : index
    %get3A_1 = arith.constant 0 : index
    %get3A_2 = arith.constant 0 : index
    %get3A_3 = vector.load %arg2[%get3A, %get3A_0, %get3A_1, %get3A_2] : memref<1x64x32x64xf32, #tpu.memory_space<vmem>>, vector<1x64x32x64xf32>
    %reshape3A = vector.shape_cast %get3A_3 : vector<1x64x32x64xf32> to vector<2048x64xf32>
    %get3A_4 = arith.constant 0 : index
    %get3A_5 = arith.constant 0 : index
    %get3A_6 = vector.load %arg5[%get3A_4, %get3A_5] : memref<1x64xf32, #tpu.memory_space<vmem>>, vector<1x64xf32>
    %get3A_7 = arith.constant 0 : index
    %get3A_8 = arith.constant 0 : index
    %get3A_9 = vector.load %arg3[%get3A_7, %get3A_8] : memref<1x64xf32, #tpu.memory_space<vmem>>, vector<1x64xf32>
    %sub3A = vector.broadcast %get3A_9 : vector<1x64xf32> to vector<2048x64xf32>
    %sub3A_10 = arith.subf %reshape3A, %sub3A : vector<2048x64xf32>
    %mul3A = vector.broadcast %get3A_6 : vector<1x64xf32> to vector<2048x64xf32>
    %mul3A_11 = arith.mulf %mul3A, %sub3A_10 : vector<2048x64xf32>
    %get3A_12 = arith.constant 0 : index
    %get3A_13 = arith.constant 0 : index
    %get3A_14 = vector.load %arg4[%get3A_12, %get3A_13] : memref<1x64xf32, #tpu.memory_space<vmem>>, vector<1x64xf32>
    %add3A = arith.constant 9.99999974E-6 : f32
    %add3A_15 = vector.broadcast %add3A : f32 to vector<1x64xf32>
    %add3A_16 = arith.addf %get3A_14, %add3A_15 : vector<1x64xf32>
    %sqrt3A = math.sqrt %add3A_16 : vector<1x64xf32>
    %div3A = vector.broadcast %sqrt3A : vector<1x64xf32> to vector<2048x64xf32>
    %div3A_17 = arith.divf %mul3A_11, %div3A : vector<2048x64xf32>
    %get3A_18 = arith.constant 0 : index
    %get3A_19 = arith.constant 0 : index
    %get3A_20 = vector.load %arg6[%get3A_18, %get3A_19] : memref<1x64xf32, #tpu.memory_space<vmem>>, vector<1x64xf32>
    %add3A_21 = vector.broadcast %get3A_20 : vector<1x64xf32> to vector<2048x64xf32>
    %add3A_22 = arith.addf %div3A_17, %add3A_21 : vector<2048x64xf32>
    %max3A = arith.constant 0.000000e+00 : f32
    %max3A_23 = vector.broadcast %max3A : f32 to vector<2048x64xf32>
    %max3A_24 = arith.maximumf %add3A_22, %max3A_23 : vector<2048x64xf32>
    %get3A_25 = arith.constant 0 : index
    %get3A_26 = arith.constant 0 : index
    %get3A_27 = vector.load %arg7[%get3A_25, %get3A_26] : memref<64x64xf32, #tpu.memory_space<vmem>>, vector<64x64xf32>
    %dot_general3A = arith.constant dense<0.000000e+00> : vector<2048x64xf32>
    %dot_general3A_28 = tpu.matmul %max3A_24, %get3A_27, %dot_general3A {dimension_numbers = #tpu.dot_dimension_numbers<[1], [0], [0], [1], [0, 0, 1, 1], [], []>, transpose_lhs_hint = false} : vector<2048x64xf32>, vector<64x64xf32>, vector<2048x64xf32> -> vector<2048x64xf32>
    %get3A_29 = arith.constant 0 : index
    %get3A_30 = arith.constant 0 : index
    %get3A_31 = vector.load %arg8[%get3A_29, %get3A_30] : memref<1x64xf32, #tpu.memory_space<vmem>>, vector<1x64xf32>
    %add3A_32 = vector.broadcast %get3A_31 : vector<1x64xf32> to vector<2048x64xf32>
    %add3A_33 = arith.addf %dot_general3A_28, %add3A_32 : vector<2048x64xf32>
    %reshape3A_34 = vector.shape_cast %add3A_33 : vector<2048x64xf32> to vector<1x64x32x64xf32>
    %swap3A = arith.constant 0 : index
    %swap3A_35 = arith.constant 0 : index
    %swap3A_36 = arith.constant 0 : index
    %swap3A_37 = arith.constant 0 : index
    %swap3A_38 = vector.load %arg9[%swap3A, %swap3A_35, %swap3A_36, %swap3A_37] : memref<1x64x32x64xf32, #tpu.memory_space<vmem>>, vector<1x64x32x64xf32>
    tpu.vector_store %arg9[%swap3A, %swap3A_35, %swap3A_36, %swap3A_37], %reshape3A_34 {strides = array<i32>} : memref<1x64x32x64xf32, #tpu.memory_space<vmem>>, vector<1x64x32x64xf32>,
    return
  }
  func.func @transform_0(%arg0: i32, %arg1: i32) -> (i32, i32, i32, i32) {
    %c0_i32 = arith.constant 0 : i32
    %c0_i32_0 = arith.constant 0 : i32
    %c0_i32_1 = arith.constant 0 : i32
    return %arg0, %arg1, %c0_i32, %c0_i32_0 : i32, i32, i32, i32
  }
  func.func @transform_1(%arg0: i32, %arg1: i32) -> (i32, i32) {
    %c0_i32 = arith.constant 0 : i32
    %c0_i32_0 = arith.constant 0 : i32
    %c0_i32_1 = arith.constant 0 : i32
    return %c0_i32, %c0_i32_0 : i32, i32
  }
  func.func @transform_2(%arg0: i32, %arg1: i32) -> (i32, i32) {
    %c0_i32 = arith.constant 0 : i32
    %c0_i32_0 = arith.constant 0 : i32
    %c0_i32_1 = arith.constant 0 : i32
    return %c0_i32, %c0_i32_0 : i32, i32
  }
  func.func @transform_3(%arg0: i32, %arg1: i32) -> (i32, i32) {
    %c0_i32 = arith.constant 0 : i32
    %c0_i32_0 = arith.constant 0 : i32
    %c0_i32_1 = arith.constant 0 : i32
    return %c0_i32, %c0_i32_0 : i32, i32
  }
  func.func @transform_4(%arg0: i32, %arg1: i32) -> (i32, i32) {
    %c0_i32 = arith.constant 0 : i32
    %c0_i32_0 = arith.constant 0 : i32
    %c0_i32_1 = arith.constant 0 : i32
    return %c0_i32, %c0_i32_0 : i32, i32
  }
  func.func @transform_5(%arg0: i32, %arg1: i32) -> (i32, i32) {
    %c0_i32 = arith.constant 0 : i32
    %c0_i32_0 = arith.constant 0 : i32
    %c0_i32_1 = arith.constant 0 : i32
    return %c0_i32, %c0_i32_0 : i32, i32
  }
  func.func @transform_6(%arg0: i32, %arg1: i32) -> (i32, i32) {
    %c0_i32 = arith.constant 0 : i32
    %c0_i32_0 = arith.constant 0 : i32
    %c0_i32_1 = arith.constant 0 : i32
    return %c0_i32, %c0_i32_0 : i32, i32
  }
  func.func @transform_7(%arg0: i32, %arg1: i32) -> (i32, i32, i32, i32) {
    %c0_i32 = arith.constant 0 : i32
    %c0_i32_0 = arith.constant 0 : i32
    %c0_i32_1 = arith.constant 0 : i32
    return %arg0, %arg1, %c0_i32, %c0_i32_0 : i32, i32, i32, i32
  }
}

module attributes {stable_mosaic.version = 14 : i64} {
  func.func @_mid_body(%arg0: i32, %arg1: i32, %arg2: memref<1x64x32x64xf32, #tpu.memory_space<vmem>>, %arg3: memref<1x64xf32, #tpu.memory_space<vmem>>, %arg4: memref<1x64xf32, #tpu.memory_space<vmem>>, %arg5: memref<1x64xf32, #tpu.memory_space<vmem>>, %arg6: memref<1x64xf32, #tpu.memory_space<vmem>>, %arg7: memref<64x128xf32, #tpu.memory_space<vmem>>, %arg8: memref<1x128xf32, #tpu.memory_space<vmem>>, %arg9: memref<1x64x32x128xf32, #tpu.memory_space<vmem>>) attributes {dimension_semantics = [#tpu.dimension_semantics<arbitrary>, #tpu.dimension_semantics<arbitrary>], iteration_bounds = array<i64: 8, 2>, scalar_prefetch = 0 : i64, scratch_operands = 0 : i64, tpu.core_type = #tpu.core_type<tc>, window_params = [{transform_indices = @transform_0, window_bounds = array<i64: 1, 64, 32, 64>}, {pipeline_mode = #tpu.pipeline_mode<synchronous>, transform_indices = @transform_1, window_bounds = array<i64: 1, 64>}, {pipeline_mode = #tpu.pipeline_mode<synchronous>, transform_indices = @transform_2, window_bounds = array<i64: 1, 64>}, {pipeline_mode = #tpu.pipeline_mode<synchronous>, transform_indices = @transform_3, window_bounds = array<i64: 1, 64>}, {pipeline_mode = #tpu.pipeline_mode<synchronous>, transform_indices = @transform_4, window_bounds = array<i64: 1, 64>}, {pipeline_mode = #tpu.pipeline_mode<synchronous>, transform_indices = @transform_5, window_bounds = array<i64: 64, 128>}, {pipeline_mode = #tpu.pipeline_mode<synchronous>, transform_indices = @transform_6, window_bounds = array<i64: 1, 128>}, {transform_indices = @transform_7, window_bounds = array<i64: 1, 64, 32, 128>}]} {
    %get3A = arith.constant 0 : index
    %get3A_0 = arith.constant 0 : index
    %get3A_1 = arith.constant 0 : index
    %get3A_2 = arith.constant 0 : index
    %get3A_3 = vector.load %arg2[%get3A, %get3A_0, %get3A_1, %get3A_2] : memref<1x64x32x64xf32, #tpu.memory_space<vmem>>, vector<1x64x32x64xf32>
    %reshape3A = vector.shape_cast %get3A_3 : vector<1x64x32x64xf32> to vector<2048x64xf32>
    %get3A_4 = arith.constant 0 : index
    %get3A_5 = arith.constant 0 : index
    %get3A_6 = vector.load %arg5[%get3A_4, %get3A_5] : memref<1x64xf32, #tpu.memory_space<vmem>>, vector<1x64xf32>
    %get3A_7 = arith.constant 0 : index
    %get3A_8 = arith.constant 0 : index
    %get3A_9 = vector.load %arg3[%get3A_7, %get3A_8] : memref<1x64xf32, #tpu.memory_space<vmem>>, vector<1x64xf32>
    %sub3A = vector.broadcast %get3A_9 : vector<1x64xf32> to vector<2048x64xf32>
    %sub3A_10 = arith.subf %reshape3A, %sub3A : vector<2048x64xf32>
    %mul3A = vector.broadcast %get3A_6 : vector<1x64xf32> to vector<2048x64xf32>
    %mul3A_11 = arith.mulf %mul3A, %sub3A_10 : vector<2048x64xf32>
    %get3A_12 = arith.constant 0 : index
    %get3A_13 = arith.constant 0 : index
    %get3A_14 = vector.load %arg4[%get3A_12, %get3A_13] : memref<1x64xf32, #tpu.memory_space<vmem>>, vector<1x64xf32>
    %add3A = arith.constant 9.99999974E-6 : f32
    %add3A_15 = vector.broadcast %add3A : f32 to vector<1x64xf32>
    %add3A_16 = arith.addf %get3A_14, %add3A_15 : vector<1x64xf32>
    %sqrt3A = math.sqrt %add3A_16 : vector<1x64xf32>
    %div3A = vector.broadcast %sqrt3A : vector<1x64xf32> to vector<2048x64xf32>
    %div3A_17 = arith.divf %mul3A_11, %div3A : vector<2048x64xf32>
    %get3A_18 = arith.constant 0 : index
    %get3A_19 = arith.constant 0 : index
    %get3A_20 = vector.load %arg6[%get3A_18, %get3A_19] : memref<1x64xf32, #tpu.memory_space<vmem>>, vector<1x64xf32>
    %add3A_21 = vector.broadcast %get3A_20 : vector<1x64xf32> to vector<2048x64xf32>
    %add3A_22 = arith.addf %div3A_17, %add3A_21 : vector<2048x64xf32>
    %max3A = arith.constant 0.000000e+00 : f32
    %max3A_23 = vector.broadcast %max3A : f32 to vector<2048x64xf32>
    %max3A_24 = arith.maximumf %add3A_22, %max3A_23 : vector<2048x64xf32>
    %get3A_25 = arith.constant 0 : index
    %get3A_26 = arith.constant 0 : index
    %get3A_27 = vector.load %arg7[%get3A_25, %get3A_26] : memref<64x128xf32, #tpu.memory_space<vmem>>, vector<64x128xf32>
    %dot_general3A = arith.constant dense<0.000000e+00> : vector<2048x128xf32>
    %dot_general3A_28 = tpu.matmul %max3A_24, %get3A_27, %dot_general3A {dimension_numbers = #tpu.dot_dimension_numbers<[1], [0], [0], [1], [0, 0, 1, 1], [], []>, transpose_lhs_hint = false} : vector<2048x64xf32>, vector<64x128xf32>, vector<2048x128xf32> -> vector<2048x128xf32>
    %get3A_29 = arith.constant 0 : index
    %get3A_30 = arith.constant 0 : index
    %get3A_31 = vector.load %arg8[%get3A_29, %get3A_30] : memref<1x128xf32, #tpu.memory_space<vmem>>, vector<1x128xf32>
    %add3A_32 = vector.broadcast %get3A_31 : vector<1x128xf32> to vector<2048x128xf32>
    %add3A_33 = arith.addf %dot_general3A_28, %add3A_32 : vector<2048x128xf32>
    %reshape3A_34 = vector.shape_cast %add3A_33 : vector<2048x128xf32> to vector<1x64x32x128xf32>
    %swap3A = arith.constant 0 : index
    %swap3A_35 = arith.constant 0 : index
    %swap3A_36 = arith.constant 0 : index
    %swap3A_37 = arith.constant 0 : index
    %swap3A_38 = vector.load %arg9[%swap3A, %swap3A_35, %swap3A_36, %swap3A_37] : memref<1x64x32x128xf32, #tpu.memory_space<vmem>>, vector<1x64x32x128xf32>
    tpu.vector_store %arg9[%swap3A, %swap3A_35, %swap3A_36, %swap3A_37], %reshape3A_34 {strides = array<i32>} : memref<1x64x32x128xf32, #tpu.memory_space<vmem>>, vector<1x64x32x128xf32>,
    return
  }
  func.func @transform_0(%arg0: i32, %arg1: i32) -> (i32, i32, i32, i32) {
    %c0_i32 = arith.constant 0 : i32
    %c0_i32_0 = arith.constant 0 : i32
    %c0_i32_1 = arith.constant 0 : i32
    return %arg0, %arg1, %c0_i32, %c0_i32_0 : i32, i32, i32, i32
  }
  func.func @transform_1(%arg0: i32, %arg1: i32) -> (i32, i32) {
    %c0_i32 = arith.constant 0 : i32
    %c0_i32_0 = arith.constant 0 : i32
    %c0_i32_1 = arith.constant 0 : i32
    return %c0_i32, %c0_i32_0 : i32, i32
  }
  func.func @transform_2(%arg0: i32, %arg1: i32) -> (i32, i32) {
    %c0_i32 = arith.constant 0 : i32
    %c0_i32_0 = arith.constant 0 : i32
    %c0_i32_1 = arith.constant 0 : i32
    return %c0_i32, %c0_i32_0 : i32, i32
  }
  func.func @transform_3(%arg0: i32, %arg1: i32) -> (i32, i32) {
    %c0_i32 = arith.constant 0 : i32
    %c0_i32_0 = arith.constant 0 : i32
    %c0_i32_1 = arith.constant 0 : i32
    return %c0_i32, %c0_i32_0 : i32, i32
  }
  func.func @transform_4(%arg0: i32, %arg1: i32) -> (i32, i32) {
    %c0_i32 = arith.constant 0 : i32
    %c0_i32_0 = arith.constant 0 : i32
    %c0_i32_1 = arith.constant 0 : i32
    return %c0_i32, %c0_i32_0 : i32, i32
  }
  func.func @transform_5(%arg0: i32, %arg1: i32) -> (i32, i32) {
    %c0_i32 = arith.constant 0 : i32
    %c0_i32_0 = arith.constant 0 : i32
    %c0_i32_1 = arith.constant 0 : i32
    return %c0_i32, %c0_i32_0 : i32, i32
  }
  func.func @transform_6(%arg0: i32, %arg1: i32) -> (i32, i32) {
    %c0_i32 = arith.constant 0 : i32
    %c0_i32_0 = arith.constant 0 : i32
    %c0_i32_1 = arith.constant 0 : i32
    return %c0_i32, %c0_i32_0 : i32, i32
  }
  func.func @transform_7(%arg0: i32, %arg1: i32) -> (i32, i32, i32, i32) {
    %c0_i32 = arith.constant 0 : i32
    %c0_i32_0 = arith.constant 0 : i32
    %c0_i32_1 = arith.constant 0 : i32
    return %arg0, %arg1, %c0_i32, %c0_i32_0 : i32, i32, i32, i32
  }
}

module attributes {stable_mosaic.version = 14 : i64} {
  func.func @_lin0_body(%arg0: i32, %arg1: i32, %arg2: memref<1x32x64x131xf32, #tpu.memory_space<vmem>>, %arg3: memref<131x64xf32, #tpu.memory_space<vmem>>, %arg4: memref<1x64xf32, #tpu.memory_space<vmem>>, %arg5: memref<1x32x64x64xf32, #tpu.memory_space<vmem>>) attributes {dimension_semantics = [#tpu.dimension_semantics<arbitrary>, #tpu.dimension_semantics<arbitrary>], iteration_bounds = array<i64: 8, 4>, scalar_prefetch = 0 : i64, scratch_operands = 0 : i64, tpu.core_type = #tpu.core_type<tc>, window_params = [{transform_indices = @transform_0, window_bounds = array<i64: 1, 32, 64, 131>}, {pipeline_mode = #tpu.pipeline_mode<synchronous>, transform_indices = @transform_1, window_bounds = array<i64: 131, 64>}, {pipeline_mode = #tpu.pipeline_mode<synchronous>, transform_indices = @transform_2, window_bounds = array<i64: 1, 64>}, {transform_indices = @transform_3, window_bounds = array<i64: 1, 32, 64, 64>}]} {
    %get3A = arith.constant 0 : index
    %get3A_0 = arith.constant 0 : index
    %get3A_1 = arith.constant 0 : index
    %get3A_2 = arith.constant 0 : index
    %get3A_3 = vector.load %arg2[%get3A, %get3A_0, %get3A_1, %get3A_2] : memref<1x32x64x131xf32, #tpu.memory_space<vmem>>, vector<1x32x64x131xf32>
    %reshape3A = vector.shape_cast %get3A_3 : vector<1x32x64x131xf32> to vector<2048x131xf32>
    %get3A_4 = arith.constant 0 : index
    %get3A_5 = arith.constant 0 : index
    %get3A_6 = vector.load %arg3[%get3A_4, %get3A_5] : memref<131x64xf32, #tpu.memory_space<vmem>>, vector<131x64xf32>
    %dot_general3A = arith.constant dense<0.000000e+00> : vector<2048x64xf32>
    %dot_general3A_7 = tpu.matmul %reshape3A, %get3A_6, %dot_general3A {dimension_numbers = #tpu.dot_dimension_numbers<[1], [0], [0], [1], [0, 0, 1, 1], [], []>, transpose_lhs_hint = false} : vector<2048x131xf32>, vector<131x64xf32>, vector<2048x64xf32> -> vector<2048x64xf32>
    %get3A_8 = arith.constant 0 : index
    %get3A_9 = arith.constant 0 : index
    %get3A_10 = vector.load %arg4[%get3A_8, %get3A_9] : memref<1x64xf32, #tpu.memory_space<vmem>>, vector<1x64xf32>
    %add3A = vector.broadcast %get3A_10 : vector<1x64xf32> to vector<2048x64xf32>
    %add3A_11 = arith.addf %dot_general3A_7, %add3A : vector<2048x64xf32>
    %reshape3A_12 = vector.shape_cast %add3A_11 : vector<2048x64xf32> to vector<1x32x64x64xf32>
    %swap3A = arith.constant 0 : index
    %swap3A_13 = arith.constant 0 : index
    %swap3A_14 = arith.constant 0 : index
    %swap3A_15 = arith.constant 0 : index
    %swap3A_16 = vector.load %arg5[%swap3A, %swap3A_13, %swap3A_14, %swap3A_15] : memref<1x32x64x64xf32, #tpu.memory_space<vmem>>, vector<1x32x64x64xf32>
    tpu.vector_store %arg5[%swap3A, %swap3A_13, %swap3A_14, %swap3A_15], %reshape3A_12 {strides = array<i32>} : memref<1x32x64x64xf32, #tpu.memory_space<vmem>>, vector<1x32x64x64xf32>,
    return
  }
  func.func @transform_0(%arg0: i32, %arg1: i32) -> (i32, i32, i32, i32) {
    %c0_i32 = arith.constant 0 : i32
    %c0_i32_0 = arith.constant 0 : i32
    %c0_i32_1 = arith.constant 0 : i32
    return %arg0, %arg1, %c0_i32, %c0_i32_0 : i32, i32, i32, i32
  }
  func.func @transform_1(%arg0: i32, %arg1: i32) -> (i32, i32) {
    %c0_i32 = arith.constant 0 : i32
    %c0_i32_0 = arith.constant 0 : i32
    %c0_i32_1 = arith.constant 0 : i32
    return %c0_i32, %c0_i32_0 : i32, i32
  }
  func.func @transform_2(%arg0: i32, %arg1: i32) -> (i32, i32) {
    %c0_i32 = arith.constant 0 : i32
    %c0_i32_0 = arith.constant 0 : i32
    %c0_i32_1 = arith.constant 0 : i32
    return %c0_i32, %c0_i32_0 : i32, i32
  }
  func.func @transform_3(%arg0: i32, %arg1: i32) -> (i32, i32, i32, i32) {
    %c0_i32 = arith.constant 0 : i32
    %c0_i32_0 = arith.constant 0 : i32
    %c0_i32_1 = arith.constant 0 : i32
    return %arg0, %arg1, %c0_i32, %c0_i32_0 : i32, i32, i32, i32
  }
}

module attributes {stable_mosaic.version = 14 : i64} {
  func.func @_mid_body(%arg0: i32, %arg1: i32, %arg2: memref<1x32x64x64xf32, #tpu.memory_space<vmem>>, %arg3: memref<1x64xf32, #tpu.memory_space<vmem>>, %arg4: memref<1x64xf32, #tpu.memory_space<vmem>>, %arg5: memref<1x64xf32, #tpu.memory_space<vmem>>, %arg6: memref<1x64xf32, #tpu.memory_space<vmem>>, %arg7: memref<64x64xf32, #tpu.memory_space<vmem>>, %arg8: memref<1x64xf32, #tpu.memory_space<vmem>>, %arg9: memref<1x32x64x64xf32, #tpu.memory_space<vmem>>) attributes {dimension_semantics = [#tpu.dimension_semantics<arbitrary>, #tpu.dimension_semantics<arbitrary>], iteration_bounds = array<i64: 8, 4>, scalar_prefetch = 0 : i64, scratch_operands = 0 : i64, tpu.core_type = #tpu.core_type<tc>, window_params = [{transform_indices = @transform_0, window_bounds = array<i64: 1, 32, 64, 64>}, {pipeline_mode = #tpu.pipeline_mode<synchronous>, transform_indices = @transform_1, window_bounds = array<i64: 1, 64>}, {pipeline_mode = #tpu.pipeline_mode<synchronous>, transform_indices = @transform_2, window_bounds = array<i64: 1, 64>}, {pipeline_mode = #tpu.pipeline_mode<synchronous>, transform_indices = @transform_3, window_bounds = array<i64: 1, 64>}, {pipeline_mode = #tpu.pipeline_mode<synchronous>, transform_indices = @transform_4, window_bounds = array<i64: 1, 64>}, {pipeline_mode = #tpu.pipeline_mode<synchronous>, transform_indices = @transform_5, window_bounds = array<i64: 64, 64>}, {pipeline_mode = #tpu.pipeline_mode<synchronous>, transform_indices = @transform_6, window_bounds = array<i64: 1, 64>}, {transform_indices = @transform_7, window_bounds = array<i64: 1, 32, 64, 64>}]} {
    %get3A = arith.constant 0 : index
    %get3A_0 = arith.constant 0 : index
    %get3A_1 = arith.constant 0 : index
    %get3A_2 = arith.constant 0 : index
    %get3A_3 = vector.load %arg2[%get3A, %get3A_0, %get3A_1, %get3A_2] : memref<1x32x64x64xf32, #tpu.memory_space<vmem>>, vector<1x32x64x64xf32>
    %reshape3A = vector.shape_cast %get3A_3 : vector<1x32x64x64xf32> to vector<2048x64xf32>
    %get3A_4 = arith.constant 0 : index
    %get3A_5 = arith.constant 0 : index
    %get3A_6 = vector.load %arg5[%get3A_4, %get3A_5] : memref<1x64xf32, #tpu.memory_space<vmem>>, vector<1x64xf32>
    %get3A_7 = arith.constant 0 : index
    %get3A_8 = arith.constant 0 : index
    %get3A_9 = vector.load %arg3[%get3A_7, %get3A_8] : memref<1x64xf32, #tpu.memory_space<vmem>>, vector<1x64xf32>
    %sub3A = vector.broadcast %get3A_9 : vector<1x64xf32> to vector<2048x64xf32>
    %sub3A_10 = arith.subf %reshape3A, %sub3A : vector<2048x64xf32>
    %mul3A = vector.broadcast %get3A_6 : vector<1x64xf32> to vector<2048x64xf32>
    %mul3A_11 = arith.mulf %mul3A, %sub3A_10 : vector<2048x64xf32>
    %get3A_12 = arith.constant 0 : index
    %get3A_13 = arith.constant 0 : index
    %get3A_14 = vector.load %arg4[%get3A_12, %get3A_13] : memref<1x64xf32, #tpu.memory_space<vmem>>, vector<1x64xf32>
    %add3A = arith.constant 9.99999974E-6 : f32
    %add3A_15 = vector.broadcast %add3A : f32 to vector<1x64xf32>
    %add3A_16 = arith.addf %get3A_14, %add3A_15 : vector<1x64xf32>
    %sqrt3A = math.sqrt %add3A_16 : vector<1x64xf32>
    %div3A = vector.broadcast %sqrt3A : vector<1x64xf32> to vector<2048x64xf32>
    %div3A_17 = arith.divf %mul3A_11, %div3A : vector<2048x64xf32>
    %get3A_18 = arith.constant 0 : index
    %get3A_19 = arith.constant 0 : index
    %get3A_20 = vector.load %arg6[%get3A_18, %get3A_19] : memref<1x64xf32, #tpu.memory_space<vmem>>, vector<1x64xf32>
    %add3A_21 = vector.broadcast %get3A_20 : vector<1x64xf32> to vector<2048x64xf32>
    %add3A_22 = arith.addf %div3A_17, %add3A_21 : vector<2048x64xf32>
    %max3A = arith.constant 0.000000e+00 : f32
    %max3A_23 = vector.broadcast %max3A : f32 to vector<2048x64xf32>
    %max3A_24 = arith.maximumf %add3A_22, %max3A_23 : vector<2048x64xf32>
    %get3A_25 = arith.constant 0 : index
    %get3A_26 = arith.constant 0 : index
    %get3A_27 = vector.load %arg7[%get3A_25, %get3A_26] : memref<64x64xf32, #tpu.memory_space<vmem>>, vector<64x64xf32>
    %dot_general3A = arith.constant dense<0.000000e+00> : vector<2048x64xf32>
    %dot_general3A_28 = tpu.matmul %max3A_24, %get3A_27, %dot_general3A {dimension_numbers = #tpu.dot_dimension_numbers<[1], [0], [0], [1], [0, 0, 1, 1], [], []>, transpose_lhs_hint = false} : vector<2048x64xf32>, vector<64x64xf32>, vector<2048x64xf32> -> vector<2048x64xf32>
    %get3A_29 = arith.constant 0 : index
    %get3A_30 = arith.constant 0 : index
    %get3A_31 = vector.load %arg8[%get3A_29, %get3A_30] : memref<1x64xf32, #tpu.memory_space<vmem>>, vector<1x64xf32>
    %add3A_32 = vector.broadcast %get3A_31 : vector<1x64xf32> to vector<2048x64xf32>
    %add3A_33 = arith.addf %dot_general3A_28, %add3A_32 : vector<2048x64xf32>
    %reshape3A_34 = vector.shape_cast %add3A_33 : vector<2048x64xf32> to vector<1x32x64x64xf32>
    %swap3A = arith.constant 0 : index
    %swap3A_35 = arith.constant 0 : index
    %swap3A_36 = arith.constant 0 : index
    %swap3A_37 = arith.constant 0 : index
    %swap3A_38 = vector.load %arg9[%swap3A, %swap3A_35, %swap3A_36, %swap3A_37] : memref<1x32x64x64xf32, #tpu.memory_space<vmem>>, vector<1x32x64x64xf32>
    tpu.vector_store %arg9[%swap3A, %swap3A_35, %swap3A_36, %swap3A_37], %reshape3A_34 {strides = array<i32>} : memref<1x32x64x64xf32, #tpu.memory_space<vmem>>, vector<1x32x64x64xf32>,
    return
  }
  func.func @transform_0(%arg0: i32, %arg1: i32) -> (i32, i32, i32, i32) {
    %c0_i32 = arith.constant 0 : i32
    %c0_i32_0 = arith.constant 0 : i32
    %c0_i32_1 = arith.constant 0 : i32
    return %arg0, %arg1, %c0_i32, %c0_i32_0 : i32, i32, i32, i32
  }
  func.func @transform_1(%arg0: i32, %arg1: i32) -> (i32, i32) {
    %c0_i32 = arith.constant 0 : i32
    %c0_i32_0 = arith.constant 0 : i32
    %c0_i32_1 = arith.constant 0 : i32
    return %c0_i32, %c0_i32_0 : i32, i32
  }
  func.func @transform_2(%arg0: i32, %arg1: i32) -> (i32, i32) {
    %c0_i32 = arith.constant 0 : i32
    %c0_i32_0 = arith.constant 0 : i32
    %c0_i32_1 = arith.constant 0 : i32
    return %c0_i32, %c0_i32_0 : i32, i32
  }
  func.func @transform_3(%arg0: i32, %arg1: i32) -> (i32, i32) {
    %c0_i32 = arith.constant 0 : i32
    %c0_i32_0 = arith.constant 0 : i32
    %c0_i32_1 = arith.constant 0 : i32
    return %c0_i32, %c0_i32_0 : i32, i32
  }
  func.func @transform_4(%arg0: i32, %arg1: i32) -> (i32, i32) {
    %c0_i32 = arith.constant 0 : i32
    %c0_i32_0 = arith.constant 0 : i32
    %c0_i32_1 = arith.constant 0 : i32
    return %c0_i32, %c0_i32_0 : i32, i32
  }
  func.func @transform_5(%arg0: i32, %arg1: i32) -> (i32, i32) {
    %c0_i32 = arith.constant 0 : i32
    %c0_i32_0 = arith.constant 0 : i32
    %c0_i32_1 = arith.constant 0 : i32
    return %c0_i32, %c0_i32_0 : i32, i32
  }
  func.func @transform_6(%arg0: i32, %arg1: i32) -> (i32, i32) {
    %c0_i32 = arith.constant 0 : i32
    %c0_i32_0 = arith.constant 0 : i32
    %c0_i32_1 = arith.constant 0 : i32
    return %c0_i32, %c0_i32_0 : i32, i32
  }
  func.func @transform_7(%arg0: i32, %arg1: i32) -> (i32, i32, i32, i32) {
    %c0_i32 = arith.constant 0 : i32
    %c0_i32_0 = arith.constant 0 : i32
    %c0_i32_1 = arith.constant 0 : i32
    return %arg0, %arg1, %c0_i32, %c0_i32_0 : i32, i32, i32, i32
  }
}

module attributes {stable_mosaic.version = 14 : i64} {
  func.func @_mid_body(%arg0: i32, %arg1: i32, %arg2: memref<1x32x64x64xf32, #tpu.memory_space<vmem>>, %arg3: memref<1x64xf32, #tpu.memory_space<vmem>>, %arg4: memref<1x64xf32, #tpu.memory_space<vmem>>, %arg5: memref<1x64xf32, #tpu.memory_space<vmem>>, %arg6: memref<1x64xf32, #tpu.memory_space<vmem>>, %arg7: memref<64x128xf32, #tpu.memory_space<vmem>>, %arg8: memref<1x128xf32, #tpu.memory_space<vmem>>, %arg9: memref<1x32x64x128xf32, #tpu.memory_space<vmem>>) attributes {dimension_semantics = [#tpu.dimension_semantics<arbitrary>, #tpu.dimension_semantics<arbitrary>], iteration_bounds = array<i64: 8, 4>, scalar_prefetch = 0 : i64, scratch_operands = 0 : i64, tpu.core_type = #tpu.core_type<tc>, window_params = [{transform_indices = @transform_0, window_bounds = array<i64: 1, 32, 64, 64>}, {pipeline_mode = #tpu.pipeline_mode<synchronous>, transform_indices = @transform_1, window_bounds = array<i64: 1, 64>}, {pipeline_mode = #tpu.pipeline_mode<synchronous>, transform_indices = @transform_2, window_bounds = array<i64: 1, 64>}, {pipeline_mode = #tpu.pipeline_mode<synchronous>, transform_indices = @transform_3, window_bounds = array<i64: 1, 64>}, {pipeline_mode = #tpu.pipeline_mode<synchronous>, transform_indices = @transform_4, window_bounds = array<i64: 1, 64>}, {pipeline_mode = #tpu.pipeline_mode<synchronous>, transform_indices = @transform_5, window_bounds = array<i64: 64, 128>}, {pipeline_mode = #tpu.pipeline_mode<synchronous>, transform_indices = @transform_6, window_bounds = array<i64: 1, 128>}, {transform_indices = @transform_7, window_bounds = array<i64: 1, 32, 64, 128>}]} {
    %get3A = arith.constant 0 : index
    %get3A_0 = arith.constant 0 : index
    %get3A_1 = arith.constant 0 : index
    %get3A_2 = arith.constant 0 : index
    %get3A_3 = vector.load %arg2[%get3A, %get3A_0, %get3A_1, %get3A_2] : memref<1x32x64x64xf32, #tpu.memory_space<vmem>>, vector<1x32x64x64xf32>
    %reshape3A = vector.shape_cast %get3A_3 : vector<1x32x64x64xf32> to vector<2048x64xf32>
    %get3A_4 = arith.constant 0 : index
    %get3A_5 = arith.constant 0 : index
    %get3A_6 = vector.load %arg5[%get3A_4, %get3A_5] : memref<1x64xf32, #tpu.memory_space<vmem>>, vector<1x64xf32>
    %get3A_7 = arith.constant 0 : index
    %get3A_8 = arith.constant 0 : index
    %get3A_9 = vector.load %arg3[%get3A_7, %get3A_8] : memref<1x64xf32, #tpu.memory_space<vmem>>, vector<1x64xf32>
    %sub3A = vector.broadcast %get3A_9 : vector<1x64xf32> to vector<2048x64xf32>
    %sub3A_10 = arith.subf %reshape3A, %sub3A : vector<2048x64xf32>
    %mul3A = vector.broadcast %get3A_6 : vector<1x64xf32> to vector<2048x64xf32>
    %mul3A_11 = arith.mulf %mul3A, %sub3A_10 : vector<2048x64xf32>
    %get3A_12 = arith.constant 0 : index
    %get3A_13 = arith.constant 0 : index
    %get3A_14 = vector.load %arg4[%get3A_12, %get3A_13] : memref<1x64xf32, #tpu.memory_space<vmem>>, vector<1x64xf32>
    %add3A = arith.constant 9.99999974E-6 : f32
    %add3A_15 = vector.broadcast %add3A : f32 to vector<1x64xf32>
    %add3A_16 = arith.addf %get3A_14, %add3A_15 : vector<1x64xf32>
    %sqrt3A = math.sqrt %add3A_16 : vector<1x64xf32>
    %div3A = vector.broadcast %sqrt3A : vector<1x64xf32> to vector<2048x64xf32>
    %div3A_17 = arith.divf %mul3A_11, %div3A : vector<2048x64xf32>
    %get3A_18 = arith.constant 0 : index
    %get3A_19 = arith.constant 0 : index
    %get3A_20 = vector.load %arg6[%get3A_18, %get3A_19] : memref<1x64xf32, #tpu.memory_space<vmem>>, vector<1x64xf32>
    %add3A_21 = vector.broadcast %get3A_20 : vector<1x64xf32> to vector<2048x64xf32>
    %add3A_22 = arith.addf %div3A_17, %add3A_21 : vector<2048x64xf32>
    %max3A = arith.constant 0.000000e+00 : f32
    %max3A_23 = vector.broadcast %max3A : f32 to vector<2048x64xf32>
    %max3A_24 = arith.maximumf %add3A_22, %max3A_23 : vector<2048x64xf32>
    %get3A_25 = arith.constant 0 : index
    %get3A_26 = arith.constant 0 : index
    %get3A_27 = vector.load %arg7[%get3A_25, %get3A_26] : memref<64x128xf32, #tpu.memory_space<vmem>>, vector<64x128xf32>
    %dot_general3A = arith.constant dense<0.000000e+00> : vector<2048x128xf32>
    %dot_general3A_28 = tpu.matmul %max3A_24, %get3A_27, %dot_general3A {dimension_numbers = #tpu.dot_dimension_numbers<[1], [0], [0], [1], [0, 0, 1, 1], [], []>, transpose_lhs_hint = false} : vector<2048x64xf32>, vector<64x128xf32>, vector<2048x128xf32> -> vector<2048x128xf32>
    %get3A_29 = arith.constant 0 : index
    %get3A_30 = arith.constant 0 : index
    %get3A_31 = vector.load %arg8[%get3A_29, %get3A_30] : memref<1x128xf32, #tpu.memory_space<vmem>>, vector<1x128xf32>
    %add3A_32 = vector.broadcast %get3A_31 : vector<1x128xf32> to vector<2048x128xf32>
    %add3A_33 = arith.addf %dot_general3A_28, %add3A_32 : vector<2048x128xf32>
    %reshape3A_34 = vector.shape_cast %add3A_33 : vector<2048x128xf32> to vector<1x32x64x128xf32>
    %swap3A = arith.constant 0 : index
    %swap3A_35 = arith.constant 0 : index
    %swap3A_36 = arith.constant 0 : index
    %swap3A_37 = arith.constant 0 : index
    %swap3A_38 = vector.load %arg9[%swap3A, %swap3A_35, %swap3A_36, %swap3A_37] : memref<1x32x64x128xf32, #tpu.memory_space<vmem>>, vector<1x32x64x128xf32>
    tpu.vector_store %arg9[%swap3A, %swap3A_35, %swap3A_36, %swap3A_37], %reshape3A_34 {strides = array<i32>} : memref<1x32x64x128xf32, #tpu.memory_space<vmem>>, vector<1x32x64x128xf32>,
    return
  }
  func.func @transform_0(%arg0: i32, %arg1: i32) -> (i32, i32, i32, i32) {
    %c0_i32 = arith.constant 0 : i32
    %c0_i32_0 = arith.constant 0 : i32
    %c0_i32_1 = arith.constant 0 : i32
    return %arg0, %arg1, %c0_i32, %c0_i32_0 : i32, i32, i32, i32
  }
  func.func @transform_1(%arg0: i32, %arg1: i32) -> (i32, i32) {
    %c0_i32 = arith.constant 0 : i32
    %c0_i32_0 = arith.constant 0 : i32
    %c0_i32_1 = arith.constant 0 : i32
    return %c0_i32, %c0_i32_0 : i32, i32
  }
  func.func @transform_2(%arg0: i32, %arg1: i32) -> (i32, i32) {
    %c0_i32 = arith.constant 0 : i32
    %c0_i32_0 = arith.constant 0 : i32
    %c0_i32_1 = arith.constant 0 : i32
    return %c0_i32, %c0_i32_0 : i32, i32
  }
  func.func @transform_3(%arg0: i32, %arg1: i32) -> (i32, i32) {
    %c0_i32 = arith.constant 0 : i32
    %c0_i32_0 = arith.constant 0 : i32
    %c0_i32_1 = arith.constant 0 : i32
    return %c0_i32, %c0_i32_0 : i32, i32
  }
  func.func @transform_4(%arg0: i32, %arg1: i32) -> (i32, i32) {
    %c0_i32 = arith.constant 0 : i32
    %c0_i32_0 = arith.constant 0 : i32
    %c0_i32_1 = arith.constant 0 : i32
    return %c0_i32, %c0_i32_0 : i32, i32
  }
  func.func @transform_5(%arg0: i32, %arg1: i32) -> (i32, i32) {
    %c0_i32 = arith.constant 0 : i32
    %c0_i32_0 = arith.constant 0 : i32
    %c0_i32_1 = arith.constant 0 : i32
    return %c0_i32, %c0_i32_0 : i32, i32
  }
  func.func @transform_6(%arg0: i32, %arg1: i32) -> (i32, i32) {
    %c0_i32 = arith.constant 0 : i32
    %c0_i32_0 = arith.constant 0 : i32
    %c0_i32_1 = arith.constant 0 : i32
    return %c0_i32, %c0_i32_0 : i32, i32
  }
  func.func @transform_7(%arg0: i32, %arg1: i32) -> (i32, i32, i32, i32) {
    %c0_i32 = arith.constant 0 : i32
    %c0_i32_0 = arith.constant 0 : i32
    %c0_i32_1 = arith.constant 0 : i32
    return %arg0, %arg1, %c0_i32, %c0_i32_0 : i32, i32, i32, i32
  }
}

module attributes {stable_mosaic.version = 14 : i64} {
  func.func @_fin_body(%arg0: i32, %arg1: i32, %arg2: memref<1x64x32x128xf32, #tpu.memory_space<vmem>>, %arg3: memref<1x128xf32, #tpu.memory_space<vmem>>, %arg4: memref<1x128xf32, #tpu.memory_space<vmem>>, %arg5: memref<1x128xf32, #tpu.memory_space<vmem>>, %arg6: memref<1x128xf32, #tpu.memory_space<vmem>>, %arg7: memref<1x64x128xf32, #tpu.memory_space<vmem>>) attributes {dimension_semantics = [#tpu.dimension_semantics<arbitrary>, #tpu.dimension_semantics<arbitrary>], iteration_bounds = array<i64: 8, 2>, scalar_prefetch = 0 : i64, scratch_operands = 0 : i64, tpu.core_type = #tpu.core_type<tc>, window_params = [{transform_indices = @transform_0, window_bounds = array<i64: 1, 64, 32, 128>}, {pipeline_mode = #tpu.pipeline_mode<synchronous>, transform_indices = @transform_1, window_bounds = array<i64: 1, 128>}, {pipeline_mode = #tpu.pipeline_mode<synchronous>, transform_indices = @transform_2, window_bounds = array<i64: 1, 128>}, {pipeline_mode = #tpu.pipeline_mode<synchronous>, transform_indices = @transform_3, window_bounds = array<i64: 1, 128>}, {pipeline_mode = #tpu.pipeline_mode<synchronous>, transform_indices = @transform_4, window_bounds = array<i64: 1, 128>}, {transform_indices = @transform_5, window_bounds = array<i64: 1, 64, 128>}]} {
    %get3A = arith.constant 0 : index
    %get3A_0 = arith.constant 0 : index
    %get3A_1 = arith.constant 0 : index
    %get3A_2 = arith.constant 0 : index
    %get3A_3 = vector.load %arg2[%get3A, %get3A_0, %get3A_1, %get3A_2] : memref<1x64x32x128xf32, #tpu.memory_space<vmem>>, vector<1x64x32x128xf32>
    %reshape3A = vector.shape_cast %get3A_3 : vector<1x64x32x128xf32> to vector<2048x128xf32>
    %get3A_4 = arith.constant 0 : index
    %get3A_5 = arith.constant 0 : index
    %get3A_6 = vector.load %arg5[%get3A_4, %get3A_5] : memref<1x128xf32, #tpu.memory_space<vmem>>, vector<1x128xf32>
    %get3A_7 = arith.constant 0 : index
    %get3A_8 = arith.constant 0 : index
    %get3A_9 = vector.load %arg3[%get3A_7, %get3A_8] : memref<1x128xf32, #tpu.memory_space<vmem>>, vector<1x128xf32>
    %sub3A = vector.broadcast %get3A_9 : vector<1x128xf32> to vector<2048x128xf32>
    %sub3A_10 = arith.subf %reshape3A, %sub3A : vector<2048x128xf32>
    %mul3A = vector.broadcast %get3A_6 : vector<1x128xf32> to vector<2048x128xf32>
    %mul3A_11 = arith.mulf %mul3A, %sub3A_10 : vector<2048x128xf32>
    %get3A_12 = arith.constant 0 : index
    %get3A_13 = arith.constant 0 : index
    %get3A_14 = vector.load %arg4[%get3A_12, %get3A_13] : memref<1x128xf32, #tpu.memory_space<vmem>>, vector<1x128xf32>
    %add3A = arith.constant 9.99999974E-6 : f32
    %add3A_15 = vector.broadcast %add3A : f32 to vector<1x128xf32>
    %add3A_16 = arith.addf %get3A_14, %add3A_15 : vector<1x128xf32>
    %sqrt3A = math.sqrt %add3A_16 : vector<1x128xf32>
    %div3A = vector.broadcast %sqrt3A : vector<1x128xf32> to vector<2048x128xf32>
    %div3A_17 = arith.divf %mul3A_11, %div3A : vector<2048x128xf32>
    %get3A_18 = arith.constant 0 : index
    %get3A_19 = arith.constant 0 : index
    %get3A_20 = vector.load %arg6[%get3A_18, %get3A_19] : memref<1x128xf32, #tpu.memory_space<vmem>>, vector<1x128xf32>
    %add3A_21 = vector.broadcast %get3A_20 : vector<1x128xf32> to vector<2048x128xf32>
    %add3A_22 = arith.addf %div3A_17, %add3A_21 : vector<2048x128xf32>
    %max3A = arith.constant 0.000000e+00 : f32
    %max3A_23 = vector.broadcast %max3A : f32 to vector<2048x128xf32>
    %max3A_24 = arith.maximumf %add3A_22, %max3A_23 : vector<2048x128xf32>
    %reshape3A_25 = vector.shape_cast %max3A_24 : vector<2048x128xf32> to vector<64x32x128xf32>
    %reduce_max3A = arith.constant dense<0xFF800000> : vector<64x128xf32>
    %reduce_max3A_26 = vector.multi_reduction <maximumf>, %reshape3A_25, %reduce_max3A [1] : vector<64x32x128xf32> to vector<64x128xf32>
    %reshape3A_27 = vector.shape_cast %reduce_max3A_26 : vector<64x128xf32> to vector<1x64x128xf32>
    %swap3A = arith.constant 0 : index
    %swap3A_28 = arith.constant 0 : index
    %swap3A_29 = arith.constant 0 : index
    %swap3A_30 = vector.load %arg7[%swap3A, %swap3A_28, %swap3A_29] : memref<1x64x128xf32, #tpu.memory_space<vmem>>, vector<1x64x128xf32>
    tpu.vector_store %arg7[%swap3A, %swap3A_28, %swap3A_29], %reshape3A_27 {strides = array<i32>} : memref<1x64x128xf32, #tpu.memory_space<vmem>>, vector<1x64x128xf32>,
    return
  }
  func.func @transform_0(%arg0: i32, %arg1: i32) -> (i32, i32, i32, i32) {
    %c0_i32 = arith.constant 0 : i32
    %c0_i32_0 = arith.constant 0 : i32
    %c0_i32_1 = arith.constant 0 : i32
    return %arg0, %arg1, %c0_i32, %c0_i32_0 : i32, i32, i32, i32
  }
  func.func @transform_1(%arg0: i32, %arg1: i32) -> (i32, i32) {
    %c0_i32 = arith.constant 0 : i32
    %c0_i32_0 = arith.constant 0 : i32
    %c0_i32_1 = arith.constant 0 : i32
    return %c0_i32, %c0_i32_0 : i32, i32
  }
  func.func @transform_2(%arg0: i32, %arg1: i32) -> (i32, i32) {
    %c0_i32 = arith.constant 0 : i32
    %c0_i32_0 = arith.constant 0 : i32
    %c0_i32_1 = arith.constant 0 : i32
    return %c0_i32, %c0_i32_0 : i32, i32
  }
  func.func @transform_3(%arg0: i32, %arg1: i32) -> (i32, i32) {
    %c0_i32 = arith.constant 0 : i32
    %c0_i32_0 = arith.constant 0 : i32
    %c0_i32_1 = arith.constant 0 : i32
    return %c0_i32, %c0_i32_0 : i32, i32
  }
  func.func @transform_4(%arg0: i32, %arg1: i32) -> (i32, i32) {
    %c0_i32 = arith.constant 0 : i32
    %c0_i32_0 = arith.constant 0 : i32
    %c0_i32_1 = arith.constant 0 : i32
    return %c0_i32, %c0_i32_0 : i32, i32
  }
  func.func @transform_5(%arg0: i32, %arg1: i32) -> (i32, i32, i32) {
    %c0_i32 = arith.constant 0 : i32
    %c0_i32_0 = arith.constant 0 : i32
    return %arg0, %arg1, %c0_i32 : i32, i32, i32
  }
}

module attributes {stable_mosaic.version = 14 : i64} {
  func.func @_fin_body(%arg0: i32, %arg1: i32, %arg2: memref<1x32x64x128xf32, #tpu.memory_space<vmem>>, %arg3: memref<1x128xf32, #tpu.memory_space<vmem>>, %arg4: memref<1x128xf32, #tpu.memory_space<vmem>>, %arg5: memref<1x128xf32, #tpu.memory_space<vmem>>, %arg6: memref<1x128xf32, #tpu.memory_space<vmem>>, %arg7: memref<1x32x128xf32, #tpu.memory_space<vmem>>) attributes {dimension_semantics = [#tpu.dimension_semantics<arbitrary>, #tpu.dimension_semantics<arbitrary>], iteration_bounds = array<i64: 8, 4>, scalar_prefetch = 0 : i64, scratch_operands = 0 : i64, tpu.core_type = #tpu.core_type<tc>, window_params = [{transform_indices = @transform_0, window_bounds = array<i64: 1, 32, 64, 128>}, {pipeline_mode = #tpu.pipeline_mode<synchronous>, transform_indices = @transform_1, window_bounds = array<i64: 1, 128>}, {pipeline_mode = #tpu.pipeline_mode<synchronous>, transform_indices = @transform_2, window_bounds = array<i64: 1, 128>}, {pipeline_mode = #tpu.pipeline_mode<synchronous>, transform_indices = @transform_3, window_bounds = array<i64: 1, 128>}, {pipeline_mode = #tpu.pipeline_mode<synchronous>, transform_indices = @transform_4, window_bounds = array<i64: 1, 128>}, {transform_indices = @transform_5, window_bounds = array<i64: 1, 32, 128>}]} {
    %get3A = arith.constant 0 : index
    %get3A_0 = arith.constant 0 : index
    %get3A_1 = arith.constant 0 : index
    %get3A_2 = arith.constant 0 : index
    %get3A_3 = vector.load %arg2[%get3A, %get3A_0, %get3A_1, %get3A_2] : memref<1x32x64x128xf32, #tpu.memory_space<vmem>>, vector<1x32x64x128xf32>
    %reshape3A = vector.shape_cast %get3A_3 : vector<1x32x64x128xf32> to vector<2048x128xf32>
    %get3A_4 = arith.constant 0 : index
    %get3A_5 = arith.constant 0 : index
    %get3A_6 = vector.load %arg5[%get3A_4, %get3A_5] : memref<1x128xf32, #tpu.memory_space<vmem>>, vector<1x128xf32>
    %get3A_7 = arith.constant 0 : index
    %get3A_8 = arith.constant 0 : index
    %get3A_9 = vector.load %arg3[%get3A_7, %get3A_8] : memref<1x128xf32, #tpu.memory_space<vmem>>, vector<1x128xf32>
    %sub3A = vector.broadcast %get3A_9 : vector<1x128xf32> to vector<2048x128xf32>
    %sub3A_10 = arith.subf %reshape3A, %sub3A : vector<2048x128xf32>
    %mul3A = vector.broadcast %get3A_6 : vector<1x128xf32> to vector<2048x128xf32>
    %mul3A_11 = arith.mulf %mul3A, %sub3A_10 : vector<2048x128xf32>
    %get3A_12 = arith.constant 0 : index
    %get3A_13 = arith.constant 0 : index
    %get3A_14 = vector.load %arg4[%get3A_12, %get3A_13] : memref<1x128xf32, #tpu.memory_space<vmem>>, vector<1x128xf32>
    %add3A = arith.constant 9.99999974E-6 : f32
    %add3A_15 = vector.broadcast %add3A : f32 to vector<1x128xf32>
    %add3A_16 = arith.addf %get3A_14, %add3A_15 : vector<1x128xf32>
    %sqrt3A = math.sqrt %add3A_16 : vector<1x128xf32>
    %div3A = vector.broadcast %sqrt3A : vector<1x128xf32> to vector<2048x128xf32>
    %div3A_17 = arith.divf %mul3A_11, %div3A : vector<2048x128xf32>
    %get3A_18 = arith.constant 0 : index
    %get3A_19 = arith.constant 0 : index
    %get3A_20 = vector.load %arg6[%get3A_18, %get3A_19] : memref<1x128xf32, #tpu.memory_space<vmem>>, vector<1x128xf32>
    %add3A_21 = vector.broadcast %get3A_20 : vector<1x128xf32> to vector<2048x128xf32>
    %add3A_22 = arith.addf %div3A_17, %add3A_21 : vector<2048x128xf32>
    %max3A = arith.constant 0.000000e+00 : f32
    %max3A_23 = vector.broadcast %max3A : f32 to vector<2048x128xf32>
    %max3A_24 = arith.maximumf %add3A_22, %max3A_23 : vector<2048x128xf32>
    %reshape3A_25 = vector.shape_cast %max3A_24 : vector<2048x128xf32> to vector<32x64x128xf32>
    %reduce_max3A = arith.constant dense<0xFF800000> : vector<32x128xf32>
    %reduce_max3A_26 = vector.multi_reduction <maximumf>, %reshape3A_25, %reduce_max3A [1] : vector<32x64x128xf32> to vector<32x128xf32>
    %reshape3A_27 = vector.shape_cast %reduce_max3A_26 : vector<32x128xf32> to vector<1x32x128xf32>
    %swap3A = arith.constant 0 : index
    %swap3A_28 = arith.constant 0 : index
    %swap3A_29 = arith.constant 0 : index
    %swap3A_30 = vector.load %arg7[%swap3A, %swap3A_28, %swap3A_29] : memref<1x32x128xf32, #tpu.memory_space<vmem>>, vector<1x32x128xf32>
    tpu.vector_store %arg7[%swap3A, %swap3A_28, %swap3A_29], %reshape3A_27 {strides = array<i32>} : memref<1x32x128xf32, #tpu.memory_space<vmem>>, vector<1x32x128xf32>,
    return
  }
  func.func @transform_0(%arg0: i32, %arg1: i32) -> (i32, i32, i32, i32) {
    %c0_i32 = arith.constant 0 : i32
    %c0_i32_0 = arith.constant 0 : i32
    %c0_i32_1 = arith.constant 0 : i32
    return %arg0, %arg1, %c0_i32, %c0_i32_0 : i32, i32, i32, i32
  }
  func.func @transform_1(%arg0: i32, %arg1: i32) -> (i32, i32) {
    %c0_i32 = arith.constant 0 : i32
    %c0_i32_0 = arith.constant 0 : i32
    %c0_i32_1 = arith.constant 0 : i32
    return %c0_i32, %c0_i32_0 : i32, i32
  }
  func.func @transform_2(%arg0: i32, %arg1: i32) -> (i32, i32) {
    %c0_i32 = arith.constant 0 : i32
    %c0_i32_0 = arith.constant 0 : i32
    %c0_i32_1 = arith.constant 0 : i32
    return %c0_i32, %c0_i32_0 : i32, i32
  }
  func.func @transform_3(%arg0: i32, %arg1: i32) -> (i32, i32) {
    %c0_i32 = arith.constant 0 : i32
    %c0_i32_0 = arith.constant 0 : i32
    %c0_i32_1 = arith.constant 0 : i32
    return %c0_i32, %c0_i32_0 : i32, i32
  }
  func.func @transform_4(%arg0: i32, %arg1: i32) -> (i32, i32) {
    %c0_i32 = arith.constant 0 : i32
    %c0_i32_0 = arith.constant 0 : i32
    %c0_i32_1 = arith.constant 0 : i32
    return %c0_i32, %c0_i32_0 : i32, i32
  }
  func.func @transform_5(%arg0: i32, %arg1: i32) -> (i32, i32, i32) {
    %c0_i32 = arith.constant 0 : i32
    %c0_i32_0 = arith.constant 0 : i32
    return %arg0, %arg1, %c0_i32 : i32, i32, i32
  }
}

module attributes {stable_mosaic.version = 14 : i64} {
  func.func @_lin0_body(%arg0: i32, %arg1: i32, %arg2: memref<1x1x128x259xf32, #tpu.memory_space<vmem>>, %arg3: memref<259x128xf32, #tpu.memory_space<vmem>>, %arg4: memref<1x128xf32, #tpu.memory_space<vmem>>, %arg5: memref<1x1x128x128xf32, #tpu.memory_space<vmem>>) attributes {dimension_semantics = [#tpu.dimension_semantics<arbitrary>, #tpu.dimension_semantics<arbitrary>], iteration_bounds = array<i64: 8, 1>, scalar_prefetch = 0 : i64, scratch_operands = 0 : i64, tpu.core_type = #tpu.core_type<tc>, window_params = [{transform_indices = @transform_0, window_bounds = array<i64: 1, 1, 128, 259>}, {pipeline_mode = #tpu.pipeline_mode<synchronous>, transform_indices = @transform_1, window_bounds = array<i64: 259, 128>}, {pipeline_mode = #tpu.pipeline_mode<synchronous>, transform_indices = @transform_2, window_bounds = array<i64: 1, 128>}, {transform_indices = @transform_3, window_bounds = array<i64: 1, 1, 128, 128>}]} {
    %get3A = arith.constant 0 : index
    %get3A_0 = arith.constant 0 : index
    %get3A_1 = arith.constant 0 : index
    %get3A_2 = arith.constant 0 : index
    %get3A_3 = vector.load %arg2[%get3A, %get3A_0, %get3A_1, %get3A_2] : memref<1x1x128x259xf32, #tpu.memory_space<vmem>>, vector<1x1x128x259xf32>
    %reshape3A = vector.shape_cast %get3A_3 : vector<1x1x128x259xf32> to vector<128x259xf32>
    %get3A_4 = arith.constant 0 : index
    %get3A_5 = arith.constant 0 : index
    %get3A_6 = vector.load %arg3[%get3A_4, %get3A_5] : memref<259x128xf32, #tpu.memory_space<vmem>>, vector<259x128xf32>
    %dot_general3A = arith.constant dense<0.000000e+00> : vector<128x128xf32>
    %dot_general3A_7 = tpu.matmul %reshape3A, %get3A_6, %dot_general3A {dimension_numbers = #tpu.dot_dimension_numbers<[1], [0], [0], [1], [0, 0, 1, 1], [], []>, transpose_lhs_hint = false} : vector<128x259xf32>, vector<259x128xf32>, vector<128x128xf32> -> vector<128x128xf32>
    %get3A_8 = arith.constant 0 : index
    %get3A_9 = arith.constant 0 : index
    %get3A_10 = vector.load %arg4[%get3A_8, %get3A_9] : memref<1x128xf32, #tpu.memory_space<vmem>>, vector<1x128xf32>
    %add3A = vector.broadcast %get3A_10 : vector<1x128xf32> to vector<128x128xf32>
    %add3A_11 = arith.addf %dot_general3A_7, %add3A : vector<128x128xf32>
    %reshape3A_12 = vector.shape_cast %add3A_11 : vector<128x128xf32> to vector<1x1x128x128xf32>
    %swap3A = arith.constant 0 : index
    %swap3A_13 = arith.constant 0 : index
    %swap3A_14 = arith.constant 0 : index
    %swap3A_15 = arith.constant 0 : index
    %swap3A_16 = vector.load %arg5[%swap3A, %swap3A_13, %swap3A_14, %swap3A_15] : memref<1x1x128x128xf32, #tpu.memory_space<vmem>>, vector<1x1x128x128xf32>
    tpu.vector_store %arg5[%swap3A, %swap3A_13, %swap3A_14, %swap3A_15], %reshape3A_12 {strides = array<i32>} : memref<1x1x128x128xf32, #tpu.memory_space<vmem>>, vector<1x1x128x128xf32>,
    return
  }
  func.func @transform_0(%arg0: i32, %arg1: i32) -> (i32, i32, i32, i32) {
    %c0_i32 = arith.constant 0 : i32
    %c0_i32_0 = arith.constant 0 : i32
    %c0_i32_1 = arith.constant 0 : i32
    return %arg0, %arg1, %c0_i32, %c0_i32_0 : i32, i32, i32, i32
  }
  func.func @transform_1(%arg0: i32, %arg1: i32) -> (i32, i32) {
    %c0_i32 = arith.constant 0 : i32
    %c0_i32_0 = arith.constant 0 : i32
    %c0_i32_1 = arith.constant 0 : i32
    return %c0_i32, %c0_i32_0 : i32, i32
  }
  func.func @transform_2(%arg0: i32, %arg1: i32) -> (i32, i32) {
    %c0_i32 = arith.constant 0 : i32
    %c0_i32_0 = arith.constant 0 : i32
    %c0_i32_1 = arith.constant 0 : i32
    return %c0_i32, %c0_i32_0 : i32, i32
  }
  func.func @transform_3(%arg0: i32, %arg1: i32) -> (i32, i32, i32, i32) {
    %c0_i32 = arith.constant 0 : i32
    %c0_i32_0 = arith.constant 0 : i32
    %c0_i32_1 = arith.constant 0 : i32
    return %arg0, %arg1, %c0_i32, %c0_i32_0 : i32, i32, i32, i32
  }
}

module attributes {stable_mosaic.version = 14 : i64} {
  func.func @_mid_body(%arg0: i32, %arg1: i32, %arg2: memref<1x1x128x128xf32, #tpu.memory_space<vmem>>, %arg3: memref<1x128xf32, #tpu.memory_space<vmem>>, %arg4: memref<1x128xf32, #tpu.memory_space<vmem>>, %arg5: memref<1x128xf32, #tpu.memory_space<vmem>>, %arg6: memref<1x128xf32, #tpu.memory_space<vmem>>, %arg7: memref<128x256xf32, #tpu.memory_space<vmem>>, %arg8: memref<1x256xf32, #tpu.memory_space<vmem>>, %arg9: memref<1x1x128x256xf32, #tpu.memory_space<vmem>>) attributes {dimension_semantics = [#tpu.dimension_semantics<arbitrary>, #tpu.dimension_semantics<arbitrary>], iteration_bounds = array<i64: 8, 1>, scalar_prefetch = 0 : i64, scratch_operands = 0 : i64, tpu.core_type = #tpu.core_type<tc>, window_params = [{transform_indices = @transform_0, window_bounds = array<i64: 1, 1, 128, 128>}, {pipeline_mode = #tpu.pipeline_mode<synchronous>, transform_indices = @transform_1, window_bounds = array<i64: 1, 128>}, {pipeline_mode = #tpu.pipeline_mode<synchronous>, transform_indices = @transform_2, window_bounds = array<i64: 1, 128>}, {pipeline_mode = #tpu.pipeline_mode<synchronous>, transform_indices = @transform_3, window_bounds = array<i64: 1, 128>}, {pipeline_mode = #tpu.pipeline_mode<synchronous>, transform_indices = @transform_4, window_bounds = array<i64: 1, 128>}, {pipeline_mode = #tpu.pipeline_mode<synchronous>, transform_indices = @transform_5, window_bounds = array<i64: 128, 256>}, {pipeline_mode = #tpu.pipeline_mode<synchronous>, transform_indices = @transform_6, window_bounds = array<i64: 1, 256>}, {transform_indices = @transform_7, window_bounds = array<i64: 1, 1, 128, 256>}]} {
    %get3A = arith.constant 0 : index
    %get3A_0 = arith.constant 0 : index
    %get3A_1 = arith.constant 0 : index
    %get3A_2 = arith.constant 0 : index
    %get3A_3 = vector.load %arg2[%get3A, %get3A_0, %get3A_1, %get3A_2] : memref<1x1x128x128xf32, #tpu.memory_space<vmem>>, vector<1x1x128x128xf32>
    %reshape3A = vector.shape_cast %get3A_3 : vector<1x1x128x128xf32> to vector<128x128xf32>
    %get3A_4 = arith.constant 0 : index
    %get3A_5 = arith.constant 0 : index
    %get3A_6 = vector.load %arg5[%get3A_4, %get3A_5] : memref<1x128xf32, #tpu.memory_space<vmem>>, vector<1x128xf32>
    %get3A_7 = arith.constant 0 : index
    %get3A_8 = arith.constant 0 : index
    %get3A_9 = vector.load %arg3[%get3A_7, %get3A_8] : memref<1x128xf32, #tpu.memory_space<vmem>>, vector<1x128xf32>
    %sub3A = vector.broadcast %get3A_9 : vector<1x128xf32> to vector<128x128xf32>
    %sub3A_10 = arith.subf %reshape3A, %sub3A : vector<128x128xf32>
    %mul3A = vector.broadcast %get3A_6 : vector<1x128xf32> to vector<128x128xf32>
    %mul3A_11 = arith.mulf %mul3A, %sub3A_10 : vector<128x128xf32>
    %get3A_12 = arith.constant 0 : index
    %get3A_13 = arith.constant 0 : index
    %get3A_14 = vector.load %arg4[%get3A_12, %get3A_13] : memref<1x128xf32, #tpu.memory_space<vmem>>, vector<1x128xf32>
    %add3A = arith.constant 9.99999974E-6 : f32
    %add3A_15 = vector.broadcast %add3A : f32 to vector<1x128xf32>
    %add3A_16 = arith.addf %get3A_14, %add3A_15 : vector<1x128xf32>
    %sqrt3A = math.sqrt %add3A_16 : vector<1x128xf32>
    %div3A = vector.broadcast %sqrt3A : vector<1x128xf32> to vector<128x128xf32>
    %div3A_17 = arith.divf %mul3A_11, %div3A : vector<128x128xf32>
    %get3A_18 = arith.constant 0 : index
    %get3A_19 = arith.constant 0 : index
    %get3A_20 = vector.load %arg6[%get3A_18, %get3A_19] : memref<1x128xf32, #tpu.memory_space<vmem>>, vector<1x128xf32>
    %add3A_21 = vector.broadcast %get3A_20 : vector<1x128xf32> to vector<128x128xf32>
    %add3A_22 = arith.addf %div3A_17, %add3A_21 : vector<128x128xf32>
    %max3A = arith.constant 0.000000e+00 : f32
    %max3A_23 = vector.broadcast %max3A : f32 to vector<128x128xf32>
    %max3A_24 = arith.maximumf %add3A_22, %max3A_23 : vector<128x128xf32>
    %get3A_25 = arith.constant 0 : index
    %get3A_26 = arith.constant 0 : index
    %get3A_27 = vector.load %arg7[%get3A_25, %get3A_26] : memref<128x256xf32, #tpu.memory_space<vmem>>, vector<128x256xf32>
    %dot_general3A = arith.constant dense<0.000000e+00> : vector<128x256xf32>
    %dot_general3A_28 = tpu.matmul %max3A_24, %get3A_27, %dot_general3A {dimension_numbers = #tpu.dot_dimension_numbers<[1], [0], [0], [1], [0, 0, 1, 1], [], []>, transpose_lhs_hint = false} : vector<128x128xf32>, vector<128x256xf32>, vector<128x256xf32> -> vector<128x256xf32>
    %get3A_29 = arith.constant 0 : index
    %get3A_30 = arith.constant 0 : index
    %get3A_31 = vector.load %arg8[%get3A_29, %get3A_30] : memref<1x256xf32, #tpu.memory_space<vmem>>, vector<1x256xf32>
    %add3A_32 = vector.broadcast %get3A_31 : vector<1x256xf32> to vector<128x256xf32>
    %add3A_33 = arith.addf %dot_general3A_28, %add3A_32 : vector<128x256xf32>
    %reshape3A_34 = vector.shape_cast %add3A_33 : vector<128x256xf32> to vector<1x1x128x256xf32>
    %swap3A = arith.constant 0 : index
    %swap3A_35 = arith.constant 0 : index
    %swap3A_36 = arith.constant 0 : index
    %swap3A_37 = arith.constant 0 : index
    %swap3A_38 = vector.load %arg9[%swap3A, %swap3A_35, %swap3A_36, %swap3A_37] : memref<1x1x128x256xf32, #tpu.memory_space<vmem>>, vector<1x1x128x256xf32>
    tpu.vector_store %arg9[%swap3A, %swap3A_35, %swap3A_36, %swap3A_37], %reshape3A_34 {strides = array<i32>} : memref<1x1x128x256xf32, #tpu.memory_space<vmem>>, vector<1x1x128x256xf32>,
    return
  }
  func.func @transform_0(%arg0: i32, %arg1: i32) -> (i32, i32, i32, i32) {
    %c0_i32 = arith.constant 0 : i32
    %c0_i32_0 = arith.constant 0 : i32
    %c0_i32_1 = arith.constant 0 : i32
    return %arg0, %arg1, %c0_i32, %c0_i32_0 : i32, i32, i32, i32
  }
  func.func @transform_1(%arg0: i32, %arg1: i32) -> (i32, i32) {
    %c0_i32 = arith.constant 0 : i32
    %c0_i32_0 = arith.constant 0 : i32
    %c0_i32_1 = arith.constant 0 : i32
    return %c0_i32, %c0_i32_0 : i32, i32
  }
  func.func @transform_2(%arg0: i32, %arg1: i32) -> (i32, i32) {
    %c0_i32 = arith.constant 0 : i32
    %c0_i32_0 = arith.constant 0 : i32
    %c0_i32_1 = arith.constant 0 : i32
    return %c0_i32, %c0_i32_0 : i32, i32
  }
  func.func @transform_3(%arg0: i32, %arg1: i32) -> (i32, i32) {
    %c0_i32 = arith.constant 0 : i32
    %c0_i32_0 = arith.constant 0 : i32
    %c0_i32_1 = arith.constant 0 : i32
    return %c0_i32, %c0_i32_0 : i32, i32
  }
  func.func @transform_4(%arg0: i32, %arg1: i32) -> (i32, i32) {
    %c0_i32 = arith.constant 0 : i32
    %c0_i32_0 = arith.constant 0 : i32
    %c0_i32_1 = arith.constant 0 : i32
    return %c0_i32, %c0_i32_0 : i32, i32
  }
  func.func @transform_5(%arg0: i32, %arg1: i32) -> (i32, i32) {
    %c0_i32 = arith.constant 0 : i32
    %c0_i32_0 = arith.constant 0 : i32
    %c0_i32_1 = arith.constant 0 : i32
    return %c0_i32, %c0_i32_0 : i32, i32
  }
  func.func @transform_6(%arg0: i32, %arg1: i32) -> (i32, i32) {
    %c0_i32 = arith.constant 0 : i32
    %c0_i32_0 = arith.constant 0 : i32
    %c0_i32_1 = arith.constant 0 : i32
    return %c0_i32, %c0_i32_0 : i32, i32
  }
  func.func @transform_7(%arg0: i32, %arg1: i32) -> (i32, i32, i32, i32) {
    %c0_i32 = arith.constant 0 : i32
    %c0_i32_0 = arith.constant 0 : i32
    %c0_i32_1 = arith.constant 0 : i32
    return %arg0, %arg1, %c0_i32, %c0_i32_0 : i32, i32, i32, i32
  }
}

module attributes {stable_mosaic.version = 14 : i64} {
  func.func @_mid_body(%arg0: i32, %arg1: i32, %arg2: memref<1x1x128x256xf32, #tpu.memory_space<vmem>>, %arg3: memref<1x256xf32, #tpu.memory_space<vmem>>, %arg4: memref<1x256xf32, #tpu.memory_space<vmem>>, %arg5: memref<1x256xf32, #tpu.memory_space<vmem>>, %arg6: memref<1x256xf32, #tpu.memory_space<vmem>>, %arg7: memref<256x512xf32, #tpu.memory_space<vmem>>, %arg8: memref<1x512xf32, #tpu.memory_space<vmem>>, %arg9: memref<1x1x128x512xf32, #tpu.memory_space<vmem>>) attributes {dimension_semantics = [#tpu.dimension_semantics<arbitrary>, #tpu.dimension_semantics<arbitrary>], iteration_bounds = array<i64: 8, 1>, scalar_prefetch = 0 : i64, scratch_operands = 0 : i64, tpu.core_type = #tpu.core_type<tc>, window_params = [{transform_indices = @transform_0, window_bounds = array<i64: 1, 1, 128, 256>}, {pipeline_mode = #tpu.pipeline_mode<synchronous>, transform_indices = @transform_1, window_bounds = array<i64: 1, 256>}, {pipeline_mode = #tpu.pipeline_mode<synchronous>, transform_indices = @transform_2, window_bounds = array<i64: 1, 256>}, {pipeline_mode = #tpu.pipeline_mode<synchronous>, transform_indices = @transform_3, window_bounds = array<i64: 1, 256>}, {pipeline_mode = #tpu.pipeline_mode<synchronous>, transform_indices = @transform_4, window_bounds = array<i64: 1, 256>}, {pipeline_mode = #tpu.pipeline_mode<synchronous>, transform_indices = @transform_5, window_bounds = array<i64: 256, 512>}, {pipeline_mode = #tpu.pipeline_mode<synchronous>, transform_indices = @transform_6, window_bounds = array<i64: 1, 512>}, {transform_indices = @transform_7, window_bounds = array<i64: 1, 1, 128, 512>}]} {
    %get3A = arith.constant 0 : index
    %get3A_0 = arith.constant 0 : index
    %get3A_1 = arith.constant 0 : index
    %get3A_2 = arith.constant 0 : index
    %get3A_3 = vector.load %arg2[%get3A, %get3A_0, %get3A_1, %get3A_2] : memref<1x1x128x256xf32, #tpu.memory_space<vmem>>, vector<1x1x128x256xf32>
    %reshape3A = vector.shape_cast %get3A_3 : vector<1x1x128x256xf32> to vector<128x256xf32>
    %get3A_4 = arith.constant 0 : index
    %get3A_5 = arith.constant 0 : index
    %get3A_6 = vector.load %arg5[%get3A_4, %get3A_5] : memref<1x256xf32, #tpu.memory_space<vmem>>, vector<1x256xf32>
    %get3A_7 = arith.constant 0 : index
    %get3A_8 = arith.constant 0 : index
    %get3A_9 = vector.load %arg3[%get3A_7, %get3A_8] : memref<1x256xf32, #tpu.memory_space<vmem>>, vector<1x256xf32>
    %sub3A = vector.broadcast %get3A_9 : vector<1x256xf32> to vector<128x256xf32>
    %sub3A_10 = arith.subf %reshape3A, %sub3A : vector<128x256xf32>
    %mul3A = vector.broadcast %get3A_6 : vector<1x256xf32> to vector<128x256xf32>
    %mul3A_11 = arith.mulf %mul3A, %sub3A_10 : vector<128x256xf32>
    %get3A_12 = arith.constant 0 : index
    %get3A_13 = arith.constant 0 : index
    %get3A_14 = vector.load %arg4[%get3A_12, %get3A_13] : memref<1x256xf32, #tpu.memory_space<vmem>>, vector<1x256xf32>
    %add3A = arith.constant 9.99999974E-6 : f32
    %add3A_15 = vector.broadcast %add3A : f32 to vector<1x256xf32>
    %add3A_16 = arith.addf %get3A_14, %add3A_15 : vector<1x256xf32>
    %sqrt3A = math.sqrt %add3A_16 : vector<1x256xf32>
    %div3A = vector.broadcast %sqrt3A : vector<1x256xf32> to vector<128x256xf32>
    %div3A_17 = arith.divf %mul3A_11, %div3A : vector<128x256xf32>
    %get3A_18 = arith.constant 0 : index
    %get3A_19 = arith.constant 0 : index
    %get3A_20 = vector.load %arg6[%get3A_18, %get3A_19] : memref<1x256xf32, #tpu.memory_space<vmem>>, vector<1x256xf32>
    %add3A_21 = vector.broadcast %get3A_20 : vector<1x256xf32> to vector<128x256xf32>
    %add3A_22 = arith.addf %div3A_17, %add3A_21 : vector<128x256xf32>
    %max3A = arith.constant 0.000000e+00 : f32
    %max3A_23 = vector.broadcast %max3A : f32 to vector<128x256xf32>
    %max3A_24 = arith.maximumf %add3A_22, %max3A_23 : vector<128x256xf32>
    %get3A_25 = arith.constant 0 : index
    %get3A_26 = arith.constant 0 : index
    %get3A_27 = vector.load %arg7[%get3A_25, %get3A_26] : memref<256x512xf32, #tpu.memory_space<vmem>>, vector<256x512xf32>
    %dot_general3A = arith.constant dense<0.000000e+00> : vector<128x512xf32>
    %dot_general3A_28 = tpu.matmul %max3A_24, %get3A_27, %dot_general3A {dimension_numbers = #tpu.dot_dimension_numbers<[1], [0], [0], [1], [0, 0, 1, 1], [], []>, transpose_lhs_hint = false} : vector<128x256xf32>, vector<256x512xf32>, vector<128x512xf32> -> vector<128x512xf32>
    %get3A_29 = arith.constant 0 : index
    %get3A_30 = arith.constant 0 : index
    %get3A_31 = vector.load %arg8[%get3A_29, %get3A_30] : memref<1x512xf32, #tpu.memory_space<vmem>>, vector<1x512xf32>
    %add3A_32 = vector.broadcast %get3A_31 : vector<1x512xf32> to vector<128x512xf32>
    %add3A_33 = arith.addf %dot_general3A_28, %add3A_32 : vector<128x512xf32>
    %reshape3A_34 = vector.shape_cast %add3A_33 : vector<128x512xf32> to vector<1x1x128x512xf32>
    %swap3A = arith.constant 0 : index
    %swap3A_35 = arith.constant 0 : index
    %swap3A_36 = arith.constant 0 : index
    %swap3A_37 = arith.constant 0 : index
    %swap3A_38 = vector.load %arg9[%swap3A, %swap3A_35, %swap3A_36, %swap3A_37] : memref<1x1x128x512xf32, #tpu.memory_space<vmem>>, vector<1x1x128x512xf32>
    tpu.vector_store %arg9[%swap3A, %swap3A_35, %swap3A_36, %swap3A_37], %reshape3A_34 {strides = array<i32>} : memref<1x1x128x512xf32, #tpu.memory_space<vmem>>, vector<1x1x128x512xf32>,
    return
  }
  func.func @transform_0(%arg0: i32, %arg1: i32) -> (i32, i32, i32, i32) {
    %c0_i32 = arith.constant 0 : i32
    %c0_i32_0 = arith.constant 0 : i32
    %c0_i32_1 = arith.constant 0 : i32
    return %arg0, %arg1, %c0_i32, %c0_i32_0 : i32, i32, i32, i32
  }
  func.func @transform_1(%arg0: i32, %arg1: i32) -> (i32, i32) {
    %c0_i32 = arith.constant 0 : i32
    %c0_i32_0 = arith.constant 0 : i32
    %c0_i32_1 = arith.constant 0 : i32
    return %c0_i32, %c0_i32_0 : i32, i32
  }
  func.func @transform_2(%arg0: i32, %arg1: i32) -> (i32, i32) {
    %c0_i32 = arith.constant 0 : i32
    %c0_i32_0 = arith.constant 0 : i32
    %c0_i32_1 = arith.constant 0 : i32
    return %c0_i32, %c0_i32_0 : i32, i32
  }
  func.func @transform_3(%arg0: i32, %arg1: i32) -> (i32, i32) {
    %c0_i32 = arith.constant 0 : i32
    %c0_i32_0 = arith.constant 0 : i32
    %c0_i32_1 = arith.constant 0 : i32
    return %c0_i32, %c0_i32_0 : i32, i32
  }
  func.func @transform_4(%arg0: i32, %arg1: i32) -> (i32, i32) {
    %c0_i32 = arith.constant 0 : i32
    %c0_i32_0 = arith.constant 0 : i32
    %c0_i32_1 = arith.constant 0 : i32
    return %c0_i32, %c0_i32_0 : i32, i32
  }
  func.func @transform_5(%arg0: i32, %arg1: i32) -> (i32, i32) {
    %c0_i32 = arith.constant 0 : i32
    %c0_i32_0 = arith.constant 0 : i32
    %c0_i32_1 = arith.constant 0 : i32
    return %c0_i32, %c0_i32_0 : i32, i32
  }
  func.func @transform_6(%arg0: i32, %arg1: i32) -> (i32, i32) {
    %c0_i32 = arith.constant 0 : i32
    %c0_i32_0 = arith.constant 0 : i32
    %c0_i32_1 = arith.constant 0 : i32
    return %c0_i32, %c0_i32_0 : i32, i32
  }
  func.func @transform_7(%arg0: i32, %arg1: i32) -> (i32, i32, i32, i32) {
    %c0_i32 = arith.constant 0 : i32
    %c0_i32_0 = arith.constant 0 : i32
    %c0_i32_1 = arith.constant 0 : i32
    return %arg0, %arg1, %c0_i32, %c0_i32_0 : i32, i32, i32, i32
  }
}

module attributes {stable_mosaic.version = 14 : i64} {
  func.func @_fin_body(%arg0: i32, %arg1: i32, %arg2: memref<1x1x128x512xf32, #tpu.memory_space<vmem>>, %arg3: memref<1x512xf32, #tpu.memory_space<vmem>>, %arg4: memref<1x512xf32, #tpu.memory_space<vmem>>, %arg5: memref<1x512xf32, #tpu.memory_space<vmem>>, %arg6: memref<1x512xf32, #tpu.memory_space<vmem>>, %arg7: memref<1x1x512xf32, #tpu.memory_space<vmem>>) attributes {dimension_semantics = [#tpu.dimension_semantics<arbitrary>, #tpu.dimension_semantics<arbitrary>], iteration_bounds = array<i64: 8, 1>, scalar_prefetch = 0 : i64, scratch_operands = 0 : i64, tpu.core_type = #tpu.core_type<tc>, window_params = [{transform_indices = @transform_0, window_bounds = array<i64: 1, 1, 128, 512>}, {pipeline_mode = #tpu.pipeline_mode<synchronous>, transform_indices = @transform_1, window_bounds = array<i64: 1, 512>}, {pipeline_mode = #tpu.pipeline_mode<synchronous>, transform_indices = @transform_2, window_bounds = array<i64: 1, 512>}, {pipeline_mode = #tpu.pipeline_mode<synchronous>, transform_indices = @transform_3, window_bounds = array<i64: 1, 512>}, {pipeline_mode = #tpu.pipeline_mode<synchronous>, transform_indices = @transform_4, window_bounds = array<i64: 1, 512>}, {transform_indices = @transform_5, window_bounds = array<i64: 1, 1, 512>}]} {
    %get3A = arith.constant 0 : index
    %get3A_0 = arith.constant 0 : index
    %get3A_1 = arith.constant 0 : index
    %get3A_2 = arith.constant 0 : index
    %get3A_3 = vector.load %arg2[%get3A, %get3A_0, %get3A_1, %get3A_2] : memref<1x1x128x512xf32, #tpu.memory_space<vmem>>, vector<1x1x128x512xf32>
    %reshape3A = vector.shape_cast %get3A_3 : vector<1x1x128x512xf32> to vector<128x512xf32>
    %get3A_4 = arith.constant 0 : index
    %get3A_5 = arith.constant 0 : index
    %get3A_6 = vector.load %arg5[%get3A_4, %get3A_5] : memref<1x512xf32, #tpu.memory_space<vmem>>, vector<1x512xf32>
    %get3A_7 = arith.constant 0 : index
    %get3A_8 = arith.constant 0 : index
    %get3A_9 = vector.load %arg3[%get3A_7, %get3A_8] : memref<1x512xf32, #tpu.memory_space<vmem>>, vector<1x512xf32>
    %sub3A = vector.broadcast %get3A_9 : vector<1x512xf32> to vector<128x512xf32>
    %sub3A_10 = arith.subf %reshape3A, %sub3A : vector<128x512xf32>
    %mul3A = vector.broadcast %get3A_6 : vector<1x512xf32> to vector<128x512xf32>
    %mul3A_11 = arith.mulf %mul3A, %sub3A_10 : vector<128x512xf32>
    %get3A_12 = arith.constant 0 : index
    %get3A_13 = arith.constant 0 : index
    %get3A_14 = vector.load %arg4[%get3A_12, %get3A_13] : memref<1x512xf32, #tpu.memory_space<vmem>>, vector<1x512xf32>
    %add3A = arith.constant 9.99999974E-6 : f32
    %add3A_15 = vector.broadcast %add3A : f32 to vector<1x512xf32>
    %add3A_16 = arith.addf %get3A_14, %add3A_15 : vector<1x512xf32>
    %sqrt3A = math.sqrt %add3A_16 : vector<1x512xf32>
    %div3A = vector.broadcast %sqrt3A : vector<1x512xf32> to vector<128x512xf32>
    %div3A_17 = arith.divf %mul3A_11, %div3A : vector<128x512xf32>
    %get3A_18 = arith.constant 0 : index
    %get3A_19 = arith.constant 0 : index
    %get3A_20 = vector.load %arg6[%get3A_18, %get3A_19] : memref<1x512xf32, #tpu.memory_space<vmem>>, vector<1x512xf32>
    %add3A_21 = vector.broadcast %get3A_20 : vector<1x512xf32> to vector<128x512xf32>
    %add3A_22 = arith.addf %div3A_17, %add3A_21 : vector<128x512xf32>
    %max3A = arith.constant 0.000000e+00 : f32
    %max3A_23 = vector.broadcast %max3A : f32 to vector<128x512xf32>
    %max3A_24 = arith.maximumf %add3A_22, %max3A_23 : vector<128x512xf32>
    %reshape3A_25 = vector.shape_cast %max3A_24 : vector<128x512xf32> to vector<1x128x512xf32>
    %reduce_max3A = arith.constant dense<0xFF800000> : vector<1x512xf32>
    %reduce_max3A_26 = vector.multi_reduction <maximumf>, %reshape3A_25, %reduce_max3A [1] : vector<1x128x512xf32> to vector<1x512xf32>
    %reshape3A_27 = vector.shape_cast %reduce_max3A_26 : vector<1x512xf32> to vector<1x1x512xf32>
    %swap3A = arith.constant 0 : index
    %swap3A_28 = arith.constant 0 : index
    %swap3A_29 = arith.constant 0 : index
    %swap3A_30 = vector.load %arg7[%swap3A, %swap3A_28, %swap3A_29] : memref<1x1x512xf32, #tpu.memory_space<vmem>>, vector<1x1x512xf32>
    tpu.vector_store %arg7[%swap3A, %swap3A_28, %swap3A_29], %reshape3A_27 {strides = array<i32>} : memref<1x1x512xf32, #tpu.memory_space<vmem>>, vector<1x1x512xf32>,
    return
  }
  func.func @transform_0(%arg0: i32, %arg1: i32) -> (i32, i32, i32, i32) {
    %c0_i32 = arith.constant 0 : i32
    %c0_i32_0 = arith.constant 0 : i32
    %c0_i32_1 = arith.constant 0 : i32
    return %arg0, %arg1, %c0_i32, %c0_i32_0 : i32, i32, i32, i32
  }
  func.func @transform_1(%arg0: i32, %arg1: i32) -> (i32, i32) {
    %c0_i32 = arith.constant 0 : i32
    %c0_i32_0 = arith.constant 0 : i32
    %c0_i32_1 = arith.constant 0 : i32
    return %c0_i32, %c0_i32_0 : i32, i32
  }
  func.func @transform_2(%arg0: i32, %arg1: i32) -> (i32, i32) {
    %c0_i32 = arith.constant 0 : i32
    %c0_i32_0 = arith.constant 0 : i32
    %c0_i32_1 = arith.constant 0 : i32
    return %c0_i32, %c0_i32_0 : i32, i32
  }
  func.func @transform_3(%arg0: i32, %arg1: i32) -> (i32, i32) {
    %c0_i32 = arith.constant 0 : i32
    %c0_i32_0 = arith.constant 0 : i32
    %c0_i32_1 = arith.constant 0 : i32
    return %c0_i32, %c0_i32_0 : i32, i32
  }
  func.func @transform_4(%arg0: i32, %arg1: i32) -> (i32, i32) {
    %c0_i32 = arith.constant 0 : i32
    %c0_i32_0 = arith.constant 0 : i32
    %c0_i32_1 = arith.constant 0 : i32
    return %c0_i32, %c0_i32_0 : i32, i32
  }
  func.func @transform_5(%arg0: i32, %arg1: i32) -> (i32, i32, i32) {
    %c0_i32 = arith.constant 0 : i32
    %c0_i32_0 = arith.constant 0 : i32
    return %arg0, %arg1, %c0_i32 : i32, i32, i32
  }
}

module attributes {stable_mosaic.version = 14 : i64} {
  func.func @_lin0_body(%arg0: i32, %arg1: i32, %arg2: memref<1x128x768xf32, #tpu.memory_space<vmem>>, %arg3: memref<768x256xf32, #tpu.memory_space<vmem>>, %arg4: memref<1x256xf32, #tpu.memory_space<vmem>>, %arg5: memref<1x128x256xf32, #tpu.memory_space<vmem>>) attributes {dimension_semantics = [#tpu.dimension_semantics<arbitrary>, #tpu.dimension_semantics<arbitrary>], iteration_bounds = array<i64: 8, 1>, scalar_prefetch = 0 : i64, scratch_operands = 0 : i64, tpu.core_type = #tpu.core_type<tc>, window_params = [{transform_indices = @transform_0, window_bounds = array<i64: 1, 128, 768>}, {pipeline_mode = #tpu.pipeline_mode<synchronous>, transform_indices = @transform_1, window_bounds = array<i64: 768, 256>}, {pipeline_mode = #tpu.pipeline_mode<synchronous>, transform_indices = @transform_2, window_bounds = array<i64: 1, 256>}, {transform_indices = @transform_3, window_bounds = array<i64: 1, 128, 256>}]} {
    %get3A = arith.constant 0 : index
    %get3A_0 = arith.constant 0 : index
    %get3A_1 = arith.constant 0 : index
    %get3A_2 = vector.load %arg2[%get3A, %get3A_0, %get3A_1] : memref<1x128x768xf32, #tpu.memory_space<vmem>>, vector<1x128x768xf32>
    %reshape3A = vector.shape_cast %get3A_2 : vector<1x128x768xf32> to vector<128x768xf32>
    %get3A_3 = arith.constant 0 : index
    %get3A_4 = arith.constant 0 : index
    %get3A_5 = vector.load %arg3[%get3A_3, %get3A_4] : memref<768x256xf32, #tpu.memory_space<vmem>>, vector<768x256xf32>
    %slice3A = vector.extract_strided_slice %reshape3A {offsets = [0, 512], sizes = [128, 256], strides = [1, 1]} : vector<128x768xf32> to vector<128x256xf32>
    %slice3A_6 = vector.extract_strided_slice %get3A_5 {offsets = [512, 0], sizes = [256, 256], strides = [1, 1]} : vector<768x256xf32> to vector<256x256xf32>
    %dot_general3A = arith.constant dense<0.000000e+00> : vector<128x256xf32>
    %dot_general3A_7 = tpu.matmul %slice3A, %slice3A_6, %dot_general3A {dimension_numbers = #tpu.dot_dimension_numbers<[1], [0], [0], [1], [0, 0, 1, 1], [], []>, transpose_lhs_hint = false} : vector<128x256xf32>, vector<256x256xf32>, vector<128x256xf32> -> vector<128x256xf32>
    %slice3A_8 = vector.extract_strided_slice %reshape3A {offsets = [0, 256], sizes = [128, 256], strides = [1, 1]} : vector<128x768xf32> to vector<128x256xf32>
    %slice3A_9 = vector.extract_strided_slice %get3A_5 {offsets = [256, 0], sizes = [256, 256], strides = [1, 1]} : vector<768x256xf32> to vector<256x256xf32>
    %dot_general3A_10 = arith.constant dense<0.000000e+00> : vector<128x256xf32>
    %dot_general3A_11 = tpu.matmul %slice3A_8, %slice3A_9, %dot_general3A_10 {dimension_numbers = #tpu.dot_dimension_numbers<[1], [0], [0], [1], [0, 0, 1, 1], [], []>, transpose_lhs_hint = false} : vector<128x256xf32>, vector<256x256xf32>, vector<128x256xf32> -> vector<128x256xf32>
    %add3A = arith.addf %dot_general3A_7, %dot_general3A_11 : vector<128x256xf32>
    %slice3A_12 = vector.extract_strided_slice %reshape3A {offsets = [0, 0], sizes = [128, 256], strides = [1, 1]} : vector<128x768xf32> to vector<128x256xf32>
    %slice3A_13 = vector.extract_strided_slice %get3A_5 {offsets = [0, 0], sizes = [256, 256], strides = [1, 1]} : vector<768x256xf32> to vector<256x256xf32>
    %dot_general3A_14 = arith.constant dense<0.000000e+00> : vector<128x256xf32>
    %dot_general3A_15 = tpu.matmul %slice3A_12, %slice3A_13, %dot_general3A_14 {dimension_numbers = #tpu.dot_dimension_numbers<[1], [0], [0], [1], [0, 0, 1, 1], [], []>, transpose_lhs_hint = false} : vector<128x256xf32>, vector<256x256xf32>, vector<128x256xf32> -> vector<128x256xf32>
    %add3A_16 = arith.addf %add3A, %dot_general3A_15 : vector<128x256xf32>
    %get3A_17 = arith.constant 0 : index
    %get3A_18 = arith.constant 0 : index
    %get3A_19 = vector.load %arg4[%get3A_17, %get3A_18] : memref<1x256xf32, #tpu.memory_space<vmem>>, vector<1x256xf32>
    %add3A_20 = vector.broadcast %get3A_19 : vector<1x256xf32> to vector<128x256xf32>
    %add3A_21 = arith.addf %add3A_16, %add3A_20 : vector<128x256xf32>
    %reshape3A_22 = vector.shape_cast %add3A_21 : vector<128x256xf32> to vector<1x128x256xf32>
    %swap3A = arith.constant 0 : index
    %swap3A_23 = arith.constant 0 : index
    %swap3A_24 = arith.constant 0 : index
    %swap3A_25 = vector.load %arg5[%swap3A, %swap3A_23, %swap3A_24] : memref<1x128x256xf32, #tpu.memory_space<vmem>>, vector<1x128x256xf32>
    tpu.vector_store %arg5[%swap3A, %swap3A_23, %swap3A_24], %reshape3A_22 {strides = array<i32>} : memref<1x128x256xf32, #tpu.memory_space<vmem>>, vector<1x128x256xf32>,
    return
  }
  func.func @transform_0(%arg0: i32, %arg1: i32) -> (i32, i32, i32) {
    %c0_i32 = arith.constant 0 : i32
    %c0_i32_0 = arith.constant 0 : i32
    return %arg0, %arg1, %c0_i32 : i32, i32, i32
  }
  func.func @transform_1(%arg0: i32, %arg1: i32) -> (i32, i32) {
    %c0_i32 = arith.constant 0 : i32
    %c0_i32_0 = arith.constant 0 : i32
    %c0_i32_1 = arith.constant 0 : i32
    return %c0_i32, %c0_i32_0 : i32, i32
  }
  func.func @transform_2(%arg0: i32, %arg1: i32) -> (i32, i32) {
    %c0_i32 = arith.constant 0 : i32
    %c0_i32_0 = arith.constant 0 : i32
    %c0_i32_1 = arith.constant 0 : i32
    return %c0_i32, %c0_i32_0 : i32, i32
  }
  func.func @transform_3(%arg0: i32, %arg1: i32) -> (i32, i32, i32) {
    %c0_i32 = arith.constant 0 : i32
    %c0_i32_0 = arith.constant 0 : i32
    return %arg0, %arg1, %c0_i32 : i32, i32, i32
  }
}

module attributes {stable_mosaic.version = 14 : i64} {
  func.func @_mid_body(%arg0: i32, %arg1: i32, %arg2: memref<1x128x256xf32, #tpu.memory_space<vmem>>, %arg3: memref<1x256xf32, #tpu.memory_space<vmem>>, %arg4: memref<1x256xf32, #tpu.memory_space<vmem>>, %arg5: memref<1x256xf32, #tpu.memory_space<vmem>>, %arg6: memref<1x256xf32, #tpu.memory_space<vmem>>, %arg7: memref<256x256xf32, #tpu.memory_space<vmem>>, %arg8: memref<1x256xf32, #tpu.memory_space<vmem>>, %arg9: memref<1x128x256xf32, #tpu.memory_space<vmem>>) attributes {dimension_semantics = [#tpu.dimension_semantics<arbitrary>, #tpu.dimension_semantics<arbitrary>], iteration_bounds = array<i64: 8, 1>, scalar_prefetch = 0 : i64, scratch_operands = 0 : i64, tpu.core_type = #tpu.core_type<tc>, window_params = [{transform_indices = @transform_0, window_bounds = array<i64: 1, 128, 256>}, {pipeline_mode = #tpu.pipeline_mode<synchronous>, transform_indices = @transform_1, window_bounds = array<i64: 1, 256>}, {pipeline_mode = #tpu.pipeline_mode<synchronous>, transform_indices = @transform_2, window_bounds = array<i64: 1, 256>}, {pipeline_mode = #tpu.pipeline_mode<synchronous>, transform_indices = @transform_3, window_bounds = array<i64: 1, 256>}, {pipeline_mode = #tpu.pipeline_mode<synchronous>, transform_indices = @transform_4, window_bounds = array<i64: 1, 256>}, {pipeline_mode = #tpu.pipeline_mode<synchronous>, transform_indices = @transform_5, window_bounds = array<i64: 256, 256>}, {pipeline_mode = #tpu.pipeline_mode<synchronous>, transform_indices = @transform_6, window_bounds = array<i64: 1, 256>}, {transform_indices = @transform_7, window_bounds = array<i64: 1, 128, 256>}]} {
    %get3A = arith.constant 0 : index
    %get3A_0 = arith.constant 0 : index
    %get3A_1 = arith.constant 0 : index
    %get3A_2 = vector.load %arg2[%get3A, %get3A_0, %get3A_1] : memref<1x128x256xf32, #tpu.memory_space<vmem>>, vector<1x128x256xf32>
    %reshape3A = vector.shape_cast %get3A_2 : vector<1x128x256xf32> to vector<128x256xf32>
    %get3A_3 = arith.constant 0 : index
    %get3A_4 = arith.constant 0 : index
    %get3A_5 = vector.load %arg5[%get3A_3, %get3A_4] : memref<1x256xf32, #tpu.memory_space<vmem>>, vector<1x256xf32>
    %get3A_6 = arith.constant 0 : index
    %get3A_7 = arith.constant 0 : index
    %get3A_8 = vector.load %arg3[%get3A_6, %get3A_7] : memref<1x256xf32, #tpu.memory_space<vmem>>, vector<1x256xf32>
    %sub3A = vector.broadcast %get3A_8 : vector<1x256xf32> to vector<128x256xf32>
    %sub3A_9 = arith.subf %reshape3A, %sub3A : vector<128x256xf32>
    %mul3A = vector.broadcast %get3A_5 : vector<1x256xf32> to vector<128x256xf32>
    %mul3A_10 = arith.mulf %mul3A, %sub3A_9 : vector<128x256xf32>
    %get3A_11 = arith.constant 0 : index
    %get3A_12 = arith.constant 0 : index
    %get3A_13 = vector.load %arg4[%get3A_11, %get3A_12] : memref<1x256xf32, #tpu.memory_space<vmem>>, vector<1x256xf32>
    %add3A = arith.constant 9.99999974E-6 : f32
    %add3A_14 = vector.broadcast %add3A : f32 to vector<1x256xf32>
    %add3A_15 = arith.addf %get3A_13, %add3A_14 : vector<1x256xf32>
    %sqrt3A = math.sqrt %add3A_15 : vector<1x256xf32>
    %div3A = vector.broadcast %sqrt3A : vector<1x256xf32> to vector<128x256xf32>
    %div3A_16 = arith.divf %mul3A_10, %div3A : vector<128x256xf32>
    %get3A_17 = arith.constant 0 : index
    %get3A_18 = arith.constant 0 : index
    %get3A_19 = vector.load %arg6[%get3A_17, %get3A_18] : memref<1x256xf32, #tpu.memory_space<vmem>>, vector<1x256xf32>
    %add3A_20 = vector.broadcast %get3A_19 : vector<1x256xf32> to vector<128x256xf32>
    %add3A_21 = arith.addf %div3A_16, %add3A_20 : vector<128x256xf32>
    %max3A = arith.constant 0.000000e+00 : f32
    %max3A_22 = vector.broadcast %max3A : f32 to vector<128x256xf32>
    %max3A_23 = arith.maximumf %add3A_21, %max3A_22 : vector<128x256xf32>
    %get3A_24 = arith.constant 0 : index
    %get3A_25 = arith.constant 0 : index
    %get3A_26 = vector.load %arg7[%get3A_24, %get3A_25] : memref<256x256xf32, #tpu.memory_space<vmem>>, vector<256x256xf32>
    %dot_general3A = arith.constant dense<0.000000e+00> : vector<128x256xf32>
    %dot_general3A_27 = tpu.matmul %max3A_23, %get3A_26, %dot_general3A {dimension_numbers = #tpu.dot_dimension_numbers<[1], [0], [0], [1], [0, 0, 1, 1], [], []>, transpose_lhs_hint = false} : vector<128x256xf32>, vector<256x256xf32>, vector<128x256xf32> -> vector<128x256xf32>
    %get3A_28 = arith.constant 0 : index
    %get3A_29 = arith.constant 0 : index
    %get3A_30 = vector.load %arg8[%get3A_28, %get3A_29] : memref<1x256xf32, #tpu.memory_space<vmem>>, vector<1x256xf32>
    %add3A_31 = vector.broadcast %get3A_30 : vector<1x256xf32> to vector<128x256xf32>
    %add3A_32 = arith.addf %dot_general3A_27, %add3A_31 : vector<128x256xf32>
    %reshape3A_33 = vector.shape_cast %add3A_32 : vector<128x256xf32> to vector<1x128x256xf32>
    %swap3A = arith.constant 0 : index
    %swap3A_34 = arith.constant 0 : index
    %swap3A_35 = arith.constant 0 : index
    %swap3A_36 = vector.load %arg9[%swap3A, %swap3A_34, %swap3A_35] : memref<1x128x256xf32, #tpu.memory_space<vmem>>, vector<1x128x256xf32>
    tpu.vector_store %arg9[%swap3A, %swap3A_34, %swap3A_35], %reshape3A_33 {strides = array<i32>} : memref<1x128x256xf32, #tpu.memory_space<vmem>>, vector<1x128x256xf32>,
    return
  }
  func.func @transform_0(%arg0: i32, %arg1: i32) -> (i32, i32, i32) {
    %c0_i32 = arith.constant 0 : i32
    %c0_i32_0 = arith.constant 0 : i32
    return %arg0, %arg1, %c0_i32 : i32, i32, i32
  }
  func.func @transform_1(%arg0: i32, %arg1: i32) -> (i32, i32) {
    %c0_i32 = arith.constant 0 : i32
    %c0_i32_0 = arith.constant 0 : i32
    %c0_i32_1 = arith.constant 0 : i32
    return %c0_i32, %c0_i32_0 : i32, i32
  }
  func.func @transform_2(%arg0: i32, %arg1: i32) -> (i32, i32) {
    %c0_i32 = arith.constant 0 : i32
    %c0_i32_0 = arith.constant 0 : i32
    %c0_i32_1 = arith.constant 0 : i32
    return %c0_i32, %c0_i32_0 : i32, i32
  }
  func.func @transform_3(%arg0: i32, %arg1: i32) -> (i32, i32) {
    %c0_i32 = arith.constant 0 : i32
    %c0_i32_0 = arith.constant 0 : i32
    %c0_i32_1 = arith.constant 0 : i32
    return %c0_i32, %c0_i32_0 : i32, i32
  }
  func.func @transform_4(%arg0: i32, %arg1: i32) -> (i32, i32) {
    %c0_i32 = arith.constant 0 : i32
    %c0_i32_0 = arith.constant 0 : i32
    %c0_i32_1 = arith.constant 0 : i32
    return %c0_i32, %c0_i32_0 : i32, i32
  }
  func.func @transform_5(%arg0: i32, %arg1: i32) -> (i32, i32) {
    %c0_i32 = arith.constant 0 : i32
    %c0_i32_0 = arith.constant 0 : i32
    %c0_i32_1 = arith.constant 0 : i32
    return %c0_i32, %c0_i32_0 : i32, i32
  }
  func.func @transform_6(%arg0: i32, %arg1: i32) -> (i32, i32) {
    %c0_i32 = arith.constant 0 : i32
    %c0_i32_0 = arith.constant 0 : i32
    %c0_i32_1 = arith.constant 0 : i32
    return %c0_i32, %c0_i32_0 : i32, i32
  }
  func.func @transform_7(%arg0: i32, %arg1: i32) -> (i32, i32, i32) {
    %c0_i32 = arith.constant 0 : i32
    %c0_i32_0 = arith.constant 0 : i32
    return %arg0, %arg1, %c0_i32 : i32, i32, i32
  }
}

module attributes {stable_mosaic.version = 14 : i64} {
  func.func @_fin_body(%arg0: i32, %arg1: i32, %arg2: memref<1x128x256xf32, #tpu.memory_space<vmem>>, %arg3: memref<1x256xf32, #tpu.memory_space<vmem>>, %arg4: memref<1x256xf32, #tpu.memory_space<vmem>>, %arg5: memref<1x256xf32, #tpu.memory_space<vmem>>, %arg6: memref<1x256xf32, #tpu.memory_space<vmem>>, %arg7: memref<1x128x256xf32, #tpu.memory_space<vmem>>) attributes {dimension_semantics = [#tpu.dimension_semantics<arbitrary>, #tpu.dimension_semantics<arbitrary>], iteration_bounds = array<i64: 8, 1>, scalar_prefetch = 0 : i64, scratch_operands = 0 : i64, tpu.core_type = #tpu.core_type<tc>, window_params = [{transform_indices = @transform_0, window_bounds = array<i64: 1, 128, 256>}, {pipeline_mode = #tpu.pipeline_mode<synchronous>, transform_indices = @transform_1, window_bounds = array<i64: 1, 256>}, {pipeline_mode = #tpu.pipeline_mode<synchronous>, transform_indices = @transform_2, window_bounds = array<i64: 1, 256>}, {pipeline_mode = #tpu.pipeline_mode<synchronous>, transform_indices = @transform_3, window_bounds = array<i64: 1, 256>}, {pipeline_mode = #tpu.pipeline_mode<synchronous>, transform_indices = @transform_4, window_bounds = array<i64: 1, 256>}, {transform_indices = @transform_5, window_bounds = array<i64: 1, 128, 256>}]} {
    %get3A = arith.constant 0 : index
    %get3A_0 = arith.constant 0 : index
    %get3A_1 = arith.constant 0 : index
    %get3A_2 = vector.load %arg2[%get3A, %get3A_0, %get3A_1] : memref<1x128x256xf32, #tpu.memory_space<vmem>>, vector<1x128x256xf32>
    %reshape3A = vector.shape_cast %get3A_2 : vector<1x128x256xf32> to vector<128x256xf32>
    %get3A_3 = arith.constant 0 : index
    %get3A_4 = arith.constant 0 : index
    %get3A_5 = vector.load %arg5[%get3A_3, %get3A_4] : memref<1x256xf32, #tpu.memory_space<vmem>>, vector<1x256xf32>
    %get3A_6 = arith.constant 0 : index
    %get3A_7 = arith.constant 0 : index
    %get3A_8 = vector.load %arg3[%get3A_6, %get3A_7] : memref<1x256xf32, #tpu.memory_space<vmem>>, vector<1x256xf32>
    %sub3A = vector.broadcast %get3A_8 : vector<1x256xf32> to vector<128x256xf32>
    %sub3A_9 = arith.subf %reshape3A, %sub3A : vector<128x256xf32>
    %mul3A = vector.broadcast %get3A_5 : vector<1x256xf32> to vector<128x256xf32>
    %mul3A_10 = arith.mulf %mul3A, %sub3A_9 : vector<128x256xf32>
    %get3A_11 = arith.constant 0 : index
    %get3A_12 = arith.constant 0 : index
    %get3A_13 = vector.load %arg4[%get3A_11, %get3A_12] : memref<1x256xf32, #tpu.memory_space<vmem>>, vector<1x256xf32>
    %add3A = arith.constant 9.99999974E-6 : f32
    %add3A_14 = vector.broadcast %add3A : f32 to vector<1x256xf32>
    %add3A_15 = arith.addf %get3A_13, %add3A_14 : vector<1x256xf32>
    %sqrt3A = math.sqrt %add3A_15 : vector<1x256xf32>
    %div3A = vector.broadcast %sqrt3A : vector<1x256xf32> to vector<128x256xf32>
    %div3A_16 = arith.divf %mul3A_10, %div3A : vector<128x256xf32>
    %get3A_17 = arith.constant 0 : index
    %get3A_18 = arith.constant 0 : index
    %get3A_19 = vector.load %arg6[%get3A_17, %get3A_18] : memref<1x256xf32, #tpu.memory_space<vmem>>, vector<1x256xf32>
    %add3A_20 = vector.broadcast %get3A_19 : vector<1x256xf32> to vector<128x256xf32>
    %add3A_21 = arith.addf %div3A_16, %add3A_20 : vector<128x256xf32>
    %max3A = arith.constant 0.000000e+00 : f32
    %max3A_22 = vector.broadcast %max3A : f32 to vector<128x256xf32>
    %max3A_23 = arith.maximumf %add3A_21, %max3A_22 : vector<128x256xf32>
    %reshape3A_24 = vector.shape_cast %max3A_23 : vector<128x256xf32> to vector<1x128x256xf32>
    %swap3A = arith.constant 0 : index
    %swap3A_25 = arith.constant 0 : index
    %swap3A_26 = arith.constant 0 : index
    %swap3A_27 = vector.load %arg7[%swap3A, %swap3A_25, %swap3A_26] : memref<1x128x256xf32, #tpu.memory_space<vmem>>, vector<1x128x256xf32>
    tpu.vector_store %arg7[%swap3A, %swap3A_25, %swap3A_26], %reshape3A_24 {strides = array<i32>} : memref<1x128x256xf32, #tpu.memory_space<vmem>>, vector<1x128x256xf32>,
    return
  }
  func.func @transform_0(%arg0: i32, %arg1: i32) -> (i32, i32, i32) {
    %c0_i32 = arith.constant 0 : i32
    %c0_i32_0 = arith.constant 0 : i32
    return %arg0, %arg1, %c0_i32 : i32, i32, i32
  }
  func.func @transform_1(%arg0: i32, %arg1: i32) -> (i32, i32) {
    %c0_i32 = arith.constant 0 : i32
    %c0_i32_0 = arith.constant 0 : i32
    %c0_i32_1 = arith.constant 0 : i32
    return %c0_i32, %c0_i32_0 : i32, i32
  }
  func.func @transform_2(%arg0: i32, %arg1: i32) -> (i32, i32) {
    %c0_i32 = arith.constant 0 : i32
    %c0_i32_0 = arith.constant 0 : i32
    %c0_i32_1 = arith.constant 0 : i32
    return %c0_i32, %c0_i32_0 : i32, i32
  }
  func.func @transform_3(%arg0: i32, %arg1: i32) -> (i32, i32) {
    %c0_i32 = arith.constant 0 : i32
    %c0_i32_0 = arith.constant 0 : i32
    %c0_i32_1 = arith.constant 0 : i32
    return %c0_i32, %c0_i32_0 : i32, i32
  }
  func.func @transform_4(%arg0: i32, %arg1: i32) -> (i32, i32) {
    %c0_i32 = arith.constant 0 : i32
    %c0_i32_0 = arith.constant 0 : i32
    %c0_i32_1 = arith.constant 0 : i32
    return %c0_i32, %c0_i32_0 : i32, i32
  }
  func.func @transform_5(%arg0: i32, %arg1: i32) -> (i32, i32, i32) {
    %c0_i32 = arith.constant 0 : i32
    %c0_i32_0 = arith.constant 0 : i32
    return %arg0, %arg1, %c0_i32 : i32, i32, i32
  }
}

module attributes {stable_mosaic.version = 14 : i64} {
  func.func @_interp_body(%arg0: i32, %arg1: memref<1x512x3xi32, #tpu.memory_space<vmem>>, %arg2: memref<1x512x3xf32, #tpu.memory_space<vmem>>, %arg3: memref<1x128x256xf32, #tpu.memory_space<vmem>>, %arg4: memref<1x512x256xf32, #tpu.memory_space<vmem>>) attributes {dimension_semantics = [#tpu.dimension_semantics<arbitrary>], iteration_bounds = array<i64: 8>, scalar_prefetch = 0 : i64, scratch_operands = 0 : i64, tpu.core_type = #tpu.core_type<tc>, window_params = [{transform_indices = @transform_0, window_bounds = array<i64: 1, 512, 3>}, {transform_indices = @transform_1, window_bounds = array<i64: 1, 512, 3>}, {transform_indices = @transform_2, window_bounds = array<i64: 1, 128, 256>}, {transform_indices = @transform_3, window_bounds = array<i64: 1, 512, 256>}]} {
    %get3A = arith.constant 0 : index
    %get3A_0 = arith.constant 0 : index
    %get3A_1 = arith.constant 0 : index
    %get3A_2 = vector.load %arg1[%get3A, %get3A_0, %get3A_1] : memref<1x512x3xi32, #tpu.memory_space<vmem>>, vector<1x512x3xi32>
    %get3A_3 = vector.shape_cast %get3A_2 : vector<1x512x3xi32> to vector<512x3xi32>
    %get3A_4 = arith.constant 0 : index
    %get3A_5 = arith.constant 0 : index
    %get3A_6 = arith.constant 0 : index
    %get3A_7 = vector.load %arg2[%get3A_4, %get3A_5, %get3A_6] : memref<1x512x3xf32, #tpu.memory_space<vmem>>, vector<1x512x3xf32>
    %get3A_8 = vector.shape_cast %get3A_7 : vector<1x512x3xf32> to vector<512x3xf32>
    %get3A_9 = arith.constant 0 : index
    %get3A_10 = arith.constant 0 : index
    %get3A_11 = arith.constant 0 : index
    %get3A_12 = vector.load %arg3[%get3A_9, %get3A_10, %get3A_11] : memref<1x128x256xf32, #tpu.memory_space<vmem>>, vector<1x128x256xf32>
    %get3A_13 = vector.shape_cast %get3A_12 : vector<1x128x256xf32> to vector<128x256xf32>
    %iota3A = tpu.iota {dimensions = array<i32: 1>} : vector<512x128xi32>
    %broadcast_in_dim3A = arith.constant 0.000000e+00 : f32
    %broadcast_in_dim3A_14 = vector.broadcast %broadcast_in_dim3A : f32 to vector<512x256xf32>
    %slice3A = vector.extract_strided_slice %get3A_3 {offsets = [0, 0], sizes = [512, 1], strides = [1, 1]} : vector<512x3xi32> to vector<512x1xi32>
    %eq3A = vector.broadcast %slice3A : vector<512x1xi32> to vector<512x128xi32>
    %eq3A_15 = arith.cmpi eq, %iota3A, %eq3A : vector<512x128xi32>
    %convert_element_type3A = arith.extui %eq3A_15 : vector<512x128xi1> to vector<512x128xi32>
    %convert_element_type3A_16 = arith.sitofp %convert_element_type3A : vector<512x128xi32> to vector<512x128xf32>
    %slice3A_17 = vector.extract_strided_slice %get3A_8 {offsets = [0, 0], sizes = [512, 1], strides = [1, 1]} : vector<512x3xf32> to vector<512x1xf32>
    %dot_general3A = arith.constant dense<0.000000e+00> : vector<512x256xf32>
    %dot_general3A_18 = tpu.matmul %convert_element_type3A_16, %get3A_13, %dot_general3A {dimension_numbers = #tpu.dot_dimension_numbers<[1], [0], [0], [1], [0, 0, 1, 1], [], []>, precision = #tpu.contract_precision<fp32>, transpose_lhs_hint = false} : vector<512x128xf32>, vector<128x256xf32>, vector<512x256xf32> -> vector<512x256xf32>
    %mul3A = vector.broadcast %slice3A_17 : vector<512x1xf32> to vector<512x256xf32>
    %mul3A_19 = arith.mulf %mul3A, %dot_general3A_18 : vector<512x256xf32>
    %add3A = arith.addf %broadcast_in_dim3A_14, %mul3A_19 : vector<512x256xf32>
    %slice3A_20 = vector.extract_strided_slice %get3A_3 {offsets = [0, 1], sizes = [512, 1], strides = [1, 1]} : vector<512x3xi32> to vector<512x1xi32>
    %eq3A_21 = vector.broadcast %slice3A_20 : vector<512x1xi32> to vector<512x128xi32>
    %eq3A_22 = arith.cmpi eq, %iota3A, %eq3A_21 : vector<512x128xi32>
    %convert_element_type3A_23 = arith.extui %eq3A_22 : vector<512x128xi1> to vector<512x128xi32>
    %convert_element_type3A_24 = arith.sitofp %convert_element_type3A_23 : vector<512x128xi32> to vector<512x128xf32>
    %slice3A_25 = vector.extract_strided_slice %get3A_8 {offsets = [0, 1], sizes = [512, 1], strides = [1, 1]} : vector<512x3xf32> to vector<512x1xf32>
    %dot_general3A_26 = arith.constant dense<0.000000e+00> : vector<512x256xf32>
    %dot_general3A_27 = tpu.matmul %convert_element_type3A_24, %get3A_13, %dot_general3A_26 {dimension_numbers = #tpu.dot_dimension_numbers<[1], [0], [0], [1], [0, 0, 1, 1], [], []>, precision = #tpu.contract_precision<fp32>, transpose_lhs_hint = false} : vector<512x128xf32>, vector<128x256xf32>, vector<512x256xf32> -> vector<512x256xf32>
    %mul3A_28 = vector.broadcast %slice3A_25 : vector<512x1xf32> to vector<512x256xf32>
    %mul3A_29 = arith.mulf %mul3A_28, %dot_general3A_27 : vector<512x256xf32>
    %add3A_30 = arith.addf %add3A, %mul3A_29 : vector<512x256xf32>
    %slice3A_31 = vector.extract_strided_slice %get3A_3 {offsets = [0, 2], sizes = [512, 1], strides = [1, 1]} : vector<512x3xi32> to vector<512x1xi32>
    %eq3A_32 = vector.broadcast %slice3A_31 : vector<512x1xi32> to vector<512x128xi32>
    %eq3A_33 = arith.cmpi eq, %iota3A, %eq3A_32 : vector<512x128xi32>
    %convert_element_type3A_34 = arith.extui %eq3A_33 : vector<512x128xi1> to vector<512x128xi32>
    %convert_element_type3A_35 = arith.sitofp %convert_element_type3A_34 : vector<512x128xi32> to vector<512x128xf32>
    %slice3A_36 = vector.extract_strided_slice %get3A_8 {offsets = [0, 2], sizes = [512, 1], strides = [1, 1]} : vector<512x3xf32> to vector<512x1xf32>
    %dot_general3A_37 = arith.constant dense<0.000000e+00> : vector<512x256xf32>
    %dot_general3A_38 = tpu.matmul %convert_element_type3A_35, %get3A_13, %dot_general3A_37 {dimension_numbers = #tpu.dot_dimension_numbers<[1], [0], [0], [1], [0, 0, 1, 1], [], []>, precision = #tpu.contract_precision<fp32>, transpose_lhs_hint = false} : vector<512x128xf32>, vector<128x256xf32>, vector<512x256xf32> -> vector<512x256xf32>
    %mul3A_39 = vector.broadcast %slice3A_36 : vector<512x1xf32> to vector<512x256xf32>
    %mul3A_40 = arith.mulf %mul3A_39, %dot_general3A_38 : vector<512x256xf32>
    %add3A_41 = arith.addf %add3A_30, %mul3A_40 : vector<512x256xf32>
    %reshape3A = vector.shape_cast %add3A_41 : vector<512x256xf32> to vector<1x512x256xf32>
    %swap3A = arith.constant 0 : index
    %swap3A_42 = arith.constant 0 : index
    %swap3A_43 = arith.constant 0 : index
    %swap3A_44 = vector.load %arg4[%swap3A, %swap3A_42, %swap3A_43] : memref<1x512x256xf32, #tpu.memory_space<vmem>>, vector<1x512x256xf32>
    tpu.vector_store %arg4[%swap3A, %swap3A_42, %swap3A_43], %reshape3A {strides = array<i32>} : memref<1x512x256xf32, #tpu.memory_space<vmem>>, vector<1x512x256xf32>,
    return
  }
  func.func @transform_0(%arg0: i32) -> (i32, i32, i32) {
    %c0_i32 = arith.constant 0 : i32
    %c0_i32_0 = arith.constant 0 : i32
    %c0_i32_1 = arith.constant 0 : i32
    return %arg0, %c0_i32, %c0_i32_0 : i32, i32, i32
  }
  func.func @transform_1(%arg0: i32) -> (i32, i32, i32) {
    %c0_i32 = arith.constant 0 : i32
    %c0_i32_0 = arith.constant 0 : i32
    %c0_i32_1 = arith.constant 0 : i32
    return %arg0, %c0_i32, %c0_i32_0 : i32, i32, i32
  }
  func.func @transform_2(%arg0: i32) -> (i32, i32, i32) {
    %c0_i32 = arith.constant 0 : i32
    %c0_i32_0 = arith.constant 0 : i32
    %c0_i32_1 = arith.constant 0 : i32
    return %arg0, %c0_i32, %c0_i32_0 : i32, i32, i32
  }
  func.func @transform_3(%arg0: i32) -> (i32, i32, i32) {
    %c0_i32 = arith.constant 0 : i32
    %c0_i32_0 = arith.constant 0 : i32
    %c0_i32_1 = arith.constant 0 : i32
    return %arg0, %c0_i32, %c0_i32_0 : i32, i32, i32
  }
}

module attributes {stable_mosaic.version = 14 : i64} {
  func.func @_lin0_body(%arg0: i32, %arg1: i32, %arg2: memref<1x512x384xf32, #tpu.memory_space<vmem>>, %arg3: memref<384x128xf32, #tpu.memory_space<vmem>>, %arg4: memref<1x128xf32, #tpu.memory_space<vmem>>, %arg5: memref<1x512x128xf32, #tpu.memory_space<vmem>>) attributes {dimension_semantics = [#tpu.dimension_semantics<arbitrary>, #tpu.dimension_semantics<arbitrary>], iteration_bounds = array<i64: 8, 1>, scalar_prefetch = 0 : i64, scratch_operands = 0 : i64, tpu.core_type = #tpu.core_type<tc>, window_params = [{transform_indices = @transform_0, window_bounds = array<i64: 1, 512, 384>}, {pipeline_mode = #tpu.pipeline_mode<synchronous>, transform_indices = @transform_1, window_bounds = array<i64: 384, 128>}, {pipeline_mode = #tpu.pipeline_mode<synchronous>, transform_indices = @transform_2, window_bounds = array<i64: 1, 128>}, {transform_indices = @transform_3, window_bounds = array<i64: 1, 512, 128>}]} {
    %get3A = arith.constant 0 : index
    %get3A_0 = arith.constant 0 : index
    %get3A_1 = arith.constant 0 : index
    %get3A_2 = vector.load %arg2[%get3A, %get3A_0, %get3A_1] : memref<1x512x384xf32, #tpu.memory_space<vmem>>, vector<1x512x384xf32>
    %reshape3A = vector.shape_cast %get3A_2 : vector<1x512x384xf32> to vector<512x384xf32>
    %get3A_3 = arith.constant 0 : index
    %get3A_4 = arith.constant 0 : index
    %get3A_5 = vector.load %arg3[%get3A_3, %get3A_4] : memref<384x128xf32, #tpu.memory_space<vmem>>, vector<384x128xf32>
    %dot_general3A = arith.constant dense<0.000000e+00> : vector<512x128xf32>
    %dot_general3A_6 = tpu.matmul %reshape3A, %get3A_5, %dot_general3A {dimension_numbers = #tpu.dot_dimension_numbers<[1], [0], [0], [1], [0, 0, 1, 1], [], []>, transpose_lhs_hint = false} : vector<512x384xf32>, vector<384x128xf32>, vector<512x128xf32> -> vector<512x128xf32>
    %get3A_7 = arith.constant 0 : index
    %get3A_8 = arith.constant 0 : index
    %get3A_9 = vector.load %arg4[%get3A_7, %get3A_8] : memref<1x128xf32, #tpu.memory_space<vmem>>, vector<1x128xf32>
    %add3A = vector.broadcast %get3A_9 : vector<1x128xf32> to vector<512x128xf32>
    %add3A_10 = arith.addf %dot_general3A_6, %add3A : vector<512x128xf32>
    %reshape3A_11 = vector.shape_cast %add3A_10 : vector<512x128xf32> to vector<1x512x128xf32>
    %swap3A = arith.constant 0 : index
    %swap3A_12 = arith.constant 0 : index
    %swap3A_13 = arith.constant 0 : index
    %swap3A_14 = vector.load %arg5[%swap3A, %swap3A_12, %swap3A_13] : memref<1x512x128xf32, #tpu.memory_space<vmem>>, vector<1x512x128xf32>
    tpu.vector_store %arg5[%swap3A, %swap3A_12, %swap3A_13], %reshape3A_11 {strides = array<i32>} : memref<1x512x128xf32, #tpu.memory_space<vmem>>, vector<1x512x128xf32>,
    return
  }
  func.func @transform_0(%arg0: i32, %arg1: i32) -> (i32, i32, i32) {
    %c0_i32 = arith.constant 0 : i32
    %c0_i32_0 = arith.constant 0 : i32
    return %arg0, %arg1, %c0_i32 : i32, i32, i32
  }
  func.func @transform_1(%arg0: i32, %arg1: i32) -> (i32, i32) {
    %c0_i32 = arith.constant 0 : i32
    %c0_i32_0 = arith.constant 0 : i32
    %c0_i32_1 = arith.constant 0 : i32
    return %c0_i32, %c0_i32_0 : i32, i32
  }
  func.func @transform_2(%arg0: i32, %arg1: i32) -> (i32, i32) {
    %c0_i32 = arith.constant 0 : i32
    %c0_i32_0 = arith.constant 0 : i32
    %c0_i32_1 = arith.constant 0 : i32
    return %c0_i32, %c0_i32_0 : i32, i32
  }
  func.func @transform_3(%arg0: i32, %arg1: i32) -> (i32, i32, i32) {
    %c0_i32 = arith.constant 0 : i32
    %c0_i32_0 = arith.constant 0 : i32
    return %arg0, %arg1, %c0_i32 : i32, i32, i32
  }
}

module attributes {stable_mosaic.version = 14 : i64} {
  func.func @_mid_body(%arg0: i32, %arg1: i32, %arg2: memref<1x512x128xf32, #tpu.memory_space<vmem>>, %arg3: memref<1x128xf32, #tpu.memory_space<vmem>>, %arg4: memref<1x128xf32, #tpu.memory_space<vmem>>, %arg5: memref<1x128xf32, #tpu.memory_space<vmem>>, %arg6: memref<1x128xf32, #tpu.memory_space<vmem>>, %arg7: memref<128x128xf32, #tpu.memory_space<vmem>>, %arg8: memref<1x128xf32, #tpu.memory_space<vmem>>, %arg9: memref<1x512x128xf32, #tpu.memory_space<vmem>>) attributes {dimension_semantics = [#tpu.dimension_semantics<arbitrary>, #tpu.dimension_semantics<arbitrary>], iteration_bounds = array<i64: 8, 1>, scalar_prefetch = 0 : i64, scratch_operands = 0 : i64, tpu.core_type = #tpu.core_type<tc>, window_params = [{transform_indices = @transform_0, window_bounds = array<i64: 1, 512, 128>}, {pipeline_mode = #tpu.pipeline_mode<synchronous>, transform_indices = @transform_1, window_bounds = array<i64: 1, 128>}, {pipeline_mode = #tpu.pipeline_mode<synchronous>, transform_indices = @transform_2, window_bounds = array<i64: 1, 128>}, {pipeline_mode = #tpu.pipeline_mode<synchronous>, transform_indices = @transform_3, window_bounds = array<i64: 1, 128>}, {pipeline_mode = #tpu.pipeline_mode<synchronous>, transform_indices = @transform_4, window_bounds = array<i64: 1, 128>}, {pipeline_mode = #tpu.pipeline_mode<synchronous>, transform_indices = @transform_5, window_bounds = array<i64: 128, 128>}, {pipeline_mode = #tpu.pipeline_mode<synchronous>, transform_indices = @transform_6, window_bounds = array<i64: 1, 128>}, {transform_indices = @transform_7, window_bounds = array<i64: 1, 512, 128>}]} {
    %get3A = arith.constant 0 : index
    %get3A_0 = arith.constant 0 : index
    %get3A_1 = arith.constant 0 : index
    %get3A_2 = vector.load %arg2[%get3A, %get3A_0, %get3A_1] : memref<1x512x128xf32, #tpu.memory_space<vmem>>, vector<1x512x128xf32>
    %reshape3A = vector.shape_cast %get3A_2 : vector<1x512x128xf32> to vector<512x128xf32>
    %get3A_3 = arith.constant 0 : index
    %get3A_4 = arith.constant 0 : index
    %get3A_5 = vector.load %arg5[%get3A_3, %get3A_4] : memref<1x128xf32, #tpu.memory_space<vmem>>, vector<1x128xf32>
    %get3A_6 = arith.constant 0 : index
    %get3A_7 = arith.constant 0 : index
    %get3A_8 = vector.load %arg3[%get3A_6, %get3A_7] : memref<1x128xf32, #tpu.memory_space<vmem>>, vector<1x128xf32>
    %sub3A = vector.broadcast %get3A_8 : vector<1x128xf32> to vector<512x128xf32>
    %sub3A_9 = arith.subf %reshape3A, %sub3A : vector<512x128xf32>
    %mul3A = vector.broadcast %get3A_5 : vector<1x128xf32> to vector<512x128xf32>
    %mul3A_10 = arith.mulf %mul3A, %sub3A_9 : vector<512x128xf32>
    %get3A_11 = arith.constant 0 : index
    %get3A_12 = arith.constant 0 : index
    %get3A_13 = vector.load %arg4[%get3A_11, %get3A_12] : memref<1x128xf32, #tpu.memory_space<vmem>>, vector<1x128xf32>
    %add3A = arith.constant 9.99999974E-6 : f32
    %add3A_14 = vector.broadcast %add3A : f32 to vector<1x128xf32>
    %add3A_15 = arith.addf %get3A_13, %add3A_14 : vector<1x128xf32>
    %sqrt3A = math.sqrt %add3A_15 : vector<1x128xf32>
    %div3A = vector.broadcast %sqrt3A : vector<1x128xf32> to vector<512x128xf32>
    %div3A_16 = arith.divf %mul3A_10, %div3A : vector<512x128xf32>
    %get3A_17 = arith.constant 0 : index
    %get3A_18 = arith.constant 0 : index
    %get3A_19 = vector.load %arg6[%get3A_17, %get3A_18] : memref<1x128xf32, #tpu.memory_space<vmem>>, vector<1x128xf32>
    %add3A_20 = vector.broadcast %get3A_19 : vector<1x128xf32> to vector<512x128xf32>
    %add3A_21 = arith.addf %div3A_16, %add3A_20 : vector<512x128xf32>
    %max3A = arith.constant 0.000000e+00 : f32
    %max3A_22 = vector.broadcast %max3A : f32 to vector<512x128xf32>
    %max3A_23 = arith.maximumf %add3A_21, %max3A_22 : vector<512x128xf32>
    %get3A_24 = arith.constant 0 : index
    %get3A_25 = arith.constant 0 : index
    %get3A_26 = vector.load %arg7[%get3A_24, %get3A_25] : memref<128x128xf32, #tpu.memory_space<vmem>>, vector<128x128xf32>
    %dot_general3A = arith.constant dense<0.000000e+00> : vector<512x128xf32>
    %dot_general3A_27 = tpu.matmul %max3A_23, %get3A_26, %dot_general3A {dimension_numbers = #tpu.dot_dimension_numbers<[1], [0], [0], [1], [0, 0, 1, 1], [], []>, transpose_lhs_hint = false} : vector<512x128xf32>, vector<128x128xf32>, vector<512x128xf32> -> vector<512x128xf32>
    %get3A_28 = arith.constant 0 : index
    %get3A_29 = arith.constant 0 : index
    %get3A_30 = vector.load %arg8[%get3A_28, %get3A_29] : memref<1x128xf32, #tpu.memory_space<vmem>>, vector<1x128xf32>
    %add3A_31 = vector.broadcast %get3A_30 : vector<1x128xf32> to vector<512x128xf32>
    %add3A_32 = arith.addf %dot_general3A_27, %add3A_31 : vector<512x128xf32>
    %reshape3A_33 = vector.shape_cast %add3A_32 : vector<512x128xf32> to vector<1x512x128xf32>
    %swap3A = arith.constant 0 : index
    %swap3A_34 = arith.constant 0 : index
    %swap3A_35 = arith.constant 0 : index
    %swap3A_36 = vector.load %arg9[%swap3A, %swap3A_34, %swap3A_35] : memref<1x512x128xf32, #tpu.memory_space<vmem>>, vector<1x512x128xf32>
    tpu.vector_store %arg9[%swap3A, %swap3A_34, %swap3A_35], %reshape3A_33 {strides = array<i32>} : memref<1x512x128xf32, #tpu.memory_space<vmem>>, vector<1x512x128xf32>,
    return
  }
  func.func @transform_0(%arg0: i32, %arg1: i32) -> (i32, i32, i32) {
    %c0_i32 = arith.constant 0 : i32
    %c0_i32_0 = arith.constant 0 : i32
    return %arg0, %arg1, %c0_i32 : i32, i32, i32
  }
  func.func @transform_1(%arg0: i32, %arg1: i32) -> (i32, i32) {
    %c0_i32 = arith.constant 0 : i32
    %c0_i32_0 = arith.constant 0 : i32
    %c0_i32_1 = arith.constant 0 : i32
    return %c0_i32, %c0_i32_0 : i32, i32
  }
  func.func @transform_2(%arg0: i32, %arg1: i32) -> (i32, i32) {
    %c0_i32 = arith.constant 0 : i32
    %c0_i32_0 = arith.constant 0 : i32
    %c0_i32_1 = arith.constant 0 : i32
    return %c0_i32, %c0_i32_0 : i32, i32
  }
  func.func @transform_3(%arg0: i32, %arg1: i32) -> (i32, i32) {
    %c0_i32 = arith.constant 0 : i32
    %c0_i32_0 = arith.constant 0 : i32
    %c0_i32_1 = arith.constant 0 : i32
    return %c0_i32, %c0_i32_0 : i32, i32
  }
  func.func @transform_4(%arg0: i32, %arg1: i32) -> (i32, i32) {
    %c0_i32 = arith.constant 0 : i32
    %c0_i32_0 = arith.constant 0 : i32
    %c0_i32_1 = arith.constant 0 : i32
    return %c0_i32, %c0_i32_0 : i32, i32
  }
  func.func @transform_5(%arg0: i32, %arg1: i32) -> (i32, i32) {
    %c0_i32 = arith.constant 0 : i32
    %c0_i32_0 = arith.constant 0 : i32
    %c0_i32_1 = arith.constant 0 : i32
    return %c0_i32, %c0_i32_0 : i32, i32
  }
  func.func @transform_6(%arg0: i32, %arg1: i32) -> (i32, i32) {
    %c0_i32 = arith.constant 0 : i32
    %c0_i32_0 = arith.constant 0 : i32
    %c0_i32_1 = arith.constant 0 : i32
    return %c0_i32, %c0_i32_0 : i32, i32
  }
  func.func @transform_7(%arg0: i32, %arg1: i32) -> (i32, i32, i32) {
    %c0_i32 = arith.constant 0 : i32
    %c0_i32_0 = arith.constant 0 : i32
    return %arg0, %arg1, %c0_i32 : i32, i32, i32
  }
}

module attributes {stable_mosaic.version = 14 : i64} {
  func.func @_fin_body(%arg0: i32, %arg1: i32, %arg2: memref<1x512x128xf32, #tpu.memory_space<vmem>>, %arg3: memref<1x128xf32, #tpu.memory_space<vmem>>, %arg4: memref<1x128xf32, #tpu.memory_space<vmem>>, %arg5: memref<1x128xf32, #tpu.memory_space<vmem>>, %arg6: memref<1x128xf32, #tpu.memory_space<vmem>>, %arg7: memref<1x512x128xf32, #tpu.memory_space<vmem>>) attributes {dimension_semantics = [#tpu.dimension_semantics<arbitrary>, #tpu.dimension_semantics<arbitrary>], iteration_bounds = array<i64: 8, 1>, scalar_prefetch = 0 : i64, scratch_operands = 0 : i64, tpu.core_type = #tpu.core_type<tc>, window_params = [{transform_indices = @transform_0, window_bounds = array<i64: 1, 512, 128>}, {pipeline_mode = #tpu.pipeline_mode<synchronous>, transform_indices = @transform_1, window_bounds = array<i64: 1, 128>}, {pipeline_mode = #tpu.pipeline_mode<synchronous>, transform_indices = @transform_2, window_bounds = array<i64: 1, 128>}, {pipeline_mode = #tpu.pipeline_mode<synchronous>, transform_indices = @transform_3, window_bounds = array<i64: 1, 128>}, {pipeline_mode = #tpu.pipeline_mode<synchronous>, transform_indices = @transform_4, window_bounds = array<i64: 1, 128>}, {transform_indices = @transform_5, window_bounds = array<i64: 1, 512, 128>}]} {
    %get3A = arith.constant 0 : index
    %get3A_0 = arith.constant 0 : index
    %get3A_1 = arith.constant 0 : index
    %get3A_2 = vector.load %arg2[%get3A, %get3A_0, %get3A_1] : memref<1x512x128xf32, #tpu.memory_space<vmem>>, vector<1x512x128xf32>
    %reshape3A = vector.shape_cast %get3A_2 : vector<1x512x128xf32> to vector<512x128xf32>
    %get3A_3 = arith.constant 0 : index
    %get3A_4 = arith.constant 0 : index
    %get3A_5 = vector.load %arg5[%get3A_3, %get3A_4] : memref<1x128xf32, #tpu.memory_space<vmem>>, vector<1x128xf32>
    %get3A_6 = arith.constant 0 : index
    %get3A_7 = arith.constant 0 : index
    %get3A_8 = vector.load %arg3[%get3A_6, %get3A_7] : memref<1x128xf32, #tpu.memory_space<vmem>>, vector<1x128xf32>
    %sub3A = vector.broadcast %get3A_8 : vector<1x128xf32> to vector<512x128xf32>
    %sub3A_9 = arith.subf %reshape3A, %sub3A : vector<512x128xf32>
    %mul3A = vector.broadcast %get3A_5 : vector<1x128xf32> to vector<512x128xf32>
    %mul3A_10 = arith.mulf %mul3A, %sub3A_9 : vector<512x128xf32>
    %get3A_11 = arith.constant 0 : index
    %get3A_12 = arith.constant 0 : index
    %get3A_13 = vector.load %arg4[%get3A_11, %get3A_12] : memref<1x128xf32, #tpu.memory_space<vmem>>, vector<1x128xf32>
    %add3A = arith.constant 9.99999974E-6 : f32
    %add3A_14 = vector.broadcast %add3A : f32 to vector<1x128xf32>
    %add3A_15 = arith.addf %get3A_13, %add3A_14 : vector<1x128xf32>
    %sqrt3A = math.sqrt %add3A_15 : vector<1x128xf32>
    %div3A = vector.broadcast %sqrt3A : vector<1x128xf32> to vector<512x128xf32>
    %div3A_16 = arith.divf %mul3A_10, %div3A : vector<512x128xf32>
    %get3A_17 = arith.constant 0 : index
    %get3A_18 = arith.constant 0 : index
    %get3A_19 = vector.load %arg6[%get3A_17, %get3A_18] : memref<1x128xf32, #tpu.memory_space<vmem>>, vector<1x128xf32>
    %add3A_20 = vector.broadcast %get3A_19 : vector<1x128xf32> to vector<512x128xf32>
    %add3A_21 = arith.addf %div3A_16, %add3A_20 : vector<512x128xf32>
    %max3A = arith.constant 0.000000e+00 : f32
    %max3A_22 = vector.broadcast %max3A : f32 to vector<512x128xf32>
    %max3A_23 = arith.maximumf %add3A_21, %max3A_22 : vector<512x128xf32>
    %reshape3A_24 = vector.shape_cast %max3A_23 : vector<512x128xf32> to vector<1x512x128xf32>
    %swap3A = arith.constant 0 : index
    %swap3A_25 = arith.constant 0 : index
    %swap3A_26 = arith.constant 0 : index
    %swap3A_27 = vector.load %arg7[%swap3A, %swap3A_25, %swap3A_26] : memref<1x512x128xf32, #tpu.memory_space<vmem>>, vector<1x512x128xf32>
    tpu.vector_store %arg7[%swap3A, %swap3A_25, %swap3A_26], %reshape3A_24 {strides = array<i32>} : memref<1x512x128xf32, #tpu.memory_space<vmem>>, vector<1x512x128xf32>,
    return
  }
  func.func @transform_0(%arg0: i32, %arg1: i32) -> (i32, i32, i32) {
    %c0_i32 = arith.constant 0 : i32
    %c0_i32_0 = arith.constant 0 : i32
    return %arg0, %arg1, %c0_i32 : i32, i32, i32
  }
  func.func @transform_1(%arg0: i32, %arg1: i32) -> (i32, i32) {
    %c0_i32 = arith.constant 0 : i32
    %c0_i32_0 = arith.constant 0 : i32
    %c0_i32_1 = arith.constant 0 : i32
    return %c0_i32, %c0_i32_0 : i32, i32
  }
  func.func @transform_2(%arg0: i32, %arg1: i32) -> (i32, i32) {
    %c0_i32 = arith.constant 0 : i32
    %c0_i32_0 = arith.constant 0 : i32
    %c0_i32_1 = arith.constant 0 : i32
    return %c0_i32, %c0_i32_0 : i32, i32
  }
  func.func @transform_3(%arg0: i32, %arg1: i32) -> (i32, i32) {
    %c0_i32 = arith.constant 0 : i32
    %c0_i32_0 = arith.constant 0 : i32
    %c0_i32_1 = arith.constant 0 : i32
    return %c0_i32, %c0_i32_0 : i32, i32
  }
  func.func @transform_4(%arg0: i32, %arg1: i32) -> (i32, i32) {
    %c0_i32 = arith.constant 0 : i32
    %c0_i32_0 = arith.constant 0 : i32
    %c0_i32_1 = arith.constant 0 : i32
    return %c0_i32, %c0_i32_0 : i32, i32
  }
  func.func @transform_5(%arg0: i32, %arg1: i32) -> (i32, i32, i32) {
    %c0_i32 = arith.constant 0 : i32
    %c0_i32_0 = arith.constant 0 : i32
    return %arg0, %arg1, %c0_i32 : i32, i32, i32
  }
}

module attributes {stable_mosaic.version = 14 : i64} {
  func.func @_interp_body(%arg0: i32, %arg1: memref<1x4096x3xi32, #tpu.memory_space<vmem>>, %arg2: memref<1x4096x3xf32, #tpu.memory_space<vmem>>, %arg3: memref<1x512x128xf32, #tpu.memory_space<vmem>>, %arg4: memref<1x4096x128xf32, #tpu.memory_space<vmem>>) attributes {dimension_semantics = [#tpu.dimension_semantics<arbitrary>], iteration_bounds = array<i64: 8>, scalar_prefetch = 0 : i64, scratch_operands = 0 : i64, tpu.core_type = #tpu.core_type<tc>, window_params = [{transform_indices = @transform_0, window_bounds = array<i64: 1, 4096, 3>}, {transform_indices = @transform_1, window_bounds = array<i64: 1, 4096, 3>}, {transform_indices = @transform_2, window_bounds = array<i64: 1, 512, 128>}, {transform_indices = @transform_3, window_bounds = array<i64: 1, 4096, 128>}]} {
    %get3A = arith.constant 0 : index
    %get3A_0 = arith.constant 0 : index
    %get3A_1 = arith.constant 0 : index
    %get3A_2 = vector.load %arg1[%get3A, %get3A_0, %get3A_1] : memref<1x4096x3xi32, #tpu.memory_space<vmem>>, vector<1x4096x3xi32>
    %get3A_3 = vector.shape_cast %get3A_2 : vector<1x4096x3xi32> to vector<4096x3xi32>
    %get3A_4 = arith.constant 0 : index
    %get3A_5 = arith.constant 0 : index
    %get3A_6 = arith.constant 0 : index
    %get3A_7 = vector.load %arg2[%get3A_4, %get3A_5, %get3A_6] : memref<1x4096x3xf32, #tpu.memory_space<vmem>>, vector<1x4096x3xf32>
    %get3A_8 = vector.shape_cast %get3A_7 : vector<1x4096x3xf32> to vector<4096x3xf32>
    %get3A_9 = arith.constant 0 : index
    %get3A_10 = arith.constant 0 : index
    %get3A_11 = arith.constant 0 : index
    %get3A_12 = vector.load %arg3[%get3A_9, %get3A_10, %get3A_11] : memref<1x512x128xf32, #tpu.memory_space<vmem>>, vector<1x512x128xf32>
    %get3A_13 = vector.shape_cast %get3A_12 : vector<1x512x128xf32> to vector<512x128xf32>
    %iota3A = tpu.iota {dimensions = array<i32: 1>} : vector<4096x512xi32>
    %broadcast_in_dim3A = arith.constant 0.000000e+00 : f32
    %broadcast_in_dim3A_14 = vector.broadcast %broadcast_in_dim3A : f32 to vector<4096x128xf32>
    %slice3A = vector.extract_strided_slice %get3A_3 {offsets = [0, 0], sizes = [4096, 1], strides = [1, 1]} : vector<4096x3xi32> to vector<4096x1xi32>
    %eq3A = vector.broadcast %slice3A : vector<4096x1xi32> to vector<4096x512xi32>
    %eq3A_15 = arith.cmpi eq, %iota3A, %eq3A : vector<4096x512xi32>
    %convert_element_type3A = arith.extui %eq3A_15 : vector<4096x512xi1> to vector<4096x512xi32>
    %convert_element_type3A_16 = arith.sitofp %convert_element_type3A : vector<4096x512xi32> to vector<4096x512xf32>
    %slice3A_17 = vector.extract_strided_slice %get3A_8 {offsets = [0, 0], sizes = [4096, 1], strides = [1, 1]} : vector<4096x3xf32> to vector<4096x1xf32>
    %dot_general3A = arith.constant dense<0.000000e+00> : vector<4096x128xf32>
    %dot_general3A_18 = tpu.matmul %convert_element_type3A_16, %get3A_13, %dot_general3A {dimension_numbers = #tpu.dot_dimension_numbers<[1], [0], [0], [1], [0, 0, 1, 1], [], []>, precision = #tpu.contract_precision<fp32>, transpose_lhs_hint = false} : vector<4096x512xf32>, vector<512x128xf32>, vector<4096x128xf32> -> vector<4096x128xf32>
    %mul3A = vector.broadcast %slice3A_17 : vector<4096x1xf32> to vector<4096x128xf32>
    %mul3A_19 = arith.mulf %mul3A, %dot_general3A_18 : vector<4096x128xf32>
    %add3A = arith.addf %broadcast_in_dim3A_14, %mul3A_19 : vector<4096x128xf32>
    %slice3A_20 = vector.extract_strided_slice %get3A_3 {offsets = [0, 1], sizes = [4096, 1], strides = [1, 1]} : vector<4096x3xi32> to vector<4096x1xi32>
    %eq3A_21 = vector.broadcast %slice3A_20 : vector<4096x1xi32> to vector<4096x512xi32>
    %eq3A_22 = arith.cmpi eq, %iota3A, %eq3A_21 : vector<4096x512xi32>
    %convert_element_type3A_23 = arith.extui %eq3A_22 : vector<4096x512xi1> to vector<4096x512xi32>
    %convert_element_type3A_24 = arith.sitofp %convert_element_type3A_23 : vector<4096x512xi32> to vector<4096x512xf32>
    %slice3A_25 = vector.extract_strided_slice %get3A_8 {offsets = [0, 1], sizes = [4096, 1], strides = [1, 1]} : vector<4096x3xf32> to vector<4096x1xf32>
    %dot_general3A_26 = arith.constant dense<0.000000e+00> : vector<4096x128xf32>
    %dot_general3A_27 = tpu.matmul %convert_element_type3A_24, %get3A_13, %dot_general3A_26 {dimension_numbers = #tpu.dot_dimension_numbers<[1], [0], [0], [1], [0, 0, 1, 1], [], []>, precision = #tpu.contract_precision<fp32>, transpose_lhs_hint = false} : vector<4096x512xf32>, vector<512x128xf32>, vector<4096x128xf32> -> vector<4096x128xf32>
    %mul3A_28 = vector.broadcast %slice3A_25 : vector<4096x1xf32> to vector<4096x128xf32>
    %mul3A_29 = arith.mulf %mul3A_28, %dot_general3A_27 : vector<4096x128xf32>
    %add3A_30 = arith.addf %add3A, %mul3A_29 : vector<4096x128xf32>
    %slice3A_31 = vector.extract_strided_slice %get3A_3 {offsets = [0, 2], sizes = [4096, 1], strides = [1, 1]} : vector<4096x3xi32> to vector<4096x1xi32>
    %eq3A_32 = vector.broadcast %slice3A_31 : vector<4096x1xi32> to vector<4096x512xi32>
    %eq3A_33 = arith.cmpi eq, %iota3A, %eq3A_32 : vector<4096x512xi32>
    %convert_element_type3A_34 = arith.extui %eq3A_33 : vector<4096x512xi1> to vector<4096x512xi32>
    %convert_element_type3A_35 = arith.sitofp %convert_element_type3A_34 : vector<4096x512xi32> to vector<4096x512xf32>
    %slice3A_36 = vector.extract_strided_slice %get3A_8 {offsets = [0, 2], sizes = [4096, 1], strides = [1, 1]} : vector<4096x3xf32> to vector<4096x1xf32>
    %dot_general3A_37 = arith.constant dense<0.000000e+00> : vector<4096x128xf32>
    %dot_general3A_38 = tpu.matmul %convert_element_type3A_35, %get3A_13, %dot_general3A_37 {dimension_numbers = #tpu.dot_dimension_numbers<[1], [0], [0], [1], [0, 0, 1, 1], [], []>, precision = #tpu.contract_precision<fp32>, transpose_lhs_hint = false} : vector<4096x512xf32>, vector<512x128xf32>, vector<4096x128xf32> -> vector<4096x128xf32>
    %mul3A_39 = vector.broadcast %slice3A_36 : vector<4096x1xf32> to vector<4096x128xf32>
    %mul3A_40 = arith.mulf %mul3A_39, %dot_general3A_38 : vector<4096x128xf32>
    %add3A_41 = arith.addf %add3A_30, %mul3A_40 : vector<4096x128xf32>
    %reshape3A = vector.shape_cast %add3A_41 : vector<4096x128xf32> to vector<1x4096x128xf32>
    %swap3A = arith.constant 0 : index
    %swap3A_42 = arith.constant 0 : index
    %swap3A_43 = arith.constant 0 : index
    %swap3A_44 = vector.load %arg4[%swap3A, %swap3A_42, %swap3A_43] : memref<1x4096x128xf32, #tpu.memory_space<vmem>>, vector<1x4096x128xf32>
    tpu.vector_store %arg4[%swap3A, %swap3A_42, %swap3A_43], %reshape3A {strides = array<i32>} : memref<1x4096x128xf32, #tpu.memory_space<vmem>>, vector<1x4096x128xf32>,
    return
  }
  func.func @transform_0(%arg0: i32) -> (i32, i32, i32) {
    %c0_i32 = arith.constant 0 : i32
    %c0_i32_0 = arith.constant 0 : i32
    %c0_i32_1 = arith.constant 0 : i32
    return %arg0, %c0_i32, %c0_i32_0 : i32, i32, i32
  }
  func.func @transform_1(%arg0: i32) -> (i32, i32, i32) {
    %c0_i32 = arith.constant 0 : i32
    %c0_i32_0 = arith.constant 0 : i32
    %c0_i32_1 = arith.constant 0 : i32
    return %arg0, %c0_i32, %c0_i32_0 : i32, i32, i32
  }
  func.func @transform_2(%arg0: i32) -> (i32, i32, i32) {
    %c0_i32 = arith.constant 0 : i32
    %c0_i32_0 = arith.constant 0 : i32
    %c0_i32_1 = arith.constant 0 : i32
    return %arg0, %c0_i32, %c0_i32_0 : i32, i32, i32
  }
  func.func @transform_3(%arg0: i32) -> (i32, i32, i32) {
    %c0_i32 = arith.constant 0 : i32
    %c0_i32_0 = arith.constant 0 : i32
    %c0_i32_1 = arith.constant 0 : i32
    return %arg0, %c0_i32, %c0_i32_0 : i32, i32, i32
  }
}

module attributes {stable_mosaic.version = 14 : i64} {
  func.func @_lin0_body(%arg0: i32, %arg1: i32, %arg2: memref<1x2048x128xf32, #tpu.memory_space<vmem>>, %arg3: memref<128x128xf32, #tpu.memory_space<vmem>>, %arg4: memref<1x128xf32, #tpu.memory_space<vmem>>, %arg5: memref<1x2048x128xf32, #tpu.memory_space<vmem>>) attributes {dimension_semantics = [#tpu.dimension_semantics<arbitrary>, #tpu.dimension_semantics<arbitrary>], iteration_bounds = array<i64: 8, 2>, scalar_prefetch = 0 : i64, scratch_operands = 0 : i64, tpu.core_type = #tpu.core_type<tc>, window_params = [{transform_indices = @transform_0, window_bounds = array<i64: 1, 2048, 128>}, {pipeline_mode = #tpu.pipeline_mode<synchronous>, transform_indices = @transform_1, window_bounds = array<i64: 128, 128>}, {pipeline_mode = #tpu.pipeline_mode<synchronous>, transform_indices = @transform_2, window_bounds = array<i64: 1, 128>}, {transform_indices = @transform_3, window_bounds = array<i64: 1, 2048, 128>}]} {
    %get3A = arith.constant 0 : index
    %get3A_0 = arith.constant 0 : index
    %get3A_1 = arith.constant 0 : index
    %get3A_2 = vector.load %arg2[%get3A, %get3A_0, %get3A_1] : memref<1x2048x128xf32, #tpu.memory_space<vmem>>, vector<1x2048x128xf32>
    %reshape3A = vector.shape_cast %get3A_2 : vector<1x2048x128xf32> to vector<2048x128xf32>
    %get3A_3 = arith.constant 0 : index
    %get3A_4 = arith.constant 0 : index
    %get3A_5 = vector.load %arg3[%get3A_3, %get3A_4] : memref<128x128xf32, #tpu.memory_space<vmem>>, vector<128x128xf32>
    %dot_general3A = arith.constant dense<0.000000e+00> : vector<2048x128xf32>
    %dot_general3A_6 = tpu.matmul %reshape3A, %get3A_5, %dot_general3A {dimension_numbers = #tpu.dot_dimension_numbers<[1], [0], [0], [1], [0, 0, 1, 1], [], []>, transpose_lhs_hint = false} : vector<2048x128xf32>, vector<128x128xf32>, vector<2048x128xf32> -> vector<2048x128xf32>
    %get3A_7 = arith.constant 0 : index
    %get3A_8 = arith.constant 0 : index
    %get3A_9 = vector.load %arg4[%get3A_7, %get3A_8] : memref<1x128xf32, #tpu.memory_space<vmem>>, vector<1x128xf32>
    %add3A = vector.broadcast %get3A_9 : vector<1x128xf32> to vector<2048x128xf32>
    %add3A_10 = arith.addf %dot_general3A_6, %add3A : vector<2048x128xf32>
    %reshape3A_11 = vector.shape_cast %add3A_10 : vector<2048x128xf32> to vector<1x2048x128xf32>
    %swap3A = arith.constant 0 : index
    %swap3A_12 = arith.constant 0 : index
    %swap3A_13 = arith.constant 0 : index
    %swap3A_14 = vector.load %arg5[%swap3A, %swap3A_12, %swap3A_13] : memref<1x2048x128xf32, #tpu.memory_space<vmem>>, vector<1x2048x128xf32>
    tpu.vector_store %arg5[%swap3A, %swap3A_12, %swap3A_13], %reshape3A_11 {strides = array<i32>} : memref<1x2048x128xf32, #tpu.memory_space<vmem>>, vector<1x2048x128xf32>,
    return
  }
  func.func @transform_0(%arg0: i32, %arg1: i32) -> (i32, i32, i32) {
    %c0_i32 = arith.constant 0 : i32
    %c0_i32_0 = arith.constant 0 : i32
    return %arg0, %arg1, %c0_i32 : i32, i32, i32
  }
  func.func @transform_1(%arg0: i32, %arg1: i32) -> (i32, i32) {
    %c0_i32 = arith.constant 0 : i32
    %c0_i32_0 = arith.constant 0 : i32
    %c0_i32_1 = arith.constant 0 : i32
    return %c0_i32, %c0_i32_0 : i32, i32
  }
  func.func @transform_2(%arg0: i32, %arg1: i32) -> (i32, i32) {
    %c0_i32 = arith.constant 0 : i32
    %c0_i32_0 = arith.constant 0 : i32
    %c0_i32_1 = arith.constant 0 : i32
    return %c0_i32, %c0_i32_0 : i32, i32
  }
  func.func @transform_3(%arg0: i32, %arg1: i32) -> (i32, i32, i32) {
    %c0_i32 = arith.constant 0 : i32
    %c0_i32_0 = arith.constant 0 : i32
    return %arg0, %arg1, %c0_i32 : i32, i32, i32
  }
}

module attributes {stable_mosaic.version = 14 : i64} {
  func.func @_mid_body(%arg0: i32, %arg1: i32, %arg2: memref<1x2048x128xf32, #tpu.memory_space<vmem>>, %arg3: memref<1x128xf32, #tpu.memory_space<vmem>>, %arg4: memref<1x128xf32, #tpu.memory_space<vmem>>, %arg5: memref<1x128xf32, #tpu.memory_space<vmem>>, %arg6: memref<1x128xf32, #tpu.memory_space<vmem>>, %arg7: memref<128x128xf32, #tpu.memory_space<vmem>>, %arg8: memref<1x128xf32, #tpu.memory_space<vmem>>, %arg9: memref<1x2048x128xf32, #tpu.memory_space<vmem>>) attributes {dimension_semantics = [#tpu.dimension_semantics<arbitrary>, #tpu.dimension_semantics<arbitrary>], iteration_bounds = array<i64: 8, 2>, scalar_prefetch = 0 : i64, scratch_operands = 0 : i64, tpu.core_type = #tpu.core_type<tc>, window_params = [{transform_indices = @transform_0, window_bounds = array<i64: 1, 2048, 128>}, {pipeline_mode = #tpu.pipeline_mode<synchronous>, transform_indices = @transform_1, window_bounds = array<i64: 1, 128>}, {pipeline_mode = #tpu.pipeline_mode<synchronous>, transform_indices = @transform_2, window_bounds = array<i64: 1, 128>}, {pipeline_mode = #tpu.pipeline_mode<synchronous>, transform_indices = @transform_3, window_bounds = array<i64: 1, 128>}, {pipeline_mode = #tpu.pipeline_mode<synchronous>, transform_indices = @transform_4, window_bounds = array<i64: 1, 128>}, {pipeline_mode = #tpu.pipeline_mode<synchronous>, transform_indices = @transform_5, window_bounds = array<i64: 128, 128>}, {pipeline_mode = #tpu.pipeline_mode<synchronous>, transform_indices = @transform_6, window_bounds = array<i64: 1, 128>}, {transform_indices = @transform_7, window_bounds = array<i64: 1, 2048, 128>}]} {
    %get3A = arith.constant 0 : index
    %get3A_0 = arith.constant 0 : index
    %get3A_1 = arith.constant 0 : index
    %get3A_2 = vector.load %arg2[%get3A, %get3A_0, %get3A_1] : memref<1x2048x128xf32, #tpu.memory_space<vmem>>, vector<1x2048x128xf32>
    %reshape3A = vector.shape_cast %get3A_2 : vector<1x2048x128xf32> to vector<2048x128xf32>
    %get3A_3 = arith.constant 0 : index
    %get3A_4 = arith.constant 0 : index
    %get3A_5 = vector.load %arg5[%get3A_3, %get3A_4] : memref<1x128xf32, #tpu.memory_space<vmem>>, vector<1x128xf32>
    %get3A_6 = arith.constant 0 : index
    %get3A_7 = arith.constant 0 : index
    %get3A_8 = vector.load %arg3[%get3A_6, %get3A_7] : memref<1x128xf32, #tpu.memory_space<vmem>>, vector<1x128xf32>
    %sub3A = vector.broadcast %get3A_8 : vector<1x128xf32> to vector<2048x128xf32>
    %sub3A_9 = arith.subf %reshape3A, %sub3A : vector<2048x128xf32>
    %mul3A = vector.broadcast %get3A_5 : vector<1x128xf32> to vector<2048x128xf32>
    %mul3A_10 = arith.mulf %mul3A, %sub3A_9 : vector<2048x128xf32>
    %get3A_11 = arith.constant 0 : index
    %get3A_12 = arith.constant 0 : index
    %get3A_13 = vector.load %arg4[%get3A_11, %get3A_12] : memref<1x128xf32, #tpu.memory_space<vmem>>, vector<1x128xf32>
    %add3A = arith.constant 9.99999974E-6 : f32
    %add3A_14 = vector.broadcast %add3A : f32 to vector<1x128xf32>
    %add3A_15 = arith.addf %get3A_13, %add3A_14 : vector<1x128xf32>
    %sqrt3A = math.sqrt %add3A_15 : vector<1x128xf32>
    %div3A = vector.broadcast %sqrt3A : vector<1x128xf32> to vector<2048x128xf32>
    %div3A_16 = arith.divf %mul3A_10, %div3A : vector<2048x128xf32>
    %get3A_17 = arith.constant 0 : index
    %get3A_18 = arith.constant 0 : index
    %get3A_19 = vector.load %arg6[%get3A_17, %get3A_18] : memref<1x128xf32, #tpu.memory_space<vmem>>, vector<1x128xf32>
    %add3A_20 = vector.broadcast %get3A_19 : vector<1x128xf32> to vector<2048x128xf32>
    %add3A_21 = arith.addf %div3A_16, %add3A_20 : vector<2048x128xf32>
    %max3A = arith.constant 0.000000e+00 : f32
    %max3A_22 = vector.broadcast %max3A : f32 to vector<2048x128xf32>
    %max3A_23 = arith.maximumf %add3A_21, %max3A_22 : vector<2048x128xf32>
    %get3A_24 = arith.constant 0 : index
    %get3A_25 = arith.constant 0 : index
    %get3A_26 = vector.load %arg7[%get3A_24, %get3A_25] : memref<128x128xf32, #tpu.memory_space<vmem>>, vector<128x128xf32>
    %dot_general3A = arith.constant dense<0.000000e+00> : vector<2048x128xf32>
    %dot_general3A_27 = tpu.matmul %max3A_23, %get3A_26, %dot_general3A {dimension_numbers = #tpu.dot_dimension_numbers<[1], [0], [0], [1], [0, 0, 1, 1], [], []>, transpose_lhs_hint = false} : vector<2048x128xf32>, vector<128x128xf32>, vector<2048x128xf32> -> vector<2048x128xf32>
    %get3A_28 = arith.constant 0 : index
    %get3A_29 = arith.constant 0 : index
    %get3A_30 = vector.load %arg8[%get3A_28, %get3A_29] : memref<1x128xf32, #tpu.memory_space<vmem>>, vector<1x128xf32>
    %add3A_31 = vector.broadcast %get3A_30 : vector<1x128xf32> to vector<2048x128xf32>
    %add3A_32 = arith.addf %dot_general3A_27, %add3A_31 : vector<2048x128xf32>
    %reshape3A_33 = vector.shape_cast %add3A_32 : vector<2048x128xf32> to vector<1x2048x128xf32>
    %swap3A = arith.constant 0 : index
    %swap3A_34 = arith.constant 0 : index
    %swap3A_35 = arith.constant 0 : index
    %swap3A_36 = vector.load %arg9[%swap3A, %swap3A_34, %swap3A_35] : memref<1x2048x128xf32, #tpu.memory_space<vmem>>, vector<1x2048x128xf32>
    tpu.vector_store %arg9[%swap3A, %swap3A_34, %swap3A_35], %reshape3A_33 {strides = array<i32>} : memref<1x2048x128xf32, #tpu.memory_space<vmem>>, vector<1x2048x128xf32>,
    return
  }
  func.func @transform_0(%arg0: i32, %arg1: i32) -> (i32, i32, i32) {
    %c0_i32 = arith.constant 0 : i32
    %c0_i32_0 = arith.constant 0 : i32
    return %arg0, %arg1, %c0_i32 : i32, i32, i32
  }
  func.func @transform_1(%arg0: i32, %arg1: i32) -> (i32, i32) {
    %c0_i32 = arith.constant 0 : i32
    %c0_i32_0 = arith.constant 0 : i32
    %c0_i32_1 = arith.constant 0 : i32
    return %c0_i32, %c0_i32_0 : i32, i32
  }
  func.func @transform_2(%arg0: i32, %arg1: i32) -> (i32, i32) {
    %c0_i32 = arith.constant 0 : i32
    %c0_i32_0 = arith.constant 0 : i32
    %c0_i32_1 = arith.constant 0 : i32
    return %c0_i32, %c0_i32_0 : i32, i32
  }
  func.func @transform_3(%arg0: i32, %arg1: i32) -> (i32, i32) {
    %c0_i32 = arith.constant 0 : i32
    %c0_i32_0 = arith.constant 0 : i32
    %c0_i32_1 = arith.constant 0 : i32
    return %c0_i32, %c0_i32_0 : i32, i32
  }
  func.func @transform_4(%arg0: i32, %arg1: i32) -> (i32, i32) {
    %c0_i32 = arith.constant 0 : i32
    %c0_i32_0 = arith.constant 0 : i32
    %c0_i32_1 = arith.constant 0 : i32
    return %c0_i32, %c0_i32_0 : i32, i32
  }
  func.func @transform_5(%arg0: i32, %arg1: i32) -> (i32, i32) {
    %c0_i32 = arith.constant 0 : i32
    %c0_i32_0 = arith.constant 0 : i32
    %c0_i32_1 = arith.constant 0 : i32
    return %c0_i32, %c0_i32_0 : i32, i32
  }
  func.func @transform_6(%arg0: i32, %arg1: i32) -> (i32, i32) {
    %c0_i32 = arith.constant 0 : i32
    %c0_i32_0 = arith.constant 0 : i32
    %c0_i32_1 = arith.constant 0 : i32
    return %c0_i32, %c0_i32_0 : i32, i32
  }
  func.func @transform_7(%arg0: i32, %arg1: i32) -> (i32, i32, i32) {
    %c0_i32 = arith.constant 0 : i32
    %c0_i32_0 = arith.constant 0 : i32
    return %arg0, %arg1, %c0_i32 : i32, i32, i32
  }
}

module attributes {stable_mosaic.version = 14 : i64} {
  func.func @_fin_body(%arg0: i32, %arg1: i32, %arg2: memref<1x2048x128xf32, #tpu.memory_space<vmem>>, %arg3: memref<1x128xf32, #tpu.memory_space<vmem>>, %arg4: memref<1x128xf32, #tpu.memory_space<vmem>>, %arg5: memref<1x128xf32, #tpu.memory_space<vmem>>, %arg6: memref<1x128xf32, #tpu.memory_space<vmem>>, %arg7: memref<1x2048x128xf32, #tpu.memory_space<vmem>>) attributes {dimension_semantics = [#tpu.dimension_semantics<arbitrary>, #tpu.dimension_semantics<arbitrary>], iteration_bounds = array<i64: 8, 2>, scalar_prefetch = 0 : i64, scratch_operands = 0 : i64, tpu.core_type = #tpu.core_type<tc>, window_params = [{transform_indices = @transform_0, window_bounds = array<i64: 1, 2048, 128>}, {pipeline_mode = #tpu.pipeline_mode<synchronous>, transform_indices = @transform_1, window_bounds = array<i64: 1, 128>}, {pipeline_mode = #tpu.pipeline_mode<synchronous>, transform_indices = @transform_2, window_bounds = array<i64: 1, 128>}, {pipeline_mode = #tpu.pipeline_mode<synchronous>, transform_indices = @transform_3, window_bounds = array<i64: 1, 128>}, {pipeline_mode = #tpu.pipeline_mode<synchronous>, transform_indices = @transform_4, window_bounds = array<i64: 1, 128>}, {transform_indices = @transform_5, window_bounds = array<i64: 1, 2048, 128>}]} {
    %get3A = arith.constant 0 : index
    %get3A_0 = arith.constant 0 : index
    %get3A_1 = arith.constant 0 : index
    %get3A_2 = vector.load %arg2[%get3A, %get3A_0, %get3A_1] : memref<1x2048x128xf32, #tpu.memory_space<vmem>>, vector<1x2048x128xf32>
    %reshape3A = vector.shape_cast %get3A_2 : vector<1x2048x128xf32> to vector<2048x128xf32>
    %get3A_3 = arith.constant 0 : index
    %get3A_4 = arith.constant 0 : index
    %get3A_5 = vector.load %arg5[%get3A_3, %get3A_4] : memref<1x128xf32, #tpu.memory_space<vmem>>, vector<1x128xf32>
    %get3A_6 = arith.constant 0 : index
    %get3A_7 = arith.constant 0 : index
    %get3A_8 = vector.load %arg3[%get3A_6, %get3A_7] : memref<1x128xf32, #tpu.memory_space<vmem>>, vector<1x128xf32>
    %sub3A = vector.broadcast %get3A_8 : vector<1x128xf32> to vector<2048x128xf32>
    %sub3A_9 = arith.subf %reshape3A, %sub3A : vector<2048x128xf32>
    %mul3A = vector.broadcast %get3A_5 : vector<1x128xf32> to vector<2048x128xf32>
    %mul3A_10 = arith.mulf %mul3A, %sub3A_9 : vector<2048x128xf32>
    %get3A_11 = arith.constant 0 : index
    %get3A_12 = arith.constant 0 : index
    %get3A_13 = vector.load %arg4[%get3A_11, %get3A_12] : memref<1x128xf32, #tpu.memory_space<vmem>>, vector<1x128xf32>
    %add3A = arith.constant 9.99999974E-6 : f32
    %add3A_14 = vector.broadcast %add3A : f32 to vector<1x128xf32>
    %add3A_15 = arith.addf %get3A_13, %add3A_14 : vector<1x128xf32>
    %sqrt3A = math.sqrt %add3A_15 : vector<1x128xf32>
    %div3A = vector.broadcast %sqrt3A : vector<1x128xf32> to vector<2048x128xf32>
    %div3A_16 = arith.divf %mul3A_10, %div3A : vector<2048x128xf32>
    %get3A_17 = arith.constant 0 : index
    %get3A_18 = arith.constant 0 : index
    %get3A_19 = vector.load %arg6[%get3A_17, %get3A_18] : memref<1x128xf32, #tpu.memory_space<vmem>>, vector<1x128xf32>
    %add3A_20 = vector.broadcast %get3A_19 : vector<1x128xf32> to vector<2048x128xf32>
    %add3A_21 = arith.addf %div3A_16, %add3A_20 : vector<2048x128xf32>
    %max3A = arith.constant 0.000000e+00 : f32
    %max3A_22 = vector.broadcast %max3A : f32 to vector<2048x128xf32>
    %max3A_23 = arith.maximumf %add3A_21, %max3A_22 : vector<2048x128xf32>
    %reshape3A_24 = vector.shape_cast %max3A_23 : vector<2048x128xf32> to vector<1x2048x128xf32>
    %swap3A = arith.constant 0 : index
    %swap3A_25 = arith.constant 0 : index
    %swap3A_26 = arith.constant 0 : index
    %swap3A_27 = vector.load %arg7[%swap3A, %swap3A_25, %swap3A_26] : memref<1x2048x128xf32, #tpu.memory_space<vmem>>, vector<1x2048x128xf32>
    tpu.vector_store %arg7[%swap3A, %swap3A_25, %swap3A_26], %reshape3A_24 {strides = array<i32>} : memref<1x2048x128xf32, #tpu.memory_space<vmem>>, vector<1x2048x128xf32>,
    return
  }
  func.func @transform_0(%arg0: i32, %arg1: i32) -> (i32, i32, i32) {
    %c0_i32 = arith.constant 0 : i32
    %c0_i32_0 = arith.constant 0 : i32
    return %arg0, %arg1, %c0_i32 : i32, i32, i32
  }
  func.func @transform_1(%arg0: i32, %arg1: i32) -> (i32, i32) {
    %c0_i32 = arith.constant 0 : i32
    %c0_i32_0 = arith.constant 0 : i32
    %c0_i32_1 = arith.constant 0 : i32
    return %c0_i32, %c0_i32_0 : i32, i32
  }
  func.func @transform_2(%arg0: i32, %arg1: i32) -> (i32, i32) {
    %c0_i32 = arith.constant 0 : i32
    %c0_i32_0 = arith.constant 0 : i32
    %c0_i32_1 = arith.constant 0 : i32
    return %c0_i32, %c0_i32_0 : i32, i32
  }
  func.func @transform_3(%arg0: i32, %arg1: i32) -> (i32, i32) {
    %c0_i32 = arith.constant 0 : i32
    %c0_i32_0 = arith.constant 0 : i32
    %c0_i32_1 = arith.constant 0 : i32
    return %c0_i32, %c0_i32_0 : i32, i32
  }
  func.func @transform_4(%arg0: i32, %arg1: i32) -> (i32, i32) {
    %c0_i32 = arith.constant 0 : i32
    %c0_i32_0 = arith.constant 0 : i32
    %c0_i32_1 = arith.constant 0 : i32
    return %c0_i32, %c0_i32_0 : i32, i32
  }
  func.func @transform_5(%arg0: i32, %arg1: i32) -> (i32, i32, i32) {
    %c0_i32 = arith.constant 0 : i32
    %c0_i32_0 = arith.constant 0 : i32
    return %arg0, %arg1, %c0_i32 : i32, i32, i32
  }
}

module attributes {stable_mosaic.version = 14 : i64} {
  func.func @_finhead_body(%arg0: i32, %arg1: i32, %arg2: memref<1x2048x128xf32, #tpu.memory_space<vmem>>, %arg3: memref<1x128xf32, #tpu.memory_space<vmem>>, %arg4: memref<1x128xf32, #tpu.memory_space<vmem>>, %arg5: memref<1x128xf32, #tpu.memory_space<vmem>>, %arg6: memref<1x128xf32, #tpu.memory_space<vmem>>, %arg7: memref<128x3xf32, #tpu.memory_space<vmem>>, %arg8: memref<1x3xf32, #tpu.memory_space<vmem>>, %arg9: memref<128x3xf32, #tpu.memory_space<vmem>>, %arg10: memref<1x3xf32, #tpu.memory_space<vmem>>, %arg11: memref<1x2048x3xf32, #tpu.memory_space<vmem>>, %arg12: memref<1x2048x3xf32, #tpu.memory_space<vmem>>) attributes {dimension_semantics = [#tpu.dimension_semantics<arbitrary>, #tpu.dimension_semantics<arbitrary>], iteration_bounds = array<i64: 8, 2>, scalar_prefetch = 0 : i64, scratch_operands = 0 : i64, tpu.core_type = #tpu.core_type<tc>, window_params = [{transform_indices = @transform_0, window_bounds = array<i64: 1, 2048, 128>}, {pipeline_mode = #tpu.pipeline_mode<synchronous>, transform_indices = @transform_1, window_bounds = array<i64: 1, 128>}, {pipeline_mode = #tpu.pipeline_mode<synchronous>, transform_indices = @transform_2, window_bounds = array<i64: 1, 128>}, {pipeline_mode = #tpu.pipeline_mode<synchronous>, transform_indices = @transform_3, window_bounds = array<i64: 1, 128>}, {pipeline_mode = #tpu.pipeline_mode<synchronous>, transform_indices = @transform_4, window_bounds = array<i64: 1, 128>}, {pipeline_mode = #tpu.pipeline_mode<synchronous>, transform_indices = @transform_5, window_bounds = array<i64: 128, 3>}, {pipeline_mode = #tpu.pipeline_mode<synchronous>, transform_indices = @transform_6, window_bounds = array<i64: 1, 3>}, {pipeline_mode = #tpu.pipeline_mode<synchronous>, transform_indices = @transform_7, window_bounds = array<i64: 128, 3>}, {pipeline_mode = #tpu.pipeline_mode<synchronous>, transform_indices = @transform_8, window_bounds = array<i64: 1, 3>}, {transform_indices = @transform_9, window_bounds = array<i64: 1, 2048, 3>}, {transform_indices = @transform_10, window_bounds = array<i64: 1, 2048, 3>}]} {
    %get3A = arith.constant 0 : index
    %get3A_0 = arith.constant 0 : index
    %get3A_1 = arith.constant 0 : index
    %get3A_2 = vector.load %arg2[%get3A, %get3A_0, %get3A_1] : memref<1x2048x128xf32, #tpu.memory_space<vmem>>, vector<1x2048x128xf32>
    %reshape3A = vector.shape_cast %get3A_2 : vector<1x2048x128xf32> to vector<2048x128xf32>
    %get3A_3 = arith.constant 0 : index
    %get3A_4 = arith.constant 0 : index
    %get3A_5 = vector.load %arg5[%get3A_3, %get3A_4] : memref<1x128xf32, #tpu.memory_space<vmem>>, vector<1x128xf32>
    %get3A_6 = arith.constant 0 : index
    %get3A_7 = arith.constant 0 : index
    %get3A_8 = vector.load %arg3[%get3A_6, %get3A_7] : memref<1x128xf32, #tpu.memory_space<vmem>>, vector<1x128xf32>
    %sub3A = vector.broadcast %get3A_8 : vector<1x128xf32> to vector<2048x128xf32>
    %sub3A_9 = arith.subf %reshape3A, %sub3A : vector<2048x128xf32>
    %mul3A = vector.broadcast %get3A_5 : vector<1x128xf32> to vector<2048x128xf32>
    %mul3A_10 = arith.mulf %mul3A, %sub3A_9 : vector<2048x128xf32>
    %get3A_11 = arith.constant 0 : index
    %get3A_12 = arith.constant 0 : index
    %get3A_13 = vector.load %arg4[%get3A_11, %get3A_12] : memref<1x128xf32, #tpu.memory_space<vmem>>, vector<1x128xf32>
    %add3A = arith.constant 9.99999974E-6 : f32
    %add3A_14 = vector.broadcast %add3A : f32 to vector<1x128xf32>
    %add3A_15 = arith.addf %get3A_13, %add3A_14 : vector<1x128xf32>
    %sqrt3A = math.sqrt %add3A_15 : vector<1x128xf32>
    %div3A = vector.broadcast %sqrt3A : vector<1x128xf32> to vector<2048x128xf32>
    %div3A_16 = arith.divf %mul3A_10, %div3A : vector<2048x128xf32>
    %get3A_17 = arith.constant 0 : index
    %get3A_18 = arith.constant 0 : index
    %get3A_19 = vector.load %arg6[%get3A_17, %get3A_18] : memref<1x128xf32, #tpu.memory_space<vmem>>, vector<1x128xf32>
    %add3A_20 = vector.broadcast %get3A_19 : vector<1x128xf32> to vector<2048x128xf32>
    %add3A_21 = arith.addf %div3A_16, %add3A_20 : vector<2048x128xf32>
    %max3A = arith.constant 0.000000e+00 : f32
    %max3A_22 = vector.broadcast %max3A : f32 to vector<2048x128xf32>
    %max3A_23 = arith.maximumf %add3A_21, %max3A_22 : vector<2048x128xf32>
    %get3A_24 = arith.constant 0 : index
    %get3A_25 = arith.constant 0 : index
    %get3A_26 = vector.load %arg7[%get3A_24, %get3A_25] : memref<128x3xf32, #tpu.memory_space<vmem>>, vector<128x3xf32>
    %dot_general3A = arith.constant dense<0.000000e+00> : vector<2048x3xf32>
    %dot_general3A_27 = tpu.matmul %max3A_23, %get3A_26, %dot_general3A {dimension_numbers = #tpu.dot_dimension_numbers<[1], [0], [0], [1], [0, 0, 1, 1], [], []>, transpose_lhs_hint = false} : vector<2048x128xf32>, vector<128x3xf32>, vector<2048x3xf32> -> vector<2048x3xf32>
    %get3A_28 = arith.constant 0 : index
    %get3A_29 = arith.constant 0 : index
    %get3A_30 = vector.load %arg8[%get3A_28, %get3A_29] : memref<1x3xf32, #tpu.memory_space<vmem>>, vector<1x3xf32>
    %add3A_31 = vector.broadcast %get3A_30 : vector<1x3xf32> to vector<2048x3xf32>
    %add3A_32 = arith.addf %dot_general3A_27, %add3A_31 : vector<2048x3xf32>
    %get3A_33 = arith.constant 0 : index
    %get3A_34 = arith.constant 0 : index
    %get3A_35 = vector.load %arg9[%get3A_33, %get3A_34] : memref<128x3xf32, #tpu.memory_space<vmem>>, vector<128x3xf32>
    %dot_general3A_36 = arith.constant dense<0.000000e+00> : vector<2048x3xf32>
    %dot_general3A_37 = tpu.matmul %max3A_23, %get3A_35, %dot_general3A_36 {dimension_numbers = #tpu.dot_dimension_numbers<[1], [0], [0], [1], [0, 0, 1, 1], [], []>, transpose_lhs_hint = false} : vector<2048x128xf32>, vector<128x3xf32>, vector<2048x3xf32> -> vector<2048x3xf32>
    %get3A_38 = arith.constant 0 : index
    %get3A_39 = arith.constant 0 : index
    %get3A_40 = vector.load %arg10[%get3A_38, %get3A_39] : memref<1x3xf32, #tpu.memory_space<vmem>>, vector<1x3xf32>
    %add3A_41 = vector.broadcast %get3A_40 : vector<1x3xf32> to vector<2048x3xf32>
    %add3A_42 = arith.addf %dot_general3A_37, %add3A_41 : vector<2048x3xf32>
    %reshape3A_43 = vector.shape_cast %add3A_32 : vector<2048x3xf32> to vector<1x2048x3xf32>
    %swap3A = arith.constant 0 : index
    %swap3A_44 = arith.constant 0 : index
    %swap3A_45 = arith.constant 0 : index
    %swap3A_46 = vector.load %arg11[%swap3A, %swap3A_44, %swap3A_45] : memref<1x2048x3xf32, #tpu.memory_space<vmem>>, vector<1x2048x3xf32>
    tpu.vector_store %arg11[%swap3A, %swap3A_44, %swap3A_45], %reshape3A_43 {strides = array<i32>} : memref<1x2048x3xf32, #tpu.memory_space<vmem>>, vector<1x2048x3xf32>,
    %reshape3A_47 = vector.shape_cast %add3A_42 : vector<2048x3xf32> to vector<1x2048x3xf32>
    %swap3A_48 = arith.constant 0 : index
    %swap3A_49 = arith.constant 0 : index
    %swap3A_50 = arith.constant 0 : index
    %swap3A_51 = vector.load %arg12[%swap3A_48, %swap3A_49, %swap3A_50] : memref<1x2048x3xf32, #tpu.memory_space<vmem>>, vector<1x2048x3xf32>
    tpu.vector_store %arg12[%swap3A_48, %swap3A_49, %swap3A_50], %reshape3A_47 {strides = array<i32>} : memref<1x2048x3xf32, #tpu.memory_space<vmem>>, vector<1x2048x3xf32>,
    return
  }
  func.func @transform_0(%arg0: i32, %arg1: i32) -> (i32, i32, i32) {
    %c0_i32 = arith.constant 0 : i32
    %c0_i32_0 = arith.constant 0 : i32
    return %arg0, %arg1, %c0_i32 : i32, i32, i32
  }
  func.func @transform_1(%arg0: i32, %arg1: i32) -> (i32, i32) {
    %c0_i32 = arith.constant 0 : i32
    %c0_i32_0 = arith.constant 0 : i32
    %c0_i32_1 = arith.constant 0 : i32
    return %c0_i32, %c0_i32_0 : i32, i32
  }
  func.func @transform_2(%arg0: i32, %arg1: i32) -> (i32, i32) {
    %c0_i32 = arith.constant 0 : i32
    %c0_i32_0 = arith.constant 0 : i32
    %c0_i32_1 = arith.constant 0 : i32
    return %c0_i32, %c0_i32_0 : i32, i32
  }
  func.func @transform_3(%arg0: i32, %arg1: i32) -> (i32, i32) {
    %c0_i32 = arith.constant 0 : i32
    %c0_i32_0 = arith.constant 0 : i32
    %c0_i32_1 = arith.constant 0 : i32
    return %c0_i32, %c0_i32_0 : i32, i32
  }
  func.func @transform_4(%arg0: i32, %arg1: i32) -> (i32, i32) {
    %c0_i32 = arith.constant 0 : i32
    %c0_i32_0 = arith.constant 0 : i32
    %c0_i32_1 = arith.constant 0 : i32
    return %c0_i32, %c0_i32_0 : i32, i32
  }
  func.func @transform_5(%arg0: i32, %arg1: i32) -> (i32, i32) {
    %c0_i32 = arith.constant 0 : i32
    %c0_i32_0 = arith.constant 0 : i32
    %c0_i32_1 = arith.constant 0 : i32
    return %c0_i32, %c0_i32_0 : i32, i32
  }
  func.func @transform_6(%arg0: i32, %arg1: i32) -> (i32, i32) {
    %c0_i32 = arith.constant 0 : i32
    %c0_i32_0 = arith.constant 0 : i32
    %c0_i32_1 = arith.constant 0 : i32
    return %c0_i32, %c0_i32_0 : i32, i32
  }
  func.func @transform_7(%arg0: i32, %arg1: i32) -> (i32, i32) {
    %c0_i32 = arith.constant 0 : i32
    %c0_i32_0 = arith.constant 0 : i32
    %c0_i32_1 = arith.constant 0 : i32
    return %c0_i32, %c0_i32_0 : i32, i32
  }
  func.func @transform_8(%arg0: i32, %arg1: i32) -> (i32, i32) {
    %c0_i32 = arith.constant 0 : i32
    %c0_i32_0 = arith.constant 0 : i32
    %c0_i32_1 = arith.constant 0 : i32
    return %c0_i32, %c0_i32_0 : i32, i32
  }
  func.func @transform_9(%arg0: i32, %arg1: i32) -> (i32, i32, i32) {
    %c0_i32 = arith.constant 0 : i32
    %c0_i32_0 = arith.constant 0 : i32
    return %arg0, %arg1, %c0_i32 : i32, i32, i32
  }
  func.func @transform_10(%arg0: i32, %arg1: i32) -> (i32, i32, i32) {
    %c0_i32 = arith.constant 0 : i32
    %c0_i32_0 = arith.constant 0 : i32
    return %arg0, %arg1, %c0_i32 : i32, i32, i32
  }
}

</mosaic_0001>

<sc_bundles>
// kernel: sparse-core-data-format-call.cloned.1.call-start
scs
called_computation_lowered:
.L_overlay_start_0:
0x0: {  	s1 =	sld [smem:$0x3FD9]  }
0x1: {  	s2 =	sld [smem:$0x3FFE];
	_ =	sdelay $0x1  }
0x2: {  	s3 =	srdreg.scid  }
0x3: {  	s0 =	sand.u32 $0x1, s3  }
0x4: {  	s17 =	sshll.u32 s0, $0xA;
	s1 =	sadd.s32 s2, s1  }
0x5: {  	s1 =	sadd.s32 s1, s17  }
0x6: {  	[smem:$0x3F67] =	sst s1  }
0x7: {  	_ = 	snop  }
0x8: {  	(tm) =	ssettm $0x1  }
0x9: {  	s18 =	sld [smem:$0x3FFB];
	_ =	sdelay $0x3  }
0xa: {  	_ =	strace s18  }
0xb: {  	s1 =	sld [smem:$0x3FFC];
	_ =	sdelay $0x3  }
0xc: {  	_ =	strace s1  }
0xd: {  	s1 =	sld [smem:$0x3FFD];
	_ =	sdelay $0x3  }
0xe: {  	_ =	strace s1  }
0xf: {  	_ =	strace $0x8FFFFFFF  }
0x10: {  	s19 =	sld [smem:$0x3FDB];
	_ =	sdelay $0x1  }
0x11: {  	s20 =	simm.s32 $_scs_section_size  }
0x12: {  	s4 =	simm.s32 $_size__tile_overlayer_lowered;
	s5 =	simm.s32 $_tile_overlayer_lowered  }
0x13: {  	s23 =	simm.s32 $0x1BFF;
	s22 =	sshll.u32 s5, $0x1;
	s1 =	sadd.s32 s20, s19  }
0x14: {  	s6 =	simm.s32 $0x0;
	s21 =	sshll.u32 s4, $0x1;
	s4 =	sadd.s32 s22, s1  }
0x15: {  	[timem:s6], [sflag:s23] =	dma.local [hbm:s4], s21  }
0x16: {  	_ =	swait.ge [sflag:s23], s21  }
0x17: {  	s2 =	ssub.s32 $0x0, s21;
	[sflag:s23] =	ssyncset.done $0x0  }
0x18: {  	[sflag:s23] =	ssyncadd.s32 s2;
	_ =	sdelay $0x1  }
0x19: {  	s24 =	simm.s32 $0x1B8B  }
0x1a: {  	_ =	swait.ge [sflag:s24], $0x1  }
0x1b: {  	[sflag:s24] =	ssyncset.done $0x0  }
0x1c: {  	s26 =	simm.s32 $0x1B8E;
	s25 =	sld [smem:$0x3FFE];
	[sflag:s24] =	ssyncadd.s32 $0xFFFFFFFF  }
0x1d: {  	s27 =	simm.s32 $execute0_lowered;
	[smem:$0x3FD2] =	sst s26  }
0x1e: {  	s4 =	sshll.u32 s27, $0x1;
	_ =	strace $0x80000046;
	[dreg:$0x1] =	wrdreg $0xFFFFFFFF  }
0x1f: {  	s28 =	simm.s32 $_size_execute0_lowered;
	s1 =	sadd.s32 s1, s4;
	[dreg:$0x0] =	wrdreg $0x0  }
0x20: {  	s4 =	sshll.u32 s28, $0x1;
	[dreg:$0x2] =	wrdreg s1  }
0x21: {  	[dreg:$0x3] =	wrdreg s4  }
0x22: {  	[dreg:$0x4] =	wrdreg $0xC0  }
0x23: {  	_ =	task [dreg:s6], $0x5FFFF  }
0x24: {  	[dreg:$0x1] =	wrdreg $0xFFFFFFFF  }
0x25: {  	[dreg:$0x0] =	wrdreg $0x60  }
0x26: {  	[dreg:$0x2] =	wrdreg s25  }
0x27: {  	[dreg:$0x3] =	wrdreg $0x9  }
0x28: {  	_ =	task.clear_ibuf [dreg:s6], $0x4FFFF;
	_ =	strace $0x90000046  }
0x29: {  	s29 =	simm.s32 $0x9;
	_ =	strace $0x80000048  }
0x2a: {  	_ =	swait.ge [sflag:s29], $0x1  }
0x2b: {  	[sflag:s29] =	ssyncadd.s32 $0xFFFFFFFF  }
0x2c: {  	_ =	strace $0x90000048  }
0x2d: {  	_ =	sfence  }
0x2e: {  	s30 =	sld [smem:$0x0];
	_ =	sdelay $0x2  }
0x2f: {  	s31 =	sshll.u32 s3, $0xD;
	s3 =	sshrl.u32 s3, $0x2  }
0x30: {  	s2 =	sand.u32 $0x4000, s31;
	s1 =	sadd.s32 s3, s30  }
0x31: {  	s0 =	sor.u32 s2, s0;
	s1 =	sshll.u32 s1, $0x11  }
0x32: {  	s0 =	sor.u32 s1, s0  }
0x33: {  	s0 =	sadd.s32 $0x8F2B, s0  }
0x34: {  	[sflag:s0] =	ssyncadd.remote.s32 $0x1  }
0x35: {  	_ =	sfence.sel $0xFFFF  }
0x36: {  	[dreg:$0x0] =	wrdreg $0xFFFFFFFF;
	(pc) =	sbr.abs _section_cstart, $3  }
0x37: {  	[dreg:$0x1] =	wrdreg $0xFFFFFFFF  }
0x38: {  	_ =	task.clear_ibuf [dreg:s6], $0x2FFFF;
	_ =	strace $0x9FFFFFFF  }
0x39: {  	(tm) =	ssettm $0x7FFFFFFF  }
tec
execute0_lowered:
.L_overlay_start_1:
0x0: {  	(tag) =	ssettag $0x1  }
0x1: {  	s0 =	stileid.u32;
	s1 =	srdreg.scid  }
0x2: {  	s4 =	rddreg [dreg:$0x0];
	s7 =	simm.s32 $0x1;
	s31 =	simm.s32 $0x2  }
0x3: {  	s16 =	simm.s32 $0x0;
	s2 =	sshll.u32 s0, $0x4;
	s1 =	sshll.u32 s1, $0x8  }
0x4: {  	s9 =	simm.s32 $0x8000;
	s14 =	simm.s32 $0x0;
	s1 =	sor.u32 s2, s1  }
0x5: {  	s15 =	simm.s32 $0x0;
	s10 =	simm.s32 $0x0;
	s2 =	sand.u32 $0x180, s1  }
0x6: {  	s13 =	simm.s32 $0x0;
	s3 =	sadd.s32 $0x10200, s4;
	s5 =	ssub.s32 $0x1000, s2  }
0x7: {  	s4 =	sadd.s32 $0x210200, s4;
	s1 =	rddreg [dreg:$0x1];
	s6 =	sand.u32 $0x180, s5  }
.Ltmp0:
0x8: {  	_ =	strace $0x80000047;
	p0 =	sne.s32 s6, $0x0;
	(pc) =	sbr.rel .LBB1_1-.Ltmp0, $4  }
0x9: {  	s11 =	smov.u32 s2;
	s8 =	sshrl.u32 s5, $0x9;
	s7 =	simm.s32 @!p0 $0x0  }
0xa: {  	s5 =	sand.u32 $0x7, s0;
	s6 =	simm.s32 $0x1;
	s7 =	sadd.s32 s7, s8  }
0xb: {  	s12 =	smov.u32 s5;
	[sflag:s6] =	ssyncpa.u1 $0x0;
	s7 =	sshll.u32 s7, $0x2  }
0xc: {  	p0 =	por $0x0, $0x0;
	[sflag:s31] =	ssyncpa.u1 $0x0;
	s8 =	sor.u32 $0x1, s7  }
.LBB1_4:
0xd: {  	v5 =	vld [tilespmem:s19+$0xFFFFFFD0]  }
0xe: {  	[tilespmem:s20+$0x2040 ss:$0x81] =	vst.msk $0xffff, v1;
	v58 =	vld [tilespmem:s19+$0xFFFFFFE0]  }
0xf: {  	[tilespmem:s20+$0x2850 ss:$0x81] =	vst.msk $0xffff, v2;
	v59 =	vld [tilespmem:s19+$0xFFFFFFF0]  }
0x10: {  	s21 =	sshra.s32 s21, $0x2;
	[tilespmem:s20+$0x3060 ss:$0x81] =	vst.msk $0xffff, v3;
	v60 =	vld [tilespmem:s19+$0x0]  }
0x11: {  	[tilespmem:s20+$0x0 ss:$0x81] =	vst.msk $0xffff, v0;
	v61 =	vld [tilespmem:s19+$0x10];
	s18 =	sadd.s32 s21, s18  }
0x12: {  	s26 =	sshll.u32 s16, $0xC;
	v62 =	vld [tilespmem:s19+$0x20];
	[tilespmem:s18+$0x3870 ss:$0x81] =	vst.msk $0xffff, v4  }
0x13: {  	s27 =	sand.u32 $0x78, s14;
	s22 =	sshll.u32 s14, $0x3;
	v63 =	vld [tilespmem:s19+$0xFFFFFFC0];
	s29 =	sshll.u32 s16, $0x7;
	[tilespmem:s18+$0x810 ss:$0x81] =	vst.msk $0xffff, v5  }
0x14: {  	s15 =	sshll.u32 s15, $0x12;
	s20 =	sand.u32 $0x1F8000, s26;
	s28 =	sand.u32 $0x1FFC00, s22;
	[tilespmem:s18+$0x1020 ss:$0x81] =	vst.msk $0xffff, v58  }
0x15: {  	s31 =	sand.u32 $0x7, s14;
	s22 =	sand.u32 $0xC00, s22;
	s19 =	sadd.s32 s28, s20;
	[tilespmem:s18+$0x1830 ss:$0x81] =	vst.msk $0xffff, v59  }
0x16: {  	s16 =	sand.u32 $0x380, s29;
	s30 =	sor.u32 s27, s22;
	s19 =	sshrl.u32 s19, $0x3;
	[tilespmem:s18+$0x2040 ss:$0x81] =	vst.msk $0xffff, v60  }
0x17: {  	s15 =	sadd.s32 s4, s15;
	s16 =	sor.u32 s16, s30;
	s19 =	sand.u32 $0x3FE00, s19;
	[tilespmem:s18+$0x2850 ss:$0x81] =	vst.msk $0xffff, v61  }
0x18: {  	s14 =	sshll.u32 s31, $0x12;
	s16 =	sshrl.u32 s16, $0x3;
	[tilespmem:s18+$0x3060 ss:$0x81] =	vst.msk $0xffff, v62;
	s15 =	sadd.s32 s19, s15  }
0x19: {  	s14 =	sor.u32 $0x400, s14;
	[tilespmem:s18+$0x0 ss:$0x81] =	vst.msk $0xffff, v63;
	s15 =	sadd.s32 s16, s15  }
0x1a: {  	[hbm4b:s15+s14] =	stream.strided.scatter [tilespmem:s17], [sflag:$0x2], $0x4000, s9, s14, $0x20;
	[tilespmem:$0x10100] =	vst v63  }
.LBB1_5:
0x1b: {  	s17 =	sadd.s32 $0x80, s10  }
0x1c: {  	s14 =	sadd.s32 $0x200, s11;
	s18 =	smov.u32 s11;
	p2 =	sgt.s32 s17, $0x1FF  }
0x1d: {  	s18 =	smov.u32 @p2 s14  }
0x1e: {  	s20 =	smov.u32 s12;
	s14 =	sadd.s32 $0x8, s12;
	p3 =	sgt.s32 s18, $0xFFF  }
0x1f: {  	s20 =	smov.u32 @p3 s14  }
0x20: {  	s17 =	simm.s32 @p2 $0x0;
	p2 =	sgt.s32 s20, $0x7  }
0x21: {  	p1 =	slt.u32 s13, $0x2;
	s20 =	smov.u32 @p2 s5;
	p2 =	sne.s32 s13, s8  }
.Ltmp1:
0x22: {  	s19 =	simm.s32 @!p1 $0x2;
	(pc) =	sbr.rel @!p2 .LBB1_6-.Ltmp1, $4  }
0x23: {  	s16 =	smov.u32 s10;
	s15 =	smov.u32 s12;
	_ =	swait.ge @!p1 [sflag:s19], $0x4000  }
0x24: {  	p0 =	por !p0, !p0;
	[sflag:s19] =	ssyncset.done @!p1 $0x0;
	s10 =	smov.u32 s17  }
0x25: {  	s18 =	smov.u32 @p3 s2;
	s14 =	smov.u32 s11;
	[sflag:s19] =	ssyncadd.s32 @!p1 $0xFFFFC000  }
0x26: {  	s11 =	smov.u32 s18;
	s13 =	sadd.s32 $0x1, s13;
	s12 =	smov.u32 s20  }
.LBB1_1:
0x27: {  	p1 =	sge.u32 s13, s7  }
0x28: {  	s31 =	sadd.s32 $0xFFFFFFFF, s13;
	s17 =	sxor.u32 @!p1 $0xFFFFFFFF, s13  }
0x29: {  	s18 =	sshll.u32 @!p1 s11, $0x9;
	s19 =	sshll.u32 @!p1 s10, $0x3;
	s20 =	sshll.u32 @!p1 s11, $0x7  }
0x2a: {  	s21 =	sand.u32 @!p1 $0x78, s10;
	s18 =	sand.u32 @!p1 $0x1FF000, s18;
	s19 =	sand.u32 @!p1 $0x1FFC00, s19  }
0x2b: {  	s17 =	sshll.u32 @!p1 s17, $0xE;
	s18 =	sadd.s32 @!p1 s18, s19;
	s19 =	sand.u32 @!p1 $0x200, s20  }
0x2c: {  	s17 =	sand.u32 @!p1 $0x4000, s17;
	s18 =	sor.u32 @!p1 s19, s18;
	s19 =	sand.u32 @!p1 $0x180, s20  }
0x2d: {  	s20 =	sshll.u32 @!p1 s12, $0x12;
	s19 =	sor.u32 @!p1 s21, s19;
	s18 =	sshrl.u32 @!p1 s18, $0x3  }
0x2e: {  	s20 =	sadd.s32 @!p1 s3, s20;
	s21 =	sand.u32 @!p1 $0x7, s10;
	s19 =	sshrl.u32 @!p1 s19, $0x3  }
0x2f: {  	s18 =	sand.u32 @!p1 $0x3FFC0, s18;
	s19 =	sadd.s32 @!p1 s19, s20;
	s20 =	sshll.u32 @!p1 s21, $0x12  }
0x30: {  	s18 =	sadd.s32 @!p1 s18, s19;
	s19 =	sor.u32 @!p1 $0x400, s20;
	s20 =	simm.s32 @!p1 $0x1000  }
0x31: {  	[tilespmem:s17], [sflag:$0x1] =	stream.strided.gather @!p1 [hbm4b:s18+s19], $0x4000, s20, s19, $0x38;
	[tilespmem:$0x10100] =	vst v63  }
0x32: {  	p1 =	sge.u32 s31, s7  }
.Ltmp2:
0x33: {  	_ = 	snop;
	(pc) =	sbr.rel @p1 .LBB1_5-.Ltmp2, $1  }
0x34: {  	_ =	sdelay $0x3  }
0x35: {  	s17 =	simm.s32 $0x1  }
0x36: {  	_ =	swait.ge [sflag:s6], $0x4000;
	s17 =	simm.s32 @!p0 $0x0  }
0x37: {  	[sflag:s6] =	ssyncset.done $0x0;
	s18 =	sshll.u32 s17, $0xE  }
0x38: {  	[sflag:s6] =	ssyncadd.s32 $0xFFFFC000;
	s19 =	sor.u32 $0x40, s18  }
0x39: {  	s17 =	smul.u32 $0x10200, s17;
	v0 =	vld [tilespmem:s19+$0x30]  }
0x3a: {  	v3 =	vld [tilespmem:s19+$0xFFFFFFD0]  }
0x3b: {  	s17 =	sshrl.u32 s17, $0x2;
	v4 =	vld [tilespmem:s19+$0xFFFFFFE0]  }
0x3c: {  	v5 =	vld [tilespmem:s19+$0xFFFFFFF0];
	s18 =	sor.u32 $0x8000, s17  }
0x3d: {  	s31 =	sand.u32 $0x1, s13;
	v1 =	vld [tilespmem:s19+$0x0];
	s20 =	sadd.s32 $0x0, s18  }
0x3e: {  	v2 =	vld [tilespmem:s19+$0x10];
	s17 =	smul.u32 $0x10200, s31;
	[tilespmem:s20+$0x3870 ss:$0x81] =	vst.msk $0xffff, v0  }
0x3f: {  	[tilespmem:s20+$0x810 ss:$0x81] =	vst.msk $0xffff, v3;
	v3 =	vld [tilespmem:s19+$0x20]  }
0x40: {  	s17 =	sshrl.u32 s17, $0x2;
	v0 =	vld [tilespmem:s19+$0xFFFFFFC0];
	[tilespmem:s20+$0x1020 ss:$0x81] =	vst.msk $0xffff, v4;
	s19 =	sadd.s32 $0x80, s19  }
0x41: {  	s21 =	simm.s32 $0x4;
	s22 =	simm.s32 $0x8;
	s17 =	sor.u32 $0x8000, s17;
	[tilespmem:s20+$0x1830 ss:$0x81] =	vst.msk $0xffff, v5;
	v4 =	vld [tilespmem:s19+$0x30]  }
.LBB1_3:
0x42: {  	p1 =	sne.s32 s22, $0x1FC;
	v5 =	vld [tilespmem:s19+$0xFFFFFFD0];
	[tilespmem:s20+$0x2040 ss:$0x81] =	vst.msk $0xffff, v1  }
0x43: {  	v6 =	vld [tilespmem:s19+$0xFFFFFFE0];
	[tilespmem:s20+$0x2850 ss:$0x81] =	vst.msk $0xffff, v2  }
0x44: {  	s23 =	sshra.s32 s21, $0x2;
	s21 =	smov.u32 s22;
	v7 =	vld [tilespmem:s19+$0xFFFFFFF0];
	[tilespmem:s20+$0x3060 ss:$0x81] =	vst.msk $0xffff, v3  }
.Ltmp3:
0x45: {  	v1 =	vld [tilespmem:s19+$0x0];
	[tilespmem:s20+$0x0 ss:$0x81] =	vst.msk $0xffff, v0;
	s20 =	sadd.s32 s23, s18;
	(pc) =	sbr.rel @p1 .LBB1_3-.Ltmp3, $4  }
0x46: {  	v2 =	vld [tilespmem:s19+$0x10];
	[tilespmem:s20+$0x3870 ss:$0x81] =	vst.msk $0xffff, v4  }
0x47: {  	[tilespmem:s20+$0x810 ss:$0x81] =	vst.msk $0xffff, v5;
	v3 =	vld [tilespmem:s19+$0x20]  }
0x48: {  	v0 =	vld [tilespmem:s19+$0xFFFFFFC0];
	[tilespmem:s20+$0x1020 ss:$0x81] =	vst.msk $0xffff, v6;
	s19 =	sadd.s32 $0x80, s19  }
0x49: {  	s22 =	sadd.s32 $0x4, s22;
	v4 =	vld [tilespmem:s19+$0x30];
	[tilespmem:s20+$0x1830 ss:$0x81] =	vst.msk $0xffff, v7  }
.Ltmp4:
0x4a: {  	_ = 	snop;
	(pc) =	sbr.rel .LBB1_4-.Ltmp4, $1  }
0x4b: {  	_ =	sdelay $0x3  }
.LBB1_6:
0x4c: {  	_ =	sfence.sel $0x180000  }
0x4d: {  	s2 =	simm.s32 $0x1;
	[bflag:$0x0] =	sbarrier.arrive $0xFFFF  }
0x4e: {  	s31 =	simm.s32 $0x2;
	[sflag:s2] =	ssyncpa.u1 $0x1  }
0x4f: {  	[sflag:s31] =	ssyncpa.u1 $0x1  }
0x50: {  	p0 =	sne.s32 s0, $0x0;
	_ =	strace $0x90000047  }
0x51: {  	s0 =	sadd.s32 @!p0 $0x100000, s1;
	[bflag:$0x2] =	sbarrier.arrive $0xFFFF  }
0x52: {  	[sflag:s0] =	ssyncadd.tile.s32 @!p0 $0x1;
	_ =	shalt  }
.Lfunc_end1:
_tile_overlayer_lowered:
.L_overlay_start_2:
0x53: {  	(tag) =	ssettag $0x2  }
0x54: {  	s0 =	rddreg [dreg:$0x0];
	s2 =	stileid.u32  }
0x55: {  	s1 =	rddreg [dreg:$0x1];
	p0 =	sne.s32 s2, $0x0  }
0x56: {  	s3 =	rddreg [dreg:$0x2];
	[bflag:$0x3] =	sbarrier.arrive $0xFFFF;
	s2 =	simm.s32 @!p0 $0x1C01  }
0x57: {  	[timem:s3], [sflag:s2] =	dma.local @!p0 [hbm:s0], s1  }
0x58: {  	s0 =	simm.s32 @!p0 $0x1  }
0x59: {  	_ =	swait.ge @!p0 [sflag:s0], s1  }
0x5a: {  	s1 =	ssub.s32 @!p0 $0x0, s1;
	[sflag:s0] =	ssyncset.done @!p0 $0x0  }
0x5b: {  	[sflag:s0] =	ssyncadd.s32 @!p0 s1  }
0x5c: {  	[bflag:$0x3] =	sbarrier.arrive $0xFFFF  }
0x5d: {  	_ =	shalt  }

</sc_bundles>
